<compile_context>
chip_gen: v7x
topology: tpu7x:2x2x1
jax: 0.10.2.dev20260603
libtpu: 0.0.44.dev20260713+nightly
codegen_flags: <defaults>
</compile_context>

<pallas_src>
import functools

import jax
import jax.numpy as jnp
from jax import lax
from jax.experimental import pallas as pl
from jax.experimental.pallas import tpu as pltpu
from jax.experimental.pallas import tpu_sc as plsc

N = 10000
E = 320000
D_IN = 128
D_H = 64
D_OUT = 19

N_PAD = 10112
NC, NS = 2, 16
NW = NC * NS
CH = 128
CPW = 80
MC = 8
NM = CPW // MC
E_PAD = NW * CPW * CH
RPT = N_PAD // NS
GW = 128


def _mask_rows(a):
    row = lax.broadcasted_iota(jnp.int32, a.shape, 0)
    return jnp.where(row < N, a, 0.0)


def _tc_in_body(x_ref, wfc_ref, bfc_ref, wnbr_ref, wroot_ref, b_ref, g_ref, r_ref):
    h = jnp.dot(x_ref[...], wfc_ref[...], preferred_element_type=jnp.float32)
    h = h + bfc_ref[...]
    g_ref[...] = _mask_rows(jnp.dot(h, wnbr_ref[...], preferred_element_type=jnp.float32))
    r_ref[...] = jnp.dot(h, wroot_ref[...], preferred_element_type=jnp.float32) + b_ref[...]


def _tc_mid_body(r_ref_in, parts_ref, wnbr_ref, wroot_ref, b_ref, g_ref, r_ref):
    h = jnp.tanh(r_ref_in[...] + parts_ref[0, :, :D_H] + parts_ref[1, :, :D_H])
    g_ref[...] = _mask_rows(jnp.dot(h, wnbr_ref[...], preferred_element_type=jnp.float32))
    r_ref[...] = jnp.dot(h, wroot_ref[...], preferred_element_type=jnp.float32) + b_ref[...]


def _tc_out_body(r_ref_in, parts_ref, wcat_ref, bcat_ref, out_ref):
    h = jnp.tanh(r_ref_in[...] + parts_ref[0, :, :D_H] + parts_ref[1, :, :D_H])
    out_ref[...] = jnp.dot(h, wcat_ref[...], preferred_element_type=jnp.float32) + bcat_ref[...]


def _sc_conv_body(g_hbm, edges_hbm, zeros_hbm, out_hbm,
                  idx_v, rows_v, agg_sh, gsem0, gsem1, gsem2, gsem3):
    c = lax.axis_index("c")
    s = lax.axis_index("s")
    wid = s * NC + c

    @pl.when(s == 0)
    def _():
        pltpu.sync_copy(zeros_hbm, agg_sh)

    plsc.subcore_barrier()

    HC = CH // 2
    hbuf = [rows_v.at[pl.ds(b * HC, HC)] for b in range(4)]
    sbuf = [rows_v.at[pl.ds(p * CH, CH)] for p in range(2)]
    gsem = [gsem0, gsem1, gsem2, gsem3]

    def g_start(k, half, b):
        pltpu.async_copy(g_hbm.at[idx_v.at[k, pl.ds(half * HC, HC)]],
                         hbuf[b], gsem[b])

    def g_wait(b):
        pltpu.make_async_copy(g_hbm.at[pl.ds(0, HC)], hbuf[b], gsem[b]).wait()

    def body(q, carry):
        pltpu.sync_copy(edges_hbm.at[pl.ds((wid * NM + q) * 2 * MC, 2 * MC)],
                        idx_v)
        g_start(0, 0, 0)
        g_start(0, 1, 1)
        for k in range(MC):
            p = k % 2
            if k + 1 < MC:
                pn = 1 - p
                g_start(k + 1, 0, 2 * pn)
                g_start(k + 1, 1, 2 * pn + 1)
            g_wait(2 * p)
            g_wait(2 * p + 1)
            pltpu.sync_copy(sbuf[p], agg_sh.at[idx_v.at[MC + k]], add=True)
        return carry

    lax.fori_loop(0, NM, body, 0)
    plsc.subcore_barrier()
    pltpu.sync_copy(agg_sh.at[pl.ds(s * RPT, RPT)],
                    out_hbm.at[pl.ds(c * N_PAD + s * RPT, RPT)])


def _sc_conv(g, edges, zeros):
    f = pl.kernel(
        _sc_conv_body,
        out_type=jax.ShapeDtypeStruct((NC * N_PAD, GW), jnp.float32),
        mesh=plsc.VectorSubcoreMesh(core_axis_name="c", subcore_axis_name="s"),
        scratch_types=[
            pltpu.VMEM((2 * MC, CH), jnp.int32),
            pltpu.VMEM((2 * CH, GW), jnp.float32),
            pltpu.VMEM_SHARED((N_PAD, GW), jnp.float32),
            pltpu.SemaphoreType.DMA,
            pltpu.SemaphoreType.DMA,
            pltpu.SemaphoreType.DMA,
            pltpu.SemaphoreType.DMA,
        ],
    )
    return f(g, edges, zeros).reshape(NC, N_PAD, GW)


def kernel(x, edge_index, W_fc, b_fc, W_root1, W_nbr1, b1,
           W_root2, W_nbr2, b2, W_logit, b_logit, W_val, b_val):
    x_pad = jnp.concatenate([x, jnp.zeros((N_PAD - N, D_IN), x.dtype)], axis=0)
    fill = jnp.full((E_PAD - E,), N, dtype=jnp.int32)
    src4 = jnp.concatenate([edge_index[0], fill]).reshape(NW, NM, MC, CH)
    dst4 = jnp.concatenate([edge_index[1], fill]).reshape(NW, NM, MC, CH)
    edges = jnp.concatenate([src4, dst4], axis=2).reshape(NW * NM * 2 * MC, CH)
    zeros = jnp.zeros((N_PAD, GW), jnp.float32)

    W_cat = jnp.concatenate([W_logit, W_val], axis=1)
    b_cat = jnp.concatenate([b_logit, b_val]).reshape(1, D_OUT)
    W_nbr1p = jnp.pad(W_nbr1, ((0, 0), (0, GW - D_H)))
    W_nbr2p = jnp.pad(W_nbr2, ((0, 0), (0, GW - D_H)))

    mk2 = functools.partial(
        pl.pallas_call,
        out_shape=[jax.ShapeDtypeStruct((N_PAD, GW), jnp.float32),
                   jax.ShapeDtypeStruct((N_PAD, D_H), jnp.float32)],
    )
    g1, r1 = mk2(_tc_in_body)(x_pad, W_fc, b_fc.reshape(1, D_H),
                              W_nbr1p, W_root1, b1.reshape(1, D_H))
    parts1 = _sc_conv(g1, edges, zeros)
    g2, r2 = mk2(_tc_mid_body)(r1, parts1, W_nbr2p, W_root2, b2.reshape(1, D_H))
    parts2 = _sc_conv(g2, edges, zeros)
    out = pl.pallas_call(
        _tc_out_body,
        out_shape=jax.ShapeDtypeStruct((N_PAD, D_OUT), jnp.float32),
    )(r2, parts2, W_cat, b_cat)
    return out[:N]

# --- scband reference (transcript-rebuilt; emitter-appended) ---
"""Pipeline reference for scband-ray-sparse-obs-graph-64527588655707 (READ-ONLY COPY).

The authoritative reference and input builder live on the scoring server;
editing this copy changes nothing except your own understanding.
"""

import jax, jax.numpy as jnp
import numpy as np

N, E, D_IN, D_H, N_OUT = 10000, 320000, 128, 64, 18

def setup_inputs(seed: int = 0) -> dict:
    key = jax.random.key(seed)
    ks = jax.random.split(key, 16)
    x = jax.random.normal(ks[0], (N, D_IN), dtype=jnp.float32)
    edge_index = jax.random.randint(ks[1], (2, E), 0, N, dtype=jnp.int32)
    s = 0.05
    W_fc = jax.random.normal(ks[2], (D_IN, D_H), dtype=jnp.float32) * s
    b_fc = jnp.zeros((D_H,), dtype=jnp.float32)
    W_root1 = jax.random.normal(ks[3], (D_H, D_H), dtype=jnp.float32) * s
    W_nbr1 = jax.random.normal(ks[4], (D_H, D_H), dtype=jnp.float32) * s
    b1 = jnp.zeros((D_H,), dtype=jnp.float32)
    W_root2 = jax.random.normal(ks[5], (D_H, D_H), dtype=jnp.float32) * s
    W_nbr2 = jax.random.normal(ks[6], (D_H, D_H), dtype=jnp.float32) * s
    b2 = jnp.zeros((D_H,), dtype=jnp.float32)
    W_logit = jax.random.normal(ks[7], (D_H, N_OUT), dtype=jnp.float32) * 0.01
    b_logit = jnp.zeros((N_OUT,), dtype=jnp.float32)
    W_val = jax.random.normal(ks[8], (D_H, 1), dtype=jnp.float32) * 0.01
    b_val = jnp.zeros((1,), dtype=jnp.float32)
    return {"x": x, "edge_index": edge_index, "W_fc": W_fc, "b_fc": b_fc,
            "W_root1": W_root1, "W_nbr1": W_nbr1, "b1": b1,
            "W_root2": W_root2, "W_nbr2": W_nbr2, "b2": b2,
            "W_logit": W_logit, "b_logit": b_logit, "W_val": W_val, "b_val": b_val}

def _graph_conv(h, src, dst, W_root, W_nbr, b):
    # torch_geometric GraphConv: out_i = W_root h_i + W_nbr * sum_{j in N(i)} h_j + b
    agg = jnp.zeros_like(h).at[dst].add(h[src])
    return h @ W_root + agg @ W_nbr + b

def reference(x, edge_index, W_fc, b_fc, W_root1, W_nbr1, b1, W_root2, W_nbr2, b2, W_logit, b_logit, W_val, b_val):
    src = edge_index[0]
    dst = edge_index[1]
    # preprocessor fc
    h = x @ W_fc + b_fc
    # GraphConv -> Tanh -> GraphConv -> Tanh
    h = jnp.tanh(_graph_conv(h, src, dst, W_root1, W_nbr1, b1))
    h = jnp.tanh(_graph_conv(h, src, dst, W_root2, W_nbr2, b2))
    # logit and value branches
    logits = h @ W_logit + b_logit
    val = h @ W_val + b_val
    return jnp.concatenate([logits, val], axis=-1)

if __name__ == "__main__":
    import jax
    _d = setup_inputs()
    print(jax.jit(kernel)(*tuple(_d.values())))

</pallas_src>

<mosaic_0001>
#map = affine_map<(d0, d1) -> (0, 0)>
module attributes {stable_mosaic.version = 14 : i64} {
  func.func @_sc_conv_body(%arg0: i32, %arg1: i32, %arg2: memref<10112x128xf32, #tpu.memory_space<hbm>>, %arg3: memref<5120x128xi32, #tpu.memory_space<hbm>>, %arg4: memref<10112x128xf32, #tpu.memory_space<hbm>>, %arg5: memref<20224x128xf32, #tpu.memory_space<hbm>>, %arg6: memref<16x128xi32, #tpu.memory_space<vmem>>, %arg7: memref<256x128xf32, #tpu.memory_space<vmem>>, %arg8: memref<10112x128xf32, #tpu.memory_space<vmem_shared>>, %arg9: memref<!tpu.dma_semaphore, #tpu.memory_space<semaphore_mem>>, %arg10: memref<!tpu.dma_semaphore, #tpu.memory_space<semaphore_mem>>, %arg11: memref<!tpu.dma_semaphore, #tpu.memory_space<semaphore_mem>>, %arg12: memref<!tpu.dma_semaphore, #tpu.memory_space<semaphore_mem>>) attributes {dimension_semantics = [#tpu.dimension_semantics<core_parallel>, #tpu.dimension_semantics<subcore_parallel>], iteration_bounds = array<i64: 2, 16>, scalar_prefetch = 0 : i64, scratch_operands = 7 : i64, tpu.core_type = #tpu.core_type<sc_vector_subcore>, window_params = [{transform_indices = #map}, {transform_indices = #map}, {transform_indices = #map}, {transform_indices = #map}]} {
    %mul3A = arith.constant 2 : i32
    %mul3A_0 = arith.muli %arg1, %mul3A : i32
    %add3A = arith.addi %mul3A_0, %arg0 : i32
    %eq3A = arith.constant 0 : i32
    %eq3A_1 = arith.cmpi eq, %arg1, %eq3A : i32
    %convert_element_type3A = arith.extui %eq3A_1 : i1 to i32
    %cond3A = arith.constant 0 : i32
    %cond3A_2 = arith.cmpi ne, %convert_element_type3A, %cond3A : i32
    scf.if %cond3A_2 {
      "tpu.region"() ({
        %run_scoped3A = tpu.sem_alloc : memref<!tpu.dma_semaphore, #tpu.memory_space<semaphore_mem>>
        tpu.enqueue_dma source(%arg4 : memref<10112x128xf32, #tpu.memory_space<hbm>>) target(%arg8 : memref<10112x128xf32, #tpu.memory_space<vmem_shared>>) target_semaphore(%run_scoped3A : memref<!tpu.dma_semaphore, #tpu.memory_space<semaphore_mem>>)
        tpu.wait_dma2 semaphore(%run_scoped3A : memref<!tpu.dma_semaphore, #tpu.memory_space<semaphore_mem>>) src(%arg4 : memref<10112x128xf32, #tpu.memory_space<hbm>>) dst(%arg8 : memref<10112x128xf32, #tpu.memory_space<vmem_shared>>)
        tpu.yield
      }) : () -> ()
    } else {
    }
    %barrier3A = arith.constant 0 : index
    tpu.barrier barrier_id(%barrier3A)
    %scan3A = arith.constant 0 : i32
    %scan3A_3 = arith.constant 0 : i32
    %scan3A_4 = arith.constant 10 : i32
    %scan3A_5 = arith.addi %scan3A_3, %scan3A_4 : i32
    %scan3A_6 = arith.constant 1 : i32
    scf.for %scan3A_16 = %scan3A_3 to %scan3A_5 step %scan3A_6  : i32 {
      %mul3A_17 = arith.constant 10 : i32
      %mul3A_18 = arith.muli %add3A, %mul3A_17 : i32
      %add3A_19 = arith.addi %mul3A_18, %scan3A_16 : i32
      %mul3A_20 = arith.constant 2 : i32
      %mul3A_21 = arith.muli %add3A_19, %mul3A_20 : i32
      %mul3A_22 = arith.constant 8 : i32
      %mul3A_23 = arith.muli %mul3A_21, %mul3A_22 : i32
      "tpu.region"() ({
        %run_scoped3A_381 = tpu.sem_alloc : memref<!tpu.dma_semaphore, #tpu.memory_space<semaphore_mem>>
        %dma_start3A_382 = arith.constant 0 : i32
        %dma_start3A_383 = tpu.memref_slice %arg3[%mul3A_23, %dma_start3A_382] : memref<5120x128xi32, #tpu.memory_space<hbm>> -> memref<16x128xi32, #tpu.memory_space<hbm>>
        %dma_start3A_384 = arith.constant 0 : i32
        %dma_start3A_385 = tpu.memref_slice %arg3[%mul3A_23, %dma_start3A_384] : memref<5120x128xi32, #tpu.memory_space<hbm>> -> memref<16x128xi32, #tpu.memory_space<hbm>>
        tpu.enqueue_dma source(%dma_start3A_385 : memref<16x128xi32, #tpu.memory_space<hbm>>) target(%arg6 : memref<16x128xi32, #tpu.memory_space<vmem>>) target_semaphore(%run_scoped3A_381 : memref<!tpu.dma_semaphore, #tpu.memory_space<semaphore_mem>>)
        %dma_wait3A_386 = arith.constant 0 : i32
        %dma_wait3A_387 = tpu.memref_slice %arg3[%mul3A_23, %dma_wait3A_386] : memref<5120x128xi32, #tpu.memory_space<hbm>> -> memref<16x128xi32, #tpu.memory_space<hbm>>
        %dma_wait3A_388 = arith.constant 0 : i32
        %dma_wait3A_389 = tpu.memref_slice %arg3[%mul3A_23, %dma_wait3A_388] : memref<5120x128xi32, #tpu.memory_space<hbm>> -> memref<16x128xi32, #tpu.memory_space<hbm>>
        tpu.wait_dma2 semaphore(%run_scoped3A_381 : memref<!tpu.dma_semaphore, #tpu.memory_space<semaphore_mem>>) src(%dma_wait3A_389 : memref<16x128xi32, #tpu.memory_space<hbm>>) dst(%arg6 : memref<16x128xi32, #tpu.memory_space<vmem>>)
        tpu.yield
      }) : () -> ()
      %dma_start3A = arith.constant 0 : i32
      %dma_start3A_24 = arith.constant 0 : i32
      %dma_start3A_25 = arith.constant 0 : i32
      %dma_start3A_26 = tpu.memref_slice %arg7[%dma_start3A_24, %dma_start3A_25] : memref<256x128xf32, #tpu.memory_space<vmem>> -> memref<64x128xf32, #tpu.memory_space<vmem>>
      %dma_start3A_27 = arith.constant 0 : i32
      %dma_start3A_28 = tpu.memref_slice %arg6[%dma_start3A, %dma_start3A_27] : memref<16x128xi32, #tpu.memory_space<vmem>> -> memref<1x64xi32, #tpu.memory_space<vmem>>
      %dma_start3A_29 = tpu.memref_squeeze %dma_start3A_28 : memref<1x64xi32, #tpu.memory_space<vmem>> -> memref<64xi32, #tpu.memory_space<vmem>>
      %dma_start3A_30 = arith.constant 0 : i32
      %dma_start3A_31 = arith.constant 0 : i32
      %dma_start3A_32 = tpu.memref_slice %arg2[%dma_start3A_30, %dma_start3A_31] : memref<10112x128xf32, #tpu.memory_space<hbm>> -> memref<10112x128xf32, #tpu.memory_space<hbm>>
      tpu.enqueue_indirect_dma source(%dma_start3A_32 : memref<10112x128xf32, #tpu.memory_space<hbm>>) target(%dma_start3A_26 : memref<64x128xf32, #tpu.memory_space<vmem>>) offsets(%dma_start3A_29 : memref<64xi32, #tpu.memory_space<vmem>>) semaphore(%arg9 : memref<!tpu.dma_semaphore, #tpu.memory_space<semaphore_mem>>)
      %dma_start3A_33 = arith.constant 0 : i32
      %dma_start3A_34 = arith.constant 64 : i32
      %dma_start3A_35 = arith.constant 0 : i32
      %dma_start3A_36 = tpu.memref_slice %arg7[%dma_start3A_34, %dma_start3A_35] : memref<256x128xf32, #tpu.memory_space<vmem>> -> memref<64x128xf32, #tpu.memory_space<vmem>>
      %dma_start3A_37 = arith.constant 64 : i32
      %dma_start3A_38 = tpu.memref_slice %arg6[%dma_start3A_33, %dma_start3A_37] : memref<16x128xi32, #tpu.memory_space<vmem>> -> memref<1x64xi32, #tpu.memory_space<vmem>>
      %dma_start3A_39 = tpu.memref_squeeze %dma_start3A_38 : memref<1x64xi32, #tpu.memory_space<vmem>> -> memref<64xi32, #tpu.memory_space<vmem>>
      %dma_start3A_40 = arith.constant 0 : i32
      %dma_start3A_41 = arith.constant 0 : i32
      %dma_start3A_42 = tpu.memref_slice %arg2[%dma_start3A_40, %dma_start3A_41] : memref<10112x128xf32, #tpu.memory_space<hbm>> -> memref<10112x128xf32, #tpu.memory_space<hbm>>
      tpu.enqueue_indirect_dma source(%dma_start3A_42 : memref<10112x128xf32, #tpu.memory_space<hbm>>) target(%dma_start3A_36 : memref<64x128xf32, #tpu.memory_space<vmem>>) offsets(%dma_start3A_39 : memref<64xi32, #tpu.memory_space<vmem>>) semaphore(%arg10 : memref<!tpu.dma_semaphore, #tpu.memory_space<semaphore_mem>>)
      %dma_start3A_43 = arith.constant 1 : i32
      %dma_start3A_44 = arith.constant 128 : i32
      %dma_start3A_45 = arith.constant 0 : i32
      %dma_start3A_46 = tpu.memref_slice %arg7[%dma_start3A_44, %dma_start3A_45] : memref<256x128xf32, #tpu.memory_space<vmem>> -> memref<64x128xf32, #tpu.memory_space<vmem>>
      %dma_start3A_47 = arith.constant 0 : i32
      %dma_start3A_48 = tpu.memref_slice %arg6[%dma_start3A_43, %dma_start3A_47] : memref<16x128xi32, #tpu.memory_space<vmem>> -> memref<1x64xi32, #tpu.memory_space<vmem>>
      %dma_start3A_49 = tpu.memref_squeeze %dma_start3A_48 : memref<1x64xi32, #tpu.memory_space<vmem>> -> memref<64xi32, #tpu.memory_space<vmem>>
      %dma_start3A_50 = arith.constant 0 : i32
      %dma_start3A_51 = arith.constant 0 : i32
      %dma_start3A_52 = tpu.memref_slice %arg2[%dma_start3A_50, %dma_start3A_51] : memref<10112x128xf32, #tpu.memory_space<hbm>> -> memref<10112x128xf32, #tpu.memory_space<hbm>>
      tpu.enqueue_indirect_dma source(%dma_start3A_52 : memref<10112x128xf32, #tpu.memory_space<hbm>>) target(%dma_start3A_46 : memref<64x128xf32, #tpu.memory_space<vmem>>) offsets(%dma_start3A_49 : memref<64xi32, #tpu.memory_space<vmem>>) semaphore(%arg11 : memref<!tpu.dma_semaphore, #tpu.memory_space<semaphore_mem>>)
      %dma_start3A_53 = arith.constant 1 : i32
      %dma_start3A_54 = arith.constant 192 : i32
      %dma_start3A_55 = arith.constant 0 : i32
      %dma_start3A_56 = tpu.memref_slice %arg7[%dma_start3A_54, %dma_start3A_55] : memref<256x128xf32, #tpu.memory_space<vmem>> -> memref<64x128xf32, #tpu.memory_space<vmem>>
      %dma_start3A_57 = arith.constant 64 : i32
      %dma_start3A_58 = tpu.memref_slice %arg6[%dma_start3A_53, %dma_start3A_57] : memref<16x128xi32, #tpu.memory_space<vmem>> -> memref<1x64xi32, #tpu.memory_space<vmem>>
      %dma_start3A_59 = tpu.memref_squeeze %dma_start3A_58 : memref<1x64xi32, #tpu.memory_space<vmem>> -> memref<64xi32, #tpu.memory_space<vmem>>
      %dma_start3A_60 = arith.constant 0 : i32
      %dma_start3A_61 = arith.constant 0 : i32
      %dma_start3A_62 = tpu.memref_slice %arg2[%dma_start3A_60, %dma_start3A_61] : memref<10112x128xf32, #tpu.memory_space<hbm>> -> memref<10112x128xf32, #tpu.memory_space<hbm>>
      tpu.enqueue_indirect_dma source(%dma_start3A_62 : memref<10112x128xf32, #tpu.memory_space<hbm>>) target(%dma_start3A_56 : memref<64x128xf32, #tpu.memory_space<vmem>>) offsets(%dma_start3A_59 : memref<64xi32, #tpu.memory_space<vmem>>) semaphore(%arg12 : memref<!tpu.dma_semaphore, #tpu.memory_space<semaphore_mem>>)
      %dma_wait3A = arith.constant 0 : i32
      %dma_wait3A_63 = arith.constant 0 : i32
      %dma_wait3A_64 = tpu.memref_slice %arg7[%dma_wait3A, %dma_wait3A_63] : memref<256x128xf32, #tpu.memory_space<vmem>> -> memref<64x128xf32, #tpu.memory_space<vmem>>
      %dma_wait3A_65 = arith.constant 0 : i32
      %dma_wait3A_66 = arith.constant 0 : i32
      %dma_wait3A_67 = tpu.memref_slice %arg2[%dma_wait3A_65, %dma_wait3A_66] : memref<10112x128xf32, #tpu.memory_space<hbm>> -> memref<64x128xf32, #tpu.memory_space<hbm>>
      %dma_wait3A_68 = arith.constant 0 : i32
      %dma_wait3A_69 = arith.constant 0 : i32
      %dma_wait3A_70 = tpu.memref_slice %arg7[%dma_wait3A_68, %dma_wait3A_69] : memref<256x128xf32, #tpu.memory_space<vmem>> -> memref<64x128xf32, #tpu.memory_space<vmem>>
      %dma_wait3A_71 = arith.constant 0 : i32
      %dma_wait3A_72 = arith.constant 0 : i32
      %dma_wait3A_73 = tpu.memref_slice %arg2[%dma_wait3A_71, %dma_wait3A_72] : memref<10112x128xf32, #tpu.memory_space<hbm>> -> memref<64x128xf32, #tpu.memory_space<hbm>>
      tpu.wait_dma2 semaphore(%arg9 : memref<!tpu.dma_semaphore, #tpu.memory_space<semaphore_mem>>) src(%dma_wait3A_73 : memref<64x128xf32, #tpu.memory_space<hbm>>) dst(%dma_wait3A_70 : memref<64x128xf32, #tpu.memory_space<vmem>>)
      %dma_wait3A_74 = arith.constant 64 : i32
      %dma_wait3A_75 = arith.constant 0 : i32
      %dma_wait3A_76 = tpu.memref_slice %arg7[%dma_wait3A_74, %dma_wait3A_75] : memref<256x128xf32, #tpu.memory_space<vmem>> -> memref<64x128xf32, #tpu.memory_space<vmem>>
      %dma_wait3A_77 = arith.constant 0 : i32
      %dma_wait3A_78 = arith.constant 0 : i32
      %dma_wait3A_79 = tpu.memref_slice %arg2[%dma_wait3A_77, %dma_wait3A_78] : memref<10112x128xf32, #tpu.memory_space<hbm>> -> memref<64x128xf32, #tpu.memory_space<hbm>>
      %dma_wait3A_80 = arith.constant 64 : i32
      %dma_wait3A_81 = arith.constant 0 : i32
      %dma_wait3A_82 = tpu.memref_slice %arg7[%dma_wait3A_80, %dma_wait3A_81] : memref<256x128xf32, #tpu.memory_space<vmem>> -> memref<64x128xf32, #tpu.memory_space<vmem>>
      %dma_wait3A_83 = arith.constant 0 : i32
      %dma_wait3A_84 = arith.constant 0 : i32
      %dma_wait3A_85 = tpu.memref_slice %arg2[%dma_wait3A_83, %dma_wait3A_84] : memref<10112x128xf32, #tpu.memory_space<hbm>> -> memref<64x128xf32, #tpu.memory_space<hbm>>
      tpu.wait_dma2 semaphore(%arg10 : memref<!tpu.dma_semaphore, #tpu.memory_space<semaphore_mem>>) src(%dma_wait3A_85 : memref<64x128xf32, #tpu.memory_space<hbm>>) dst(%dma_wait3A_82 : memref<64x128xf32, #tpu.memory_space<vmem>>)
      %run_scoped3A = arith.constant 8 : i32
      "tpu.region"() ({
        %run_scoped3A_381 = tpu.sem_alloc : memref<!tpu.dma_semaphore, #tpu.memory_space<semaphore_mem>>
        %dma_start3A_382 = arith.constant 0 : i32
        %dma_start3A_383 = arith.constant 0 : i32
        %dma_start3A_384 = tpu.memref_slice %arg7[%dma_start3A_382, %dma_start3A_383] : memref<256x128xf32, #tpu.memory_space<vmem>> -> memref<128x128xf32, #tpu.memory_space<vmem>>
        %dma_start3A_385 = arith.constant 0 : i32
        %dma_start3A_386 = tpu.memref_slice %arg6[%run_scoped3A, %dma_start3A_385] : memref<16x128xi32, #tpu.memory_space<vmem>> -> memref<1x128xi32, #tpu.memory_space<vmem>>
        %dma_start3A_387 = tpu.memref_squeeze %dma_start3A_386 : memref<1x128xi32, #tpu.memory_space<vmem>> -> memref<128xi32, #tpu.memory_space<vmem>>
        %dma_start3A_388 = arith.constant 0 : i32
        %dma_start3A_389 = arith.constant 0 : i32
        %dma_start3A_390 = tpu.memref_slice %arg8[%dma_start3A_388, %dma_start3A_389] : memref<10112x128xf32, #tpu.memory_space<vmem_shared>> -> memref<10112x128xf32, #tpu.memory_space<vmem_shared>>
        tpu.enqueue_indirect_dma source(%dma_start3A_384 : memref<128x128xf32, #tpu.memory_space<vmem>>) target(%dma_start3A_390 : memref<10112x128xf32, #tpu.memory_space<vmem_shared>>) offsets(%dma_start3A_387 : memref<128xi32, #tpu.memory_space<vmem>>) semaphore(%run_scoped3A_381 : memref<!tpu.dma_semaphore, #tpu.memory_space<semaphore_mem>>) {add = true}
        %dma_wait3A_391 = arith.constant 0 : i32
        %dma_wait3A_392 = arith.constant 0 : i32
        %dma_wait3A_393 = tpu.memref_slice %arg7[%dma_wait3A_391, %dma_wait3A_392] : memref<256x128xf32, #tpu.memory_space<vmem>> -> memref<128x128xf32, #tpu.memory_space<vmem>>
        %dma_wait3A_394 = arith.constant 0 : i32
        %dma_wait3A_395 = tpu.memref_slice %arg6[%run_scoped3A, %dma_wait3A_394] : memref<16x128xi32, #tpu.memory_space<vmem>> -> memref<1x128xi32, #tpu.memory_space<vmem>>
        %dma_wait3A_396 = tpu.memref_squeeze %dma_wait3A_395 : memref<1x128xi32, #tpu.memory_space<vmem>> -> memref<128xi32, #tpu.memory_space<vmem>>
        %dma_wait3A_397 = arith.constant 0 : i32
        %dma_wait3A_398 = arith.constant 0 : i32
        %dma_wait3A_399 = tpu.memref_slice %arg8[%dma_wait3A_397, %dma_wait3A_398] : memref<10112x128xf32, #tpu.memory_space<vmem_shared>> -> memref<10112x128xf32, #tpu.memory_space<vmem_shared>>
        tpu.wait_indirect_dma semaphore(%run_scoped3A_381 : memref<!tpu.dma_semaphore, #tpu.memory_space<semaphore_mem>>) src(%dma_wait3A_393 : memref<128x128xf32, #tpu.memory_space<vmem>>) dst(%dma_wait3A_399 : memref<10112x128xf32, #tpu.memory_space<vmem_shared>>)
        tpu.yield
      }) : () -> ()
      %dma_start3A_86 = arith.constant 2 : i32
      %dma_start3A_87 = arith.constant 0 : i32
      %dma_start3A_88 = arith.constant 0 : i32
      %dma_start3A_89 = tpu.memref_slice %arg7[%dma_start3A_87, %dma_start3A_88] : memref<256x128xf32, #tpu.memory_space<vmem>> -> memref<64x128xf32, #tpu.memory_space<vmem>>
      %dma_start3A_90 = arith.constant 0 : i32
      %dma_start3A_91 = tpu.memref_slice %arg6[%dma_start3A_86, %dma_start3A_90] : memref<16x128xi32, #tpu.memory_space<vmem>> -> memref<1x64xi32, #tpu.memory_space<vmem>>
      %dma_start3A_92 = tpu.memref_squeeze %dma_start3A_91 : memref<1x64xi32, #tpu.memory_space<vmem>> -> memref<64xi32, #tpu.memory_space<vmem>>
      %dma_start3A_93 = arith.constant 0 : i32
      %dma_start3A_94 = arith.constant 0 : i32
      %dma_start3A_95 = tpu.memref_slice %arg2[%dma_start3A_93, %dma_start3A_94] : memref<10112x128xf32, #tpu.memory_space<hbm>> -> memref<10112x128xf32, #tpu.memory_space<hbm>>
      tpu.enqueue_indirect_dma source(%dma_start3A_95 : memref<10112x128xf32, #tpu.memory_space<hbm>>) target(%dma_start3A_89 : memref<64x128xf32, #tpu.memory_space<vmem>>) offsets(%dma_start3A_92 : memref<64xi32, #tpu.memory_space<vmem>>) semaphore(%arg9 : memref<!tpu.dma_semaphore, #tpu.memory_space<semaphore_mem>>)
      %dma_start3A_96 = arith.constant 2 : i32
      %dma_start3A_97 = arith.constant 64 : i32
      %dma_start3A_98 = arith.constant 0 : i32
      %dma_start3A_99 = tpu.memref_slice %arg7[%dma_start3A_97, %dma_start3A_98] : memref<256x128xf32, #tpu.memory_space<vmem>> -> memref<64x128xf32, #tpu.memory_space<vmem>>
      %dma_start3A_100 = arith.constant 64 : i32
      %dma_start3A_101 = tpu.memref_slice %arg6[%dma_start3A_96, %dma_start3A_100] : memref<16x128xi32, #tpu.memory_space<vmem>> -> memref<1x64xi32, #tpu.memory_space<vmem>>
      %dma_start3A_102 = tpu.memref_squeeze %dma_start3A_101 : memref<1x64xi32, #tpu.memory_space<vmem>> -> memref<64xi32, #tpu.memory_space<vmem>>
      %dma_start3A_103 = arith.constant 0 : i32
      %dma_start3A_104 = arith.constant 0 : i32
      %dma_start3A_105 = tpu.memref_slice %arg2[%dma_start3A_103, %dma_start3A_104] : memref<10112x128xf32, #tpu.memory_space<hbm>> -> memref<10112x128xf32, #tpu.memory_space<hbm>>
      tpu.enqueue_indirect_dma source(%dma_start3A_105 : memref<10112x128xf32, #tpu.memory_space<hbm>>) target(%dma_start3A_99 : memref<64x128xf32, #tpu.memory_space<vmem>>) offsets(%dma_start3A_102 : memref<64xi32, #tpu.memory_space<vmem>>) semaphore(%arg10 : memref<!tpu.dma_semaphore, #tpu.memory_space<semaphore_mem>>)
      %dma_wait3A_106 = arith.constant 128 : i32
      %dma_wait3A_107 = arith.constant 0 : i32
      %dma_wait3A_108 = tpu.memref_slice %arg7[%dma_wait3A_106, %dma_wait3A_107] : memref<256x128xf32, #tpu.memory_space<vmem>> -> memref<64x128xf32, #tpu.memory_space<vmem>>
      %dma_wait3A_109 = arith.constant 0 : i32
      %dma_wait3A_110 = arith.constant 0 : i32
      %dma_wait3A_111 = tpu.memref_slice %arg2[%dma_wait3A_109, %dma_wait3A_110] : memref<10112x128xf32, #tpu.memory_space<hbm>> -> memref<64x128xf32, #tpu.memory_space<hbm>>
      %dma_wait3A_112 = arith.constant 128 : i32
      %dma_wait3A_113 = arith.constant 0 : i32
      %dma_wait3A_114 = tpu.memref_slice %arg7[%dma_wait3A_112, %dma_wait3A_113] : memref<256x128xf32, #tpu.memory_space<vmem>> -> memref<64x128xf32, #tpu.memory_space<vmem>>
      %dma_wait3A_115 = arith.constant 0 : i32
      %dma_wait3A_116 = arith.constant 0 : i32
      %dma_wait3A_117 = tpu.memref_slice %arg2[%dma_wait3A_115, %dma_wait3A_116] : memref<10112x128xf32, #tpu.memory_space<hbm>> -> memref<64x128xf32, #tpu.memory_space<hbm>>
      tpu.wait_dma2 semaphore(%arg11 : memref<!tpu.dma_semaphore, #tpu.memory_space<semaphore_mem>>) src(%dma_wait3A_117 : memref<64x128xf32, #tpu.memory_space<hbm>>) dst(%dma_wait3A_114 : memref<64x128xf32, #tpu.memory_space<vmem>>)
      %dma_wait3A_118 = arith.constant 192 : i32
      %dma_wait3A_119 = arith.constant 0 : i32
      %dma_wait3A_120 = tpu.memref_slice %arg7[%dma_wait3A_118, %dma_wait3A_119] : memref<256x128xf32, #tpu.memory_space<vmem>> -> memref<64x128xf32, #tpu.memory_space<vmem>>
      %dma_wait3A_121 = arith.constant 0 : i32
      %dma_wait3A_122 = arith.constant 0 : i32
      %dma_wait3A_123 = tpu.memref_slice %arg2[%dma_wait3A_121, %dma_wait3A_122] : memref<10112x128xf32, #tpu.memory_space<hbm>> -> memref<64x128xf32, #tpu.memory_space<hbm>>
      %dma_wait3A_124 = arith.constant 192 : i32
      %dma_wait3A_125 = arith.constant 0 : i32
      %dma_wait3A_126 = tpu.memref_slice %arg7[%dma_wait3A_124, %dma_wait3A_125] : memref<256x128xf32, #tpu.memory_space<vmem>> -> memref<64x128xf32, #tpu.memory_space<vmem>>
      %dma_wait3A_127 = arith.constant 0 : i32
      %dma_wait3A_128 = arith.constant 0 : i32
      %dma_wait3A_129 = tpu.memref_slice %arg2[%dma_wait3A_127, %dma_wait3A_128] : memref<10112x128xf32, #tpu.memory_space<hbm>> -> memref<64x128xf32, #tpu.memory_space<hbm>>
      tpu.wait_dma2 semaphore(%arg12 : memref<!tpu.dma_semaphore, #tpu.memory_space<semaphore_mem>>) src(%dma_wait3A_129 : memref<64x128xf32, #tpu.memory_space<hbm>>) dst(%dma_wait3A_126 : memref<64x128xf32, #tpu.memory_space<vmem>>)
      %run_scoped3A_130 = arith.constant 9 : i32
      "tpu.region"() ({
        %run_scoped3A_381 = tpu.sem_alloc : memref<!tpu.dma_semaphore, #tpu.memory_space<semaphore_mem>>
        %dma_start3A_382 = arith.constant 128 : i32
        %dma_start3A_383 = arith.constant 0 : i32
        %dma_start3A_384 = tpu.memref_slice %arg7[%dma_start3A_382, %dma_start3A_383] : memref<256x128xf32, #tpu.memory_space<vmem>> -> memref<128x128xf32, #tpu.memory_space<vmem>>
        %dma_start3A_385 = arith.constant 0 : i32
        %dma_start3A_386 = tpu.memref_slice %arg6[%run_scoped3A_130, %dma_start3A_385] : memref<16x128xi32, #tpu.memory_space<vmem>> -> memref<1x128xi32, #tpu.memory_space<vmem>>
        %dma_start3A_387 = tpu.memref_squeeze %dma_start3A_386 : memref<1x128xi32, #tpu.memory_space<vmem>> -> memref<128xi32, #tpu.memory_space<vmem>>
        %dma_start3A_388 = arith.constant 0 : i32
        %dma_start3A_389 = arith.constant 0 : i32
        %dma_start3A_390 = tpu.memref_slice %arg8[%dma_start3A_388, %dma_start3A_389] : memref<10112x128xf32, #tpu.memory_space<vmem_shared>> -> memref<10112x128xf32, #tpu.memory_space<vmem_shared>>
        tpu.enqueue_indirect_dma source(%dma_start3A_384 : memref<128x128xf32, #tpu.memory_space<vmem>>) target(%dma_start3A_390 : memref<10112x128xf32, #tpu.memory_space<vmem_shared>>) offsets(%dma_start3A_387 : memref<128xi32, #tpu.memory_space<vmem>>) semaphore(%run_scoped3A_381 : memref<!tpu.dma_semaphore, #tpu.memory_space<semaphore_mem>>) {add = true}
        %dma_wait3A_391 = arith.constant 128 : i32
        %dma_wait3A_392 = arith.constant 0 : i32
        %dma_wait3A_393 = tpu.memref_slice %arg7[%dma_wait3A_391, %dma_wait3A_392] : memref<256x128xf32, #tpu.memory_space<vmem>> -> memref<128x128xf32, #tpu.memory_space<vmem>>
        %dma_wait3A_394 = arith.constant 0 : i32
        %dma_wait3A_395 = tpu.memref_slice %arg6[%run_scoped3A_130, %dma_wait3A_394] : memref<16x128xi32, #tpu.memory_space<vmem>> -> memref<1x128xi32, #tpu.memory_space<vmem>>
        %dma_wait3A_396 = tpu.memref_squeeze %dma_wait3A_395 : memref<1x128xi32, #tpu.memory_space<vmem>> -> memref<128xi32, #tpu.memory_space<vmem>>
        %dma_wait3A_397 = arith.constant 0 : i32
        %dma_wait3A_398 = arith.constant 0 : i32
        %dma_wait3A_399 = tpu.memref_slice %arg8[%dma_wait3A_397, %dma_wait3A_398] : memref<10112x128xf32, #tpu.memory_space<vmem_shared>> -> memref<10112x128xf32, #tpu.memory_space<vmem_shared>>
        tpu.wait_indirect_dma semaphore(%run_scoped3A_381 : memref<!tpu.dma_semaphore, #tpu.memory_space<semaphore_mem>>) src(%dma_wait3A_393 : memref<128x128xf32, #tpu.memory_space<vmem>>) dst(%dma_wait3A_399 : memref<10112x128xf32, #tpu.memory_space<vmem_shared>>)
        tpu.yield
      }) : () -> ()
      %dma_start3A_131 = arith.constant 3 : i32
      %dma_start3A_132 = arith.constant 128 : i32
      %dma_start3A_133 = arith.constant 0 : i32
      %dma_start3A_134 = tpu.memref_slice %arg7[%dma_start3A_132, %dma_start3A_133] : memref<256x128xf32, #tpu.memory_space<vmem>> -> memref<64x128xf32, #tpu.memory_space<vmem>>
      %dma_start3A_135 = arith.constant 0 : i32
      %dma_start3A_136 = tpu.memref_slice %arg6[%dma_start3A_131, %dma_start3A_135] : memref<16x128xi32, #tpu.memory_space<vmem>> -> memref<1x64xi32, #tpu.memory_space<vmem>>
      %dma_start3A_137 = tpu.memref_squeeze %dma_start3A_136 : memref<1x64xi32, #tpu.memory_space<vmem>> -> memref<64xi32, #tpu.memory_space<vmem>>
      %dma_start3A_138 = arith.constant 0 : i32
      %dma_start3A_139 = arith.constant 0 : i32
      %dma_start3A_140 = tpu.memref_slice %arg2[%dma_start3A_138, %dma_start3A_139] : memref<10112x128xf32, #tpu.memory_space<hbm>> -> memref<10112x128xf32, #tpu.memory_space<hbm>>
      tpu.enqueue_indirect_dma source(%dma_start3A_140 : memref<10112x128xf32, #tpu.memory_space<hbm>>) target(%dma_start3A_134 : memref<64x128xf32, #tpu.memory_space<vmem>>) offsets(%dma_start3A_137 : memref<64xi32, #tpu.memory_space<vmem>>) semaphore(%arg11 : memref<!tpu.dma_semaphore, #tpu.memory_space<semaphore_mem>>)
      %dma_start3A_141 = arith.constant 3 : i32
      %dma_start3A_142 = arith.constant 192 : i32
      %dma_start3A_143 = arith.constant 0 : i32
      %dma_start3A_144 = tpu.memref_slice %arg7[%dma_start3A_142, %dma_start3A_143] : memref<256x128xf32, #tpu.memory_space<vmem>> -> memref<64x128xf32, #tpu.memory_space<vmem>>
      %dma_start3A_145 = arith.constant 64 : i32
      %dma_start3A_146 = tpu.memref_slice %arg6[%dma_start3A_141, %dma_start3A_145] : memref<16x128xi32, #tpu.memory_space<vmem>> -> memref<1x64xi32, #tpu.memory_space<vmem>>
      %dma_start3A_147 = tpu.memref_squeeze %dma_start3A_146 : memref<1x64xi32, #tpu.memory_space<vmem>> -> memref<64xi32, #tpu.memory_space<vmem>>
      %dma_start3A_148 = arith.constant 0 : i32
      %dma_start3A_149 = arith.constant 0 : i32
      %dma_start3A_150 = tpu.memref_slice %arg2[%dma_start3A_148, %dma_start3A_149] : memref<10112x128xf32, #tpu.memory_space<hbm>> -> memref<10112x128xf32, #tpu.memory_space<hbm>>
      tpu.enqueue_indirect_dma source(%dma_start3A_150 : memref<10112x128xf32, #tpu.memory_space<hbm>>) target(%dma_start3A_144 : memref<64x128xf32, #tpu.memory_space<vmem>>) offsets(%dma_start3A_147 : memref<64xi32, #tpu.memory_space<vmem>>) semaphore(%arg12 : memref<!tpu.dma_semaphore, #tpu.memory_space<semaphore_mem>>)
      %dma_wait3A_151 = arith.constant 0 : i32
      %dma_wait3A_152 = arith.constant 0 : i32
      %dma_wait3A_153 = tpu.memref_slice %arg7[%dma_wait3A_151, %dma_wait3A_152] : memref<256x128xf32, #tpu.memory_space<vmem>> -> memref<64x128xf32, #tpu.memory_space<vmem>>
      %dma_wait3A_154 = arith.constant 0 : i32
      %dma_wait3A_155 = arith.constant 0 : i32
      %dma_wait3A_156 = tpu.memref_slice %arg2[%dma_wait3A_154, %dma_wait3A_155] : memref<10112x128xf32, #tpu.memory_space<hbm>> -> memref<64x128xf32, #tpu.memory_space<hbm>>
      %dma_wait3A_157 = arith.constant 0 : i32
      %dma_wait3A_158 = arith.constant 0 : i32
      %dma_wait3A_159 = tpu.memref_slice %arg7[%dma_wait3A_157, %dma_wait3A_158] : memref<256x128xf32, #tpu.memory_space<vmem>> -> memref<64x128xf32, #tpu.memory_space<vmem>>
      %dma_wait3A_160 = arith.constant 0 : i32
      %dma_wait3A_161 = arith.constant 0 : i32
      %dma_wait3A_162 = tpu.memref_slice %arg2[%dma_wait3A_160, %dma_wait3A_161] : memref<10112x128xf32, #tpu.memory_space<hbm>> -> memref<64x128xf32, #tpu.memory_space<hbm>>
      tpu.wait_dma2 semaphore(%arg9 : memref<!tpu.dma_semaphore, #tpu.memory_space<semaphore_mem>>) src(%dma_wait3A_162 : memref<64x128xf32, #tpu.memory_space<hbm>>) dst(%dma_wait3A_159 : memref<64x128xf32, #tpu.memory_space<vmem>>)
      %dma_wait3A_163 = arith.constant 64 : i32
      %dma_wait3A_164 = arith.constant 0 : i32
      %dma_wait3A_165 = tpu.memref_slice %arg7[%dma_wait3A_163, %dma_wait3A_164] : memref<256x128xf32, #tpu.memory_space<vmem>> -> memref<64x128xf32, #tpu.memory_space<vmem>>
      %dma_wait3A_166 = arith.constant 0 : i32
      %dma_wait3A_167 = arith.constant 0 : i32
      %dma_wait3A_168 = tpu.memref_slice %arg2[%dma_wait3A_166, %dma_wait3A_167] : memref<10112x128xf32, #tpu.memory_space<hbm>> -> memref<64x128xf32, #tpu.memory_space<hbm>>
      %dma_wait3A_169 = arith.constant 64 : i32
      %dma_wait3A_170 = arith.constant 0 : i32
      %dma_wait3A_171 = tpu.memref_slice %arg7[%dma_wait3A_169, %dma_wait3A_170] : memref<256x128xf32, #tpu.memory_space<vmem>> -> memref<64x128xf32, #tpu.memory_space<vmem>>
      %dma_wait3A_172 = arith.constant 0 : i32
      %dma_wait3A_173 = arith.constant 0 : i32
      %dma_wait3A_174 = tpu.memref_slice %arg2[%dma_wait3A_172, %dma_wait3A_173] : memref<10112x128xf32, #tpu.memory_space<hbm>> -> memref<64x128xf32, #tpu.memory_space<hbm>>
      tpu.wait_dma2 semaphore(%arg10 : memref<!tpu.dma_semaphore, #tpu.memory_space<semaphore_mem>>) src(%dma_wait3A_174 : memref<64x128xf32, #tpu.memory_space<hbm>>) dst(%dma_wait3A_171 : memref<64x128xf32, #tpu.memory_space<vmem>>)
      %run_scoped3A_175 = arith.constant 10 : i32
      "tpu.region"() ({
        %run_scoped3A_381 = tpu.sem_alloc : memref<!tpu.dma_semaphore, #tpu.memory_space<semaphore_mem>>
        %dma_start3A_382 = arith.constant 0 : i32
        %dma_start3A_383 = arith.constant 0 : i32
        %dma_start3A_384 = tpu.memref_slice %arg7[%dma_start3A_382, %dma_start3A_383] : memref<256x128xf32, #tpu.memory_space<vmem>> -> memref<128x128xf32, #tpu.memory_space<vmem>>
        %dma_start3A_385 = arith.constant 0 : i32
        %dma_start3A_386 = tpu.memref_slice %arg6[%run_scoped3A_175, %dma_start3A_385] : memref<16x128xi32, #tpu.memory_space<vmem>> -> memref<1x128xi32, #tpu.memory_space<vmem>>
        %dma_start3A_387 = tpu.memref_squeeze %dma_start3A_386 : memref<1x128xi32, #tpu.memory_space<vmem>> -> memref<128xi32, #tpu.memory_space<vmem>>
        %dma_start3A_388 = arith.constant 0 : i32
        %dma_start3A_389 = arith.constant 0 : i32
        %dma_start3A_390 = tpu.memref_slice %arg8[%dma_start3A_388, %dma_start3A_389] : memref<10112x128xf32, #tpu.memory_space<vmem_shared>> -> memref<10112x128xf32, #tpu.memory_space<vmem_shared>>
        tpu.enqueue_indirect_dma source(%dma_start3A_384 : memref<128x128xf32, #tpu.memory_space<vmem>>) target(%dma_start3A_390 : memref<10112x128xf32, #tpu.memory_space<vmem_shared>>) offsets(%dma_start3A_387 : memref<128xi32, #tpu.memory_space<vmem>>) semaphore(%run_scoped3A_381 : memref<!tpu.dma_semaphore, #tpu.memory_space<semaphore_mem>>) {add = true}
        %dma_wait3A_391 = arith.constant 0 : i32
        %dma_wait3A_392 = arith.constant 0 : i32
        %dma_wait3A_393 = tpu.memref_slice %arg7[%dma_wait3A_391, %dma_wait3A_392] : memref<256x128xf32, #tpu.memory_space<vmem>> -> memref<128x128xf32, #tpu.memory_space<vmem>>
        %dma_wait3A_394 = arith.constant 0 : i32
        %dma_wait3A_395 = tpu.memref_slice %arg6[%run_scoped3A_175, %dma_wait3A_394] : memref<16x128xi32, #tpu.memory_space<vmem>> -> memref<1x128xi32, #tpu.memory_space<vmem>>
        %dma_wait3A_396 = tpu.memref_squeeze %dma_wait3A_395 : memref<1x128xi32, #tpu.memory_space<vmem>> -> memref<128xi32, #tpu.memory_space<vmem>>
        %dma_wait3A_397 = arith.constant 0 : i32
        %dma_wait3A_398 = arith.constant 0 : i32
        %dma_wait3A_399 = tpu.memref_slice %arg8[%dma_wait3A_397, %dma_wait3A_398] : memref<10112x128xf32, #tpu.memory_space<vmem_shared>> -> memref<10112x128xf32, #tpu.memory_space<vmem_shared>>
        tpu.wait_indirect_dma semaphore(%run_scoped3A_381 : memref<!tpu.dma_semaphore, #tpu.memory_space<semaphore_mem>>) src(%dma_wait3A_393 : memref<128x128xf32, #tpu.memory_space<vmem>>) dst(%dma_wait3A_399 : memref<10112x128xf32, #tpu.memory_space<vmem_shared>>)
        tpu.yield
      }) : () -> ()
      %dma_start3A_176 = arith.constant 4 : i32
      %dma_start3A_177 = arith.constant 0 : i32
      %dma_start3A_178 = arith.constant 0 : i32
      %dma_start3A_179 = tpu.memref_slice %arg7[%dma_start3A_177, %dma_start3A_178] : memref<256x128xf32, #tpu.memory_space<vmem>> -> memref<64x128xf32, #tpu.memory_space<vmem>>
      %dma_start3A_180 = arith.constant 0 : i32
      %dma_start3A_181 = tpu.memref_slice %arg6[%dma_start3A_176, %dma_start3A_180] : memref<16x128xi32, #tpu.memory_space<vmem>> -> memref<1x64xi32, #tpu.memory_space<vmem>>
      %dma_start3A_182 = tpu.memref_squeeze %dma_start3A_181 : memref<1x64xi32, #tpu.memory_space<vmem>> -> memref<64xi32, #tpu.memory_space<vmem>>
      %dma_start3A_183 = arith.constant 0 : i32
      %dma_start3A_184 = arith.constant 0 : i32
      %dma_start3A_185 = tpu.memref_slice %arg2[%dma_start3A_183, %dma_start3A_184] : memref<10112x128xf32, #tpu.memory_space<hbm>> -> memref<10112x128xf32, #tpu.memory_space<hbm>>
      tpu.enqueue_indirect_dma source(%dma_start3A_185 : memref<10112x128xf32, #tpu.memory_space<hbm>>) target(%dma_start3A_179 : memref<64x128xf32, #tpu.memory_space<vmem>>) offsets(%dma_start3A_182 : memref<64xi32, #tpu.memory_space<vmem>>) semaphore(%arg9 : memref<!tpu.dma_semaphore, #tpu.memory_space<semaphore_mem>>)
      %dma_start3A_186 = arith.constant 4 : i32
      %dma_start3A_187 = arith.constant 64 : i32
      %dma_start3A_188 = arith.constant 0 : i32
      %dma_start3A_189 = tpu.memref_slice %arg7[%dma_start3A_187, %dma_start3A_188] : memref<256x128xf32, #tpu.memory_space<vmem>> -> memref<64x128xf32, #tpu.memory_space<vmem>>
      %dma_start3A_190 = arith.constant 64 : i32
      %dma_start3A_191 = tpu.memref_slice %arg6[%dma_start3A_186, %dma_start3A_190] : memref<16x128xi32, #tpu.memory_space<vmem>> -> memref<1x64xi32, #tpu.memory_space<vmem>>
      %dma_start3A_192 = tpu.memref_squeeze %dma_start3A_191 : memref<1x64xi32, #tpu.memory_space<vmem>> -> memref<64xi32, #tpu.memory_space<vmem>>
      %dma_start3A_193 = arith.constant 0 : i32
      %dma_start3A_194 = arith.constant 0 : i32
      %dma_start3A_195 = tpu.memref_slice %arg2[%dma_start3A_193, %dma_start3A_194] : memref<10112x128xf32, #tpu.memory_space<hbm>> -> memref<10112x128xf32, #tpu.memory_space<hbm>>
      tpu.enqueue_indirect_dma source(%dma_start3A_195 : memref<10112x128xf32, #tpu.memory_space<hbm>>) target(%dma_start3A_189 : memref<64x128xf32, #tpu.memory_space<vmem>>) offsets(%dma_start3A_192 : memref<64xi32, #tpu.memory_space<vmem>>) semaphore(%arg10 : memref<!tpu.dma_semaphore, #tpu.memory_space<semaphore_mem>>)
      %dma_wait3A_196 = arith.constant 128 : i32
      %dma_wait3A_197 = arith.constant 0 : i32
      %dma_wait3A_198 = tpu.memref_slice %arg7[%dma_wait3A_196, %dma_wait3A_197] : memref<256x128xf32, #tpu.memory_space<vmem>> -> memref<64x128xf32, #tpu.memory_space<vmem>>
      %dma_wait3A_199 = arith.constant 0 : i32
      %dma_wait3A_200 = arith.constant 0 : i32
      %dma_wait3A_201 = tpu.memref_slice %arg2[%dma_wait3A_199, %dma_wait3A_200] : memref<10112x128xf32, #tpu.memory_space<hbm>> -> memref<64x128xf32, #tpu.memory_space<hbm>>
      %dma_wait3A_202 = arith.constant 128 : i32
      %dma_wait3A_203 = arith.constant 0 : i32
      %dma_wait3A_204 = tpu.memref_slice %arg7[%dma_wait3A_202, %dma_wait3A_203] : memref<256x128xf32, #tpu.memory_space<vmem>> -> memref<64x128xf32, #tpu.memory_space<vmem>>
      %dma_wait3A_205 = arith.constant 0 : i32
      %dma_wait3A_206 = arith.constant 0 : i32
      %dma_wait3A_207 = tpu.memref_slice %arg2[%dma_wait3A_205, %dma_wait3A_206] : memref<10112x128xf32, #tpu.memory_space<hbm>> -> memref<64x128xf32, #tpu.memory_space<hbm>>
      tpu.wait_dma2 semaphore(%arg11 : memref<!tpu.dma_semaphore, #tpu.memory_space<semaphore_mem>>) src(%dma_wait3A_207 : memref<64x128xf32, #tpu.memory_space<hbm>>) dst(%dma_wait3A_204 : memref<64x128xf32, #tpu.memory_space<vmem>>)
      %dma_wait3A_208 = arith.constant 192 : i32
      %dma_wait3A_209 = arith.constant 0 : i32
      %dma_wait3A_210 = tpu.memref_slice %arg7[%dma_wait3A_208, %dma_wait3A_209] : memref<256x128xf32, #tpu.memory_space<vmem>> -> memref<64x128xf32, #tpu.memory_space<vmem>>
      %dma_wait3A_211 = arith.constant 0 : i32
      %dma_wait3A_212 = arith.constant 0 : i32
      %dma_wait3A_213 = tpu.memref_slice %arg2[%dma_wait3A_211, %dma_wait3A_212] : memref<10112x128xf32, #tpu.memory_space<hbm>> -> memref<64x128xf32, #tpu.memory_space<hbm>>
      %dma_wait3A_214 = arith.constant 192 : i32
      %dma_wait3A_215 = arith.constant 0 : i32
      %dma_wait3A_216 = tpu.memref_slice %arg7[%dma_wait3A_214, %dma_wait3A_215] : memref<256x128xf32, #tpu.memory_space<vmem>> -> memref<64x128xf32, #tpu.memory_space<vmem>>
      %dma_wait3A_217 = arith.constant 0 : i32
      %dma_wait3A_218 = arith.constant 0 : i32
      %dma_wait3A_219 = tpu.memref_slice %arg2[%dma_wait3A_217, %dma_wait3A_218] : memref<10112x128xf32, #tpu.memory_space<hbm>> -> memref<64x128xf32, #tpu.memory_space<hbm>>
      tpu.wait_dma2 semaphore(%arg12 : memref<!tpu.dma_semaphore, #tpu.memory_space<semaphore_mem>>) src(%dma_wait3A_219 : memref<64x128xf32, #tpu.memory_space<hbm>>) dst(%dma_wait3A_216 : memref<64x128xf32, #tpu.memory_space<vmem>>)
      %run_scoped3A_220 = arith.constant 11 : i32
      "tpu.region"() ({
        %run_scoped3A_381 = tpu.sem_alloc : memref<!tpu.dma_semaphore, #tpu.memory_space<semaphore_mem>>
        %dma_start3A_382 = arith.constant 128 : i32
        %dma_start3A_383 = arith.constant 0 : i32
        %dma_start3A_384 = tpu.memref_slice %arg7[%dma_start3A_382, %dma_start3A_383] : memref<256x128xf32, #tpu.memory_space<vmem>> -> memref<128x128xf32, #tpu.memory_space<vmem>>
        %dma_start3A_385 = arith.constant 0 : i32
        %dma_start3A_386 = tpu.memref_slice %arg6[%run_scoped3A_220, %dma_start3A_385] : memref<16x128xi32, #tpu.memory_space<vmem>> -> memref<1x128xi32, #tpu.memory_space<vmem>>
        %dma_start3A_387 = tpu.memref_squeeze %dma_start3A_386 : memref<1x128xi32, #tpu.memory_space<vmem>> -> memref<128xi32, #tpu.memory_space<vmem>>
        %dma_start3A_388 = arith.constant 0 : i32
        %dma_start3A_389 = arith.constant 0 : i32
        %dma_start3A_390 = tpu.memref_slice %arg8[%dma_start3A_388, %dma_start3A_389] : memref<10112x128xf32, #tpu.memory_space<vmem_shared>> -> memref<10112x128xf32, #tpu.memory_space<vmem_shared>>
        tpu.enqueue_indirect_dma source(%dma_start3A_384 : memref<128x128xf32, #tpu.memory_space<vmem>>) target(%dma_start3A_390 : memref<10112x128xf32, #tpu.memory_space<vmem_shared>>) offsets(%dma_start3A_387 : memref<128xi32, #tpu.memory_space<vmem>>) semaphore(%run_scoped3A_381 : memref<!tpu.dma_semaphore, #tpu.memory_space<semaphore_mem>>) {add = true}
        %dma_wait3A_391 = arith.constant 128 : i32
        %dma_wait3A_392 = arith.constant 0 : i32
        %dma_wait3A_393 = tpu.memref_slice %arg7[%dma_wait3A_391, %dma_wait3A_392] : memref<256x128xf32, #tpu.memory_space<vmem>> -> memref<128x128xf32, #tpu.memory_space<vmem>>
        %dma_wait3A_394 = arith.constant 0 : i32
        %dma_wait3A_395 = tpu.memref_slice %arg6[%run_scoped3A_220, %dma_wait3A_394] : memref<16x128xi32, #tpu.memory_space<vmem>> -> memref<1x128xi32, #tpu.memory_space<vmem>>
        %dma_wait3A_396 = tpu.memref_squeeze %dma_wait3A_395 : memref<1x128xi32, #tpu.memory_space<vmem>> -> memref<128xi32, #tpu.memory_space<vmem>>
        %dma_wait3A_397 = arith.constant 0 : i32
        %dma_wait3A_398 = arith.constant 0 : i32
        %dma_wait3A_399 = tpu.memref_slice %arg8[%dma_wait3A_397, %dma_wait3A_398] : memref<10112x128xf32, #tpu.memory_space<vmem_shared>> -> memref<10112x128xf32, #tpu.memory_space<vmem_shared>>
        tpu.wait_indirect_dma semaphore(%run_scoped3A_381 : memref<!tpu.dma_semaphore, #tpu.memory_space<semaphore_mem>>) src(%dma_wait3A_393 : memref<128x128xf32, #tpu.memory_space<vmem>>) dst(%dma_wait3A_399 : memref<10112x128xf32, #tpu.memory_space<vmem_shared>>)
        tpu.yield
      }) : () -> ()
      %dma_start3A_221 = arith.constant 5 : i32
      %dma_start3A_222 = arith.constant 128 : i32
      %dma_start3A_223 = arith.constant 0 : i32
      %dma_start3A_224 = tpu.memref_slice %arg7[%dma_start3A_222, %dma_start3A_223] : memref<256x128xf32, #tpu.memory_space<vmem>> -> memref<64x128xf32, #tpu.memory_space<vmem>>
      %dma_start3A_225 = arith.constant 0 : i32
      %dma_start3A_226 = tpu.memref_slice %arg6[%dma_start3A_221, %dma_start3A_225] : memref<16x128xi32, #tpu.memory_space<vmem>> -> memref<1x64xi32, #tpu.memory_space<vmem>>
      %dma_start3A_227 = tpu.memref_squeeze %dma_start3A_226 : memref<1x64xi32, #tpu.memory_space<vmem>> -> memref<64xi32, #tpu.memory_space<vmem>>
      %dma_start3A_228 = arith.constant 0 : i32
      %dma_start3A_229 = arith.constant 0 : i32
      %dma_start3A_230 = tpu.memref_slice %arg2[%dma_start3A_228, %dma_start3A_229] : memref<10112x128xf32, #tpu.memory_space<hbm>> -> memref<10112x128xf32, #tpu.memory_space<hbm>>
      tpu.enqueue_indirect_dma source(%dma_start3A_230 : memref<10112x128xf32, #tpu.memory_space<hbm>>) target(%dma_start3A_224 : memref<64x128xf32, #tpu.memory_space<vmem>>) offsets(%dma_start3A_227 : memref<64xi32, #tpu.memory_space<vmem>>) semaphore(%arg11 : memref<!tpu.dma_semaphore, #tpu.memory_space<semaphore_mem>>)
      %dma_start3A_231 = arith.constant 5 : i32
      %dma_start3A_232 = arith.constant 192 : i32
      %dma_start3A_233 = arith.constant 0 : i32
      %dma_start3A_234 = tpu.memref_slice %arg7[%dma_start3A_232, %dma_start3A_233] : memref<256x128xf32, #tpu.memory_space<vmem>> -> memref<64x128xf32, #tpu.memory_space<vmem>>
      %dma_start3A_235 = arith.constant 64 : i32
      %dma_start3A_236 = tpu.memref_slice %arg6[%dma_start3A_231, %dma_start3A_235] : memref<16x128xi32, #tpu.memory_space<vmem>> -> memref<1x64xi32, #tpu.memory_space<vmem>>
      %dma_start3A_237 = tpu.memref_squeeze %dma_start3A_236 : memref<1x64xi32, #tpu.memory_space<vmem>> -> memref<64xi32, #tpu.memory_space<vmem>>
      %dma_start3A_238 = arith.constant 0 : i32
      %dma_start3A_239 = arith.constant 0 : i32
      %dma_start3A_240 = tpu.memref_slice %arg2[%dma_start3A_238, %dma_start3A_239] : memref<10112x128xf32, #tpu.memory_space<hbm>> -> memref<10112x128xf32, #tpu.memory_space<hbm>>
      tpu.enqueue_indirect_dma source(%dma_start3A_240 : memref<10112x128xf32, #tpu.memory_space<hbm>>) target(%dma_start3A_234 : memref<64x128xf32, #tpu.memory_space<vmem>>) offsets(%dma_start3A_237 : memref<64xi32, #tpu.memory_space<vmem>>) semaphore(%arg12 : memref<!tpu.dma_semaphore, #tpu.memory_space<semaphore_mem>>)
      %dma_wait3A_241 = arith.constant 0 : i32
      %dma_wait3A_242 = arith.constant 0 : i32
      %dma_wait3A_243 = tpu.memref_slice %arg7[%dma_wait3A_241, %dma_wait3A_242] : memref<256x128xf32, #tpu.memory_space<vmem>> -> memref<64x128xf32, #tpu.memory_space<vmem>>
      %dma_wait3A_244 = arith.constant 0 : i32
      %dma_wait3A_245 = arith.constant 0 : i32
      %dma_wait3A_246 = tpu.memref_slice %arg2[%dma_wait3A_244, %dma_wait3A_245] : memref<10112x128xf32, #tpu.memory_space<hbm>> -> memref<64x128xf32, #tpu.memory_space<hbm>>
      %dma_wait3A_247 = arith.constant 0 : i32
      %dma_wait3A_248 = arith.constant 0 : i32
      %dma_wait3A_249 = tpu.memref_slice %arg7[%dma_wait3A_247, %dma_wait3A_248] : memref<256x128xf32, #tpu.memory_space<vmem>> -> memref<64x128xf32, #tpu.memory_space<vmem>>
      %dma_wait3A_250 = arith.constant 0 : i32
      %dma_wait3A_251 = arith.constant 0 : i32
      %dma_wait3A_252 = tpu.memref_slice %arg2[%dma_wait3A_250, %dma_wait3A_251] : memref<10112x128xf32, #tpu.memory_space<hbm>> -> memref<64x128xf32, #tpu.memory_space<hbm>>
      tpu.wait_dma2 semaphore(%arg9 : memref<!tpu.dma_semaphore, #tpu.memory_space<semaphore_mem>>) src(%dma_wait3A_252 : memref<64x128xf32, #tpu.memory_space<hbm>>) dst(%dma_wait3A_249 : memref<64x128xf32, #tpu.memory_space<vmem>>)
      %dma_wait3A_253 = arith.constant 64 : i32
      %dma_wait3A_254 = arith.constant 0 : i32
      %dma_wait3A_255 = tpu.memref_slice %arg7[%dma_wait3A_253, %dma_wait3A_254] : memref<256x128xf32, #tpu.memory_space<vmem>> -> memref<64x128xf32, #tpu.memory_space<vmem>>
      %dma_wait3A_256 = arith.constant 0 : i32
      %dma_wait3A_257 = arith.constant 0 : i32
      %dma_wait3A_258 = tpu.memref_slice %arg2[%dma_wait3A_256, %dma_wait3A_257] : memref<10112x128xf32, #tpu.memory_space<hbm>> -> memref<64x128xf32, #tpu.memory_space<hbm>>
      %dma_wait3A_259 = arith.constant 64 : i32
      %dma_wait3A_260 = arith.constant 0 : i32
      %dma_wait3A_261 = tpu.memref_slice %arg7[%dma_wait3A_259, %dma_wait3A_260] : memref<256x128xf32, #tpu.memory_space<vmem>> -> memref<64x128xf32, #tpu.memory_space<vmem>>
      %dma_wait3A_262 = arith.constant 0 : i32
      %dma_wait3A_263 = arith.constant 0 : i32
      %dma_wait3A_264 = tpu.memref_slice %arg2[%dma_wait3A_262, %dma_wait3A_263] : memref<10112x128xf32, #tpu.memory_space<hbm>> -> memref<64x128xf32, #tpu.memory_space<hbm>>
      tpu.wait_dma2 semaphore(%arg10 : memref<!tpu.dma_semaphore, #tpu.memory_space<semaphore_mem>>) src(%dma_wait3A_264 : memref<64x128xf32, #tpu.memory_space<hbm>>) dst(%dma_wait3A_261 : memref<64x128xf32, #tpu.memory_space<vmem>>)
      %run_scoped3A_265 = arith.constant 12 : i32
      "tpu.region"() ({
        %run_scoped3A_381 = tpu.sem_alloc : memref<!tpu.dma_semaphore, #tpu.memory_space<semaphore_mem>>
        %dma_start3A_382 = arith.constant 0 : i32
        %dma_start3A_383 = arith.constant 0 : i32
        %dma_start3A_384 = tpu.memref_slice %arg7[%dma_start3A_382, %dma_start3A_383] : memref<256x128xf32, #tpu.memory_space<vmem>> -> memref<128x128xf32, #tpu.memory_space<vmem>>
        %dma_start3A_385 = arith.constant 0 : i32
        %dma_start3A_386 = tpu.memref_slice %arg6[%run_scoped3A_265, %dma_start3A_385] : memref<16x128xi32, #tpu.memory_space<vmem>> -> memref<1x128xi32, #tpu.memory_space<vmem>>
        %dma_start3A_387 = tpu.memref_squeeze %dma_start3A_386 : memref<1x128xi32, #tpu.memory_space<vmem>> -> memref<128xi32, #tpu.memory_space<vmem>>
        %dma_start3A_388 = arith.constant 0 : i32
        %dma_start3A_389 = arith.constant 0 : i32
        %dma_start3A_390 = tpu.memref_slice %arg8[%dma_start3A_388, %dma_start3A_389] : memref<10112x128xf32, #tpu.memory_space<vmem_shared>> -> memref<10112x128xf32, #tpu.memory_space<vmem_shared>>
        tpu.enqueue_indirect_dma source(%dma_start3A_384 : memref<128x128xf32, #tpu.memory_space<vmem>>) target(%dma_start3A_390 : memref<10112x128xf32, #tpu.memory_space<vmem_shared>>) offsets(%dma_start3A_387 : memref<128xi32, #tpu.memory_space<vmem>>) semaphore(%run_scoped3A_381 : memref<!tpu.dma_semaphore, #tpu.memory_space<semaphore_mem>>) {add = true}
        %dma_wait3A_391 = arith.constant 0 : i32
        %dma_wait3A_392 = arith.constant 0 : i32
        %dma_wait3A_393 = tpu.memref_slice %arg7[%dma_wait3A_391, %dma_wait3A_392] : memref<256x128xf32, #tpu.memory_space<vmem>> -> memref<128x128xf32, #tpu.memory_space<vmem>>
        %dma_wait3A_394 = arith.constant 0 : i32
        %dma_wait3A_395 = tpu.memref_slice %arg6[%run_scoped3A_265, %dma_wait3A_394] : memref<16x128xi32, #tpu.memory_space<vmem>> -> memref<1x128xi32, #tpu.memory_space<vmem>>
        %dma_wait3A_396 = tpu.memref_squeeze %dma_wait3A_395 : memref<1x128xi32, #tpu.memory_space<vmem>> -> memref<128xi32, #tpu.memory_space<vmem>>
        %dma_wait3A_397 = arith.constant 0 : i32
        %dma_wait3A_398 = arith.constant 0 : i32
        %dma_wait3A_399 = tpu.memref_slice %arg8[%dma_wait3A_397, %dma_wait3A_398] : memref<10112x128xf32, #tpu.memory_space<vmem_shared>> -> memref<10112x128xf32, #tpu.memory_space<vmem_shared>>
        tpu.wait_indirect_dma semaphore(%run_scoped3A_381 : memref<!tpu.dma_semaphore, #tpu.memory_space<semaphore_mem>>) src(%dma_wait3A_393 : memref<128x128xf32, #tpu.memory_space<vmem>>) dst(%dma_wait3A_399 : memref<10112x128xf32, #tpu.memory_space<vmem_shared>>)
        tpu.yield
      }) : () -> ()
      %dma_start3A_266 = arith.constant 6 : i32
      %dma_start3A_267 = arith.constant 0 : i32
      %dma_start3A_268 = arith.constant 0 : i32
      %dma_start3A_269 = tpu.memref_slice %arg7[%dma_start3A_267, %dma_start3A_268] : memref<256x128xf32, #tpu.memory_space<vmem>> -> memref<64x128xf32, #tpu.memory_space<vmem>>
      %dma_start3A_270 = arith.constant 0 : i32
      %dma_start3A_271 = tpu.memref_slice %arg6[%dma_start3A_266, %dma_start3A_270] : memref<16x128xi32, #tpu.memory_space<vmem>> -> memref<1x64xi32, #tpu.memory_space<vmem>>
      %dma_start3A_272 = tpu.memref_squeeze %dma_start3A_271 : memref<1x64xi32, #tpu.memory_space<vmem>> -> memref<64xi32, #tpu.memory_space<vmem>>
      %dma_start3A_273 = arith.constant 0 : i32
      %dma_start3A_274 = arith.constant 0 : i32
      %dma_start3A_275 = tpu.memref_slice %arg2[%dma_start3A_273, %dma_start3A_274] : memref<10112x128xf32, #tpu.memory_space<hbm>> -> memref<10112x128xf32, #tpu.memory_space<hbm>>
      tpu.enqueue_indirect_dma source(%dma_start3A_275 : memref<10112x128xf32, #tpu.memory_space<hbm>>) target(%dma_start3A_269 : memref<64x128xf32, #tpu.memory_space<vmem>>) offsets(%dma_start3A_272 : memref<64xi32, #tpu.memory_space<vmem>>) semaphore(%arg9 : memref<!tpu.dma_semaphore, #tpu.memory_space<semaphore_mem>>)
      %dma_start3A_276 = arith.constant 6 : i32
      %dma_start3A_277 = arith.constant 64 : i32
      %dma_start3A_278 = arith.constant 0 : i32
      %dma_start3A_279 = tpu.memref_slice %arg7[%dma_start3A_277, %dma_start3A_278] : memref<256x128xf32, #tpu.memory_space<vmem>> -> memref<64x128xf32, #tpu.memory_space<vmem>>
      %dma_start3A_280 = arith.constant 64 : i32
      %dma_start3A_281 = tpu.memref_slice %arg6[%dma_start3A_276, %dma_start3A_280] : memref<16x128xi32, #tpu.memory_space<vmem>> -> memref<1x64xi32, #tpu.memory_space<vmem>>
      %dma_start3A_282 = tpu.memref_squeeze %dma_start3A_281 : memref<1x64xi32, #tpu.memory_space<vmem>> -> memref<64xi32, #tpu.memory_space<vmem>>
      %dma_start3A_283 = arith.constant 0 : i32
      %dma_start3A_284 = arith.constant 0 : i32
      %dma_start3A_285 = tpu.memref_slice %arg2[%dma_start3A_283, %dma_start3A_284] : memref<10112x128xf32, #tpu.memory_space<hbm>> -> memref<10112x128xf32, #tpu.memory_space<hbm>>
      tpu.enqueue_indirect_dma source(%dma_start3A_285 : memref<10112x128xf32, #tpu.memory_space<hbm>>) target(%dma_start3A_279 : memref<64x128xf32, #tpu.memory_space<vmem>>) offsets(%dma_start3A_282 : memref<64xi32, #tpu.memory_space<vmem>>) semaphore(%arg10 : memref<!tpu.dma_semaphore, #tpu.memory_space<semaphore_mem>>)
      %dma_wait3A_286 = arith.constant 128 : i32
      %dma_wait3A_287 = arith.constant 0 : i32
      %dma_wait3A_288 = tpu.memref_slice %arg7[%dma_wait3A_286, %dma_wait3A_287] : memref<256x128xf32, #tpu.memory_space<vmem>> -> memref<64x128xf32, #tpu.memory_space<vmem>>
      %dma_wait3A_289 = arith.constant 0 : i32
      %dma_wait3A_290 = arith.constant 0 : i32
      %dma_wait3A_291 = tpu.memref_slice %arg2[%dma_wait3A_289, %dma_wait3A_290] : memref<10112x128xf32, #tpu.memory_space<hbm>> -> memref<64x128xf32, #tpu.memory_space<hbm>>
      %dma_wait3A_292 = arith.constant 128 : i32
      %dma_wait3A_293 = arith.constant 0 : i32
      %dma_wait3A_294 = tpu.memref_slice %arg7[%dma_wait3A_292, %dma_wait3A_293] : memref<256x128xf32, #tpu.memory_space<vmem>> -> memref<64x128xf32, #tpu.memory_space<vmem>>
      %dma_wait3A_295 = arith.constant 0 : i32
      %dma_wait3A_296 = arith.constant 0 : i32
      %dma_wait3A_297 = tpu.memref_slice %arg2[%dma_wait3A_295, %dma_wait3A_296] : memref<10112x128xf32, #tpu.memory_space<hbm>> -> memref<64x128xf32, #tpu.memory_space<hbm>>
      tpu.wait_dma2 semaphore(%arg11 : memref<!tpu.dma_semaphore, #tpu.memory_space<semaphore_mem>>) src(%dma_wait3A_297 : memref<64x128xf32, #tpu.memory_space<hbm>>) dst(%dma_wait3A_294 : memref<64x128xf32, #tpu.memory_space<vmem>>)
      %dma_wait3A_298 = arith.constant 192 : i32
      %dma_wait3A_299 = arith.constant 0 : i32
      %dma_wait3A_300 = tpu.memref_slice %arg7[%dma_wait3A_298, %dma_wait3A_299] : memref<256x128xf32, #tpu.memory_space<vmem>> -> memref<64x128xf32, #tpu.memory_space<vmem>>
      %dma_wait3A_301 = arith.constant 0 : i32
      %dma_wait3A_302 = arith.constant 0 : i32
      %dma_wait3A_303 = tpu.memref_slice %arg2[%dma_wait3A_301, %dma_wait3A_302] : memref<10112x128xf32, #tpu.memory_space<hbm>> -> memref<64x128xf32, #tpu.memory_space<hbm>>
      %dma_wait3A_304 = arith.constant 192 : i32
      %dma_wait3A_305 = arith.constant 0 : i32
      %dma_wait3A_306 = tpu.memref_slice %arg7[%dma_wait3A_304, %dma_wait3A_305] : memref<256x128xf32, #tpu.memory_space<vmem>> -> memref<64x128xf32, #tpu.memory_space<vmem>>
      %dma_wait3A_307 = arith.constant 0 : i32
      %dma_wait3A_308 = arith.constant 0 : i32
      %dma_wait3A_309 = tpu.memref_slice %arg2[%dma_wait3A_307, %dma_wait3A_308] : memref<10112x128xf32, #tpu.memory_space<hbm>> -> memref<64x128xf32, #tpu.memory_space<hbm>>
      tpu.wait_dma2 semaphore(%arg12 : memref<!tpu.dma_semaphore, #tpu.memory_space<semaphore_mem>>) src(%dma_wait3A_309 : memref<64x128xf32, #tpu.memory_space<hbm>>) dst(%dma_wait3A_306 : memref<64x128xf32, #tpu.memory_space<vmem>>)
      %run_scoped3A_310 = arith.constant 13 : i32
      "tpu.region"() ({
        %run_scoped3A_381 = tpu.sem_alloc : memref<!tpu.dma_semaphore, #tpu.memory_space<semaphore_mem>>
        %dma_start3A_382 = arith.constant 128 : i32
        %dma_start3A_383 = arith.constant 0 : i32
        %dma_start3A_384 = tpu.memref_slice %arg7[%dma_start3A_382, %dma_start3A_383] : memref<256x128xf32, #tpu.memory_space<vmem>> -> memref<128x128xf32, #tpu.memory_space<vmem>>
        %dma_start3A_385 = arith.constant 0 : i32
        %dma_start3A_386 = tpu.memref_slice %arg6[%run_scoped3A_310, %dma_start3A_385] : memref<16x128xi32, #tpu.memory_space<vmem>> -> memref<1x128xi32, #tpu.memory_space<vmem>>
        %dma_start3A_387 = tpu.memref_squeeze %dma_start3A_386 : memref<1x128xi32, #tpu.memory_space<vmem>> -> memref<128xi32, #tpu.memory_space<vmem>>
        %dma_start3A_388 = arith.constant 0 : i32
        %dma_start3A_389 = arith.constant 0 : i32
        %dma_start3A_390 = tpu.memref_slice %arg8[%dma_start3A_388, %dma_start3A_389] : memref<10112x128xf32, #tpu.memory_space<vmem_shared>> -> memref<10112x128xf32, #tpu.memory_space<vmem_shared>>
        tpu.enqueue_indirect_dma source(%dma_start3A_384 : memref<128x128xf32, #tpu.memory_space<vmem>>) target(%dma_start3A_390 : memref<10112x128xf32, #tpu.memory_space<vmem_shared>>) offsets(%dma_start3A_387 : memref<128xi32, #tpu.memory_space<vmem>>) semaphore(%run_scoped3A_381 : memref<!tpu.dma_semaphore, #tpu.memory_space<semaphore_mem>>) {add = true}
        %dma_wait3A_391 = arith.constant 128 : i32
        %dma_wait3A_392 = arith.constant 0 : i32
        %dma_wait3A_393 = tpu.memref_slice %arg7[%dma_wait3A_391, %dma_wait3A_392] : memref<256x128xf32, #tpu.memory_space<vmem>> -> memref<128x128xf32, #tpu.memory_space<vmem>>
        %dma_wait3A_394 = arith.constant 0 : i32
        %dma_wait3A_395 = tpu.memref_slice %arg6[%run_scoped3A_310, %dma_wait3A_394] : memref<16x128xi32, #tpu.memory_space<vmem>> -> memref<1x128xi32, #tpu.memory_space<vmem>>
        %dma_wait3A_396 = tpu.memref_squeeze %dma_wait3A_395 : memref<1x128xi32, #tpu.memory_space<vmem>> -> memref<128xi32, #tpu.memory_space<vmem>>
        %dma_wait3A_397 = arith.constant 0 : i32
        %dma_wait3A_398 = arith.constant 0 : i32
        %dma_wait3A_399 = tpu.memref_slice %arg8[%dma_wait3A_397, %dma_wait3A_398] : memref<10112x128xf32, #tpu.memory_space<vmem_shared>> -> memref<10112x128xf32, #tpu.memory_space<vmem_shared>>
        tpu.wait_indirect_dma semaphore(%run_scoped3A_381 : memref<!tpu.dma_semaphore, #tpu.memory_space<semaphore_mem>>) src(%dma_wait3A_393 : memref<128x128xf32, #tpu.memory_space<vmem>>) dst(%dma_wait3A_399 : memref<10112x128xf32, #tpu.memory_space<vmem_shared>>)
        tpu.yield
      }) : () -> ()
      %dma_start3A_311 = arith.constant 7 : i32
      %dma_start3A_312 = arith.constant 128 : i32
      %dma_start3A_313 = arith.constant 0 : i32
      %dma_start3A_314 = tpu.memref_slice %arg7[%dma_start3A_312, %dma_start3A_313] : memref<256x128xf32, #tpu.memory_space<vmem>> -> memref<64x128xf32, #tpu.memory_space<vmem>>
      %dma_start3A_315 = arith.constant 0 : i32
      %dma_start3A_316 = tpu.memref_slice %arg6[%dma_start3A_311, %dma_start3A_315] : memref<16x128xi32, #tpu.memory_space<vmem>> -> memref<1x64xi32, #tpu.memory_space<vmem>>
      %dma_start3A_317 = tpu.memref_squeeze %dma_start3A_316 : memref<1x64xi32, #tpu.memory_space<vmem>> -> memref<64xi32, #tpu.memory_space<vmem>>
      %dma_start3A_318 = arith.constant 0 : i32
      %dma_start3A_319 = arith.constant 0 : i32
      %dma_start3A_320 = tpu.memref_slice %arg2[%dma_start3A_318, %dma_start3A_319] : memref<10112x128xf32, #tpu.memory_space<hbm>> -> memref<10112x128xf32, #tpu.memory_space<hbm>>
      tpu.enqueue_indirect_dma source(%dma_start3A_320 : memref<10112x128xf32, #tpu.memory_space<hbm>>) target(%dma_start3A_314 : memref<64x128xf32, #tpu.memory_space<vmem>>) offsets(%dma_start3A_317 : memref<64xi32, #tpu.memory_space<vmem>>) semaphore(%arg11 : memref<!tpu.dma_semaphore, #tpu.memory_space<semaphore_mem>>)
      %dma_start3A_321 = arith.constant 7 : i32
      %dma_start3A_322 = arith.constant 192 : i32
      %dma_start3A_323 = arith.constant 0 : i32
      %dma_start3A_324 = tpu.memref_slice %arg7[%dma_start3A_322, %dma_start3A_323] : memref<256x128xf32, #tpu.memory_space<vmem>> -> memref<64x128xf32, #tpu.memory_space<vmem>>
      %dma_start3A_325 = arith.constant 64 : i32
      %dma_start3A_326 = tpu.memref_slice %arg6[%dma_start3A_321, %dma_start3A_325] : memref<16x128xi32, #tpu.memory_space<vmem>> -> memref<1x64xi32, #tpu.memory_space<vmem>>
      %dma_start3A_327 = tpu.memref_squeeze %dma_start3A_326 : memref<1x64xi32, #tpu.memory_space<vmem>> -> memref<64xi32, #tpu.memory_space<vmem>>
      %dma_start3A_328 = arith.constant 0 : i32
      %dma_start3A_329 = arith.constant 0 : i32
      %dma_start3A_330 = tpu.memref_slice %arg2[%dma_start3A_328, %dma_start3A_329] : memref<10112x128xf32, #tpu.memory_space<hbm>> -> memref<10112x128xf32, #tpu.memory_space<hbm>>
      tpu.enqueue_indirect_dma source(%dma_start3A_330 : memref<10112x128xf32, #tpu.memory_space<hbm>>) target(%dma_start3A_324 : memref<64x128xf32, #tpu.memory_space<vmem>>) offsets(%dma_start3A_327 : memref<64xi32, #tpu.memory_space<vmem>>) semaphore(%arg12 : memref<!tpu.dma_semaphore, #tpu.memory_space<semaphore_mem>>)
      %dma_wait3A_331 = arith.constant 0 : i32
      %dma_wait3A_332 = arith.constant 0 : i32
      %dma_wait3A_333 = tpu.memref_slice %arg7[%dma_wait3A_331, %dma_wait3A_332] : memref<256x128xf32, #tpu.memory_space<vmem>> -> memref<64x128xf32, #tpu.memory_space<vmem>>
      %dma_wait3A_334 = arith.constant 0 : i32
      %dma_wait3A_335 = arith.constant 0 : i32
      %dma_wait3A_336 = tpu.memref_slice %arg2[%dma_wait3A_334, %dma_wait3A_335] : memref<10112x128xf32, #tpu.memory_space<hbm>> -> memref<64x128xf32, #tpu.memory_space<hbm>>
      %dma_wait3A_337 = arith.constant 0 : i32
      %dma_wait3A_338 = arith.constant 0 : i32
      %dma_wait3A_339 = tpu.memref_slice %arg7[%dma_wait3A_337, %dma_wait3A_338] : memref<256x128xf32, #tpu.memory_space<vmem>> -> memref<64x128xf32, #tpu.memory_space<vmem>>
      %dma_wait3A_340 = arith.constant 0 : i32
      %dma_wait3A_341 = arith.constant 0 : i32
      %dma_wait3A_342 = tpu.memref_slice %arg2[%dma_wait3A_340, %dma_wait3A_341] : memref<10112x128xf32, #tpu.memory_space<hbm>> -> memref<64x128xf32, #tpu.memory_space<hbm>>
      tpu.wait_dma2 semaphore(%arg9 : memref<!tpu.dma_semaphore, #tpu.memory_space<semaphore_mem>>) src(%dma_wait3A_342 : memref<64x128xf32, #tpu.memory_space<hbm>>) dst(%dma_wait3A_339 : memref<64x128xf32, #tpu.memory_space<vmem>>)
      %dma_wait3A_343 = arith.constant 64 : i32
      %dma_wait3A_344 = arith.constant 0 : i32
      %dma_wait3A_345 = tpu.memref_slice %arg7[%dma_wait3A_343, %dma_wait3A_344] : memref<256x128xf32, #tpu.memory_space<vmem>> -> memref<64x128xf32, #tpu.memory_space<vmem>>
      %dma_wait3A_346 = arith.constant 0 : i32
      %dma_wait3A_347 = arith.constant 0 : i32
      %dma_wait3A_348 = tpu.memref_slice %arg2[%dma_wait3A_346, %dma_wait3A_347] : memref<10112x128xf32, #tpu.memory_space<hbm>> -> memref<64x128xf32, #tpu.memory_space<hbm>>
      %dma_wait3A_349 = arith.constant 64 : i32
      %dma_wait3A_350 = arith.constant 0 : i32
      %dma_wait3A_351 = tpu.memref_slice %arg7[%dma_wait3A_349, %dma_wait3A_350] : memref<256x128xf32, #tpu.memory_space<vmem>> -> memref<64x128xf32, #tpu.memory_space<vmem>>
      %dma_wait3A_352 = arith.constant 0 : i32
      %dma_wait3A_353 = arith.constant 0 : i32
      %dma_wait3A_354 = tpu.memref_slice %arg2[%dma_wait3A_352, %dma_wait3A_353] : memref<10112x128xf32, #tpu.memory_space<hbm>> -> memref<64x128xf32, #tpu.memory_space<hbm>>
      tpu.wait_dma2 semaphore(%arg10 : memref<!tpu.dma_semaphore, #tpu.memory_space<semaphore_mem>>) src(%dma_wait3A_354 : memref<64x128xf32, #tpu.memory_space<hbm>>) dst(%dma_wait3A_351 : memref<64x128xf32, #tpu.memory_space<vmem>>)
      %run_scoped3A_355 = arith.constant 14 : i32
      "tpu.region"() ({
        %run_scoped3A_381 = tpu.sem_alloc : memref<!tpu.dma_semaphore, #tpu.memory_space<semaphore_mem>>
        %dma_start3A_382 = arith.constant 0 : i32
        %dma_start3A_383 = arith.constant 0 : i32
        %dma_start3A_384 = tpu.memref_slice %arg7[%dma_start3A_382, %dma_start3A_383] : memref<256x128xf32, #tpu.memory_space<vmem>> -> memref<128x128xf32, #tpu.memory_space<vmem>>
        %dma_start3A_385 = arith.constant 0 : i32
        %dma_start3A_386 = tpu.memref_slice %arg6[%run_scoped3A_355, %dma_start3A_385] : memref<16x128xi32, #tpu.memory_space<vmem>> -> memref<1x128xi32, #tpu.memory_space<vmem>>
        %dma_start3A_387 = tpu.memref_squeeze %dma_start3A_386 : memref<1x128xi32, #tpu.memory_space<vmem>> -> memref<128xi32, #tpu.memory_space<vmem>>
        %dma_start3A_388 = arith.constant 0 : i32
        %dma_start3A_389 = arith.constant 0 : i32
        %dma_start3A_390 = tpu.memref_slice %arg8[%dma_start3A_388, %dma_start3A_389] : memref<10112x128xf32, #tpu.memory_space<vmem_shared>> -> memref<10112x128xf32, #tpu.memory_space<vmem_shared>>
        tpu.enqueue_indirect_dma source(%dma_start3A_384 : memref<128x128xf32, #tpu.memory_space<vmem>>) target(%dma_start3A_390 : memref<10112x128xf32, #tpu.memory_space<vmem_shared>>) offsets(%dma_start3A_387 : memref<128xi32, #tpu.memory_space<vmem>>) semaphore(%run_scoped3A_381 : memref<!tpu.dma_semaphore, #tpu.memory_space<semaphore_mem>>) {add = true}
        %dma_wait3A_391 = arith.constant 0 : i32
        %dma_wait3A_392 = arith.constant 0 : i32
        %dma_wait3A_393 = tpu.memref_slice %arg7[%dma_wait3A_391, %dma_wait3A_392] : memref<256x128xf32, #tpu.memory_space<vmem>> -> memref<128x128xf32, #tpu.memory_space<vmem>>
        %dma_wait3A_394 = arith.constant 0 : i32
        %dma_wait3A_395 = tpu.memref_slice %arg6[%run_scoped3A_355, %dma_wait3A_394] : memref<16x128xi32, #tpu.memory_space<vmem>> -> memref<1x128xi32, #tpu.memory_space<vmem>>
        %dma_wait3A_396 = tpu.memref_squeeze %dma_wait3A_395 : memref<1x128xi32, #tpu.memory_space<vmem>> -> memref<128xi32, #tpu.memory_space<vmem>>
        %dma_wait3A_397 = arith.constant 0 : i32
        %dma_wait3A_398 = arith.constant 0 : i32
        %dma_wait3A_399 = tpu.memref_slice %arg8[%dma_wait3A_397, %dma_wait3A_398] : memref<10112x128xf32, #tpu.memory_space<vmem_shared>> -> memref<10112x128xf32, #tpu.memory_space<vmem_shared>>
        tpu.wait_indirect_dma semaphore(%run_scoped3A_381 : memref<!tpu.dma_semaphore, #tpu.memory_space<semaphore_mem>>) src(%dma_wait3A_393 : memref<128x128xf32, #tpu.memory_space<vmem>>) dst(%dma_wait3A_399 : memref<10112x128xf32, #tpu.memory_space<vmem_shared>>)
        tpu.yield
      }) : () -> ()
      %dma_wait3A_356 = arith.constant 128 : i32
      %dma_wait3A_357 = arith.constant 0 : i32
      %dma_wait3A_358 = tpu.memref_slice %arg7[%dma_wait3A_356, %dma_wait3A_357] : memref<256x128xf32, #tpu.memory_space<vmem>> -> memref<64x128xf32, #tpu.memory_space<vmem>>
      %dma_wait3A_359 = arith.constant 0 : i32
      %dma_wait3A_360 = arith.constant 0 : i32
      %dma_wait3A_361 = tpu.memref_slice %arg2[%dma_wait3A_359, %dma_wait3A_360] : memref<10112x128xf32, #tpu.memory_space<hbm>> -> memref<64x128xf32, #tpu.memory_space<hbm>>
      %dma_wait3A_362 = arith.constant 128 : i32
      %dma_wait3A_363 = arith.constant 0 : i32
      %dma_wait3A_364 = tpu.memref_slice %arg7[%dma_wait3A_362, %dma_wait3A_363] : memref<256x128xf32, #tpu.memory_space<vmem>> -> memref<64x128xf32, #tpu.memory_space<vmem>>
      %dma_wait3A_365 = arith.constant 0 : i32
      %dma_wait3A_366 = arith.constant 0 : i32
      %dma_wait3A_367 = tpu.memref_slice %arg2[%dma_wait3A_365, %dma_wait3A_366] : memref<10112x128xf32, #tpu.memory_space<hbm>> -> memref<64x128xf32, #tpu.memory_space<hbm>>
      tpu.wait_dma2 semaphore(%arg11 : memref<!tpu.dma_semaphore, #tpu.memory_space<semaphore_mem>>) src(%dma_wait3A_367 : memref<64x128xf32, #tpu.memory_space<hbm>>) dst(%dma_wait3A_364 : memref<64x128xf32, #tpu.memory_space<vmem>>)
      %dma_wait3A_368 = arith.constant 192 : i32
      %dma_wait3A_369 = arith.constant 0 : i32
      %dma_wait3A_370 = tpu.memref_slice %arg7[%dma_wait3A_368, %dma_wait3A_369] : memref<256x128xf32, #tpu.memory_space<vmem>> -> memref<64x128xf32, #tpu.memory_space<vmem>>
      %dma_wait3A_371 = arith.constant 0 : i32
      %dma_wait3A_372 = arith.constant 0 : i32
      %dma_wait3A_373 = tpu.memref_slice %arg2[%dma_wait3A_371, %dma_wait3A_372] : memref<10112x128xf32, #tpu.memory_space<hbm>> -> memref<64x128xf32, #tpu.memory_space<hbm>>
      %dma_wait3A_374 = arith.constant 192 : i32
      %dma_wait3A_375 = arith.constant 0 : i32
      %dma_wait3A_376 = tpu.memref_slice %arg7[%dma_wait3A_374, %dma_wait3A_375] : memref<256x128xf32, #tpu.memory_space<vmem>> -> memref<64x128xf32, #tpu.memory_space<vmem>>
      %dma_wait3A_377 = arith.constant 0 : i32
      %dma_wait3A_378 = arith.constant 0 : i32
      %dma_wait3A_379 = tpu.memref_slice %arg2[%dma_wait3A_377, %dma_wait3A_378] : memref<10112x128xf32, #tpu.memory_space<hbm>> -> memref<64x128xf32, #tpu.memory_space<hbm>>
      tpu.wait_dma2 semaphore(%arg12 : memref<!tpu.dma_semaphore, #tpu.memory_space<semaphore_mem>>) src(%dma_wait3A_379 : memref<64x128xf32, #tpu.memory_space<hbm>>) dst(%dma_wait3A_376 : memref<64x128xf32, #tpu.memory_space<vmem>>)
      %run_scoped3A_380 = arith.constant 15 : i32
      "tpu.region"() ({
        %run_scoped3A_381 = tpu.sem_alloc : memref<!tpu.dma_semaphore, #tpu.memory_space<semaphore_mem>>
        %dma_start3A_382 = arith.constant 128 : i32
        %dma_start3A_383 = arith.constant 0 : i32
        %dma_start3A_384 = tpu.memref_slice %arg7[%dma_start3A_382, %dma_start3A_383] : memref<256x128xf32, #tpu.memory_space<vmem>> -> memref<128x128xf32, #tpu.memory_space<vmem>>
        %dma_start3A_385 = arith.constant 0 : i32
        %dma_start3A_386 = tpu.memref_slice %arg6[%run_scoped3A_380, %dma_start3A_385] : memref<16x128xi32, #tpu.memory_space<vmem>> -> memref<1x128xi32, #tpu.memory_space<vmem>>
        %dma_start3A_387 = tpu.memref_squeeze %dma_start3A_386 : memref<1x128xi32, #tpu.memory_space<vmem>> -> memref<128xi32, #tpu.memory_space<vmem>>
        %dma_start3A_388 = arith.constant 0 : i32
        %dma_start3A_389 = arith.constant 0 : i32
        %dma_start3A_390 = tpu.memref_slice %arg8[%dma_start3A_388, %dma_start3A_389] : memref<10112x128xf32, #tpu.memory_space<vmem_shared>> -> memref<10112x128xf32, #tpu.memory_space<vmem_shared>>
        tpu.enqueue_indirect_dma source(%dma_start3A_384 : memref<128x128xf32, #tpu.memory_space<vmem>>) target(%dma_start3A_390 : memref<10112x128xf32, #tpu.memory_space<vmem_shared>>) offsets(%dma_start3A_387 : memref<128xi32, #tpu.memory_space<vmem>>) semaphore(%run_scoped3A_381 : memref<!tpu.dma_semaphore, #tpu.memory_space<semaphore_mem>>) {add = true}
        %dma_wait3A_391 = arith.constant 128 : i32
        %dma_wait3A_392 = arith.constant 0 : i32
        %dma_wait3A_393 = tpu.memref_slice %arg7[%dma_wait3A_391, %dma_wait3A_392] : memref<256x128xf32, #tpu.memory_space<vmem>> -> memref<128x128xf32, #tpu.memory_space<vmem>>
        %dma_wait3A_394 = arith.constant 0 : i32
        %dma_wait3A_395 = tpu.memref_slice %arg6[%run_scoped3A_380, %dma_wait3A_394] : memref<16x128xi32, #tpu.memory_space<vmem>> -> memref<1x128xi32, #tpu.memory_space<vmem>>
        %dma_wait3A_396 = tpu.memref_squeeze %dma_wait3A_395 : memref<1x128xi32, #tpu.memory_space<vmem>> -> memref<128xi32, #tpu.memory_space<vmem>>
        %dma_wait3A_397 = arith.constant 0 : i32
        %dma_wait3A_398 = arith.constant 0 : i32
        %dma_wait3A_399 = tpu.memref_slice %arg8[%dma_wait3A_397, %dma_wait3A_398] : memref<10112x128xf32, #tpu.memory_space<vmem_shared>> -> memref<10112x128xf32, #tpu.memory_space<vmem_shared>>
        tpu.wait_indirect_dma semaphore(%run_scoped3A_381 : memref<!tpu.dma_semaphore, #tpu.memory_space<semaphore_mem>>) src(%dma_wait3A_393 : memref<128x128xf32, #tpu.memory_space<vmem>>) dst(%dma_wait3A_399 : memref<10112x128xf32, #tpu.memory_space<vmem_shared>>)
        tpu.yield
      }) : () -> ()
    }
    %scan3A_7 = arith.constant 10 : i32
    %barrier3A_8 = arith.constant 0 : index
    tpu.barrier barrier_id(%barrier3A_8)
    %mul3A_9 = arith.constant 632 : i32
    %mul3A_10 = arith.muli %arg1, %mul3A_9 : i32
    %mul3A_11 = arith.constant 10112 : i32
    %mul3A_12 = arith.muli %arg0, %mul3A_11 : i32
    %mul3A_13 = arith.constant 632 : i32
    %mul3A_14 = arith.muli %arg1, %mul3A_13 : i32
    %add3A_15 = arith.addi %mul3A_12, %mul3A_14 : i32
    "tpu.region"() ({
      %run_scoped3A = tpu.sem_alloc : memref<!tpu.dma_semaphore, #tpu.memory_space<semaphore_mem>>
      %dma_start3A = arith.constant 0 : i32
      %dma_start3A_16 = tpu.memref_slice %arg5[%add3A_15, %dma_start3A] : memref<20224x128xf32, #tpu.memory_space<hbm>> -> memref<632x128xf32, #tpu.memory_space<hbm>>
      %dma_start3A_17 = arith.constant 0 : i32
      %dma_start3A_18 = tpu.memref_slice %arg8[%mul3A_10, %dma_start3A_17] : memref<10112x128xf32, #tpu.memory_space<vmem_shared>> -> memref<632x128xf32, #tpu.memory_space<vmem_shared>>
      tpu.enqueue_dma source(%dma_start3A_18 : memref<632x128xf32, #tpu.memory_space<vmem_shared>>) target(%dma_start3A_16 : memref<632x128xf32, #tpu.memory_space<hbm>>) target_semaphore(%run_scoped3A : memref<!tpu.dma_semaphore, #tpu.memory_space<semaphore_mem>>)
      %dma_wait3A = arith.constant 0 : i32
      %dma_wait3A_19 = tpu.memref_slice %arg5[%add3A_15, %dma_wait3A] : memref<20224x128xf32, #tpu.memory_space<hbm>> -> memref<632x128xf32, #tpu.memory_space<hbm>>
      %dma_wait3A_20 = arith.constant 0 : i32
      %dma_wait3A_21 = tpu.memref_slice %arg8[%mul3A_10, %dma_wait3A_20] : memref<10112x128xf32, #tpu.memory_space<vmem_shared>> -> memref<632x128xf32, #tpu.memory_space<vmem_shared>>
      tpu.wait_dma2 semaphore(%run_scoped3A : memref<!tpu.dma_semaphore, #tpu.memory_space<semaphore_mem>>) src(%dma_wait3A_21 : memref<632x128xf32, #tpu.memory_space<vmem_shared>>) dst(%dma_wait3A_19 : memref<632x128xf32, #tpu.memory_space<hbm>>)
      tpu.yield
    }) : () -> ()
    return
  }
}

#map = affine_map<(d0, d1) -> (0, 0)>
module attributes {stable_mosaic.version = 14 : i64} {
  func.func @_sc_conv_body(%arg0: i32, %arg1: i32, %arg2: memref<10112x128xf32, #tpu.memory_space<hbm>>, %arg3: memref<5120x128xi32, #tpu.memory_space<hbm>>, %arg4: memref<10112x128xf32, #tpu.memory_space<hbm>>, %arg5: memref<20224x128xf32, #tpu.memory_space<hbm>>, %arg6: memref<16x128xi32, #tpu.memory_space<vmem>>, %arg7: memref<256x128xf32, #tpu.memory_space<vmem>>, %arg8: memref<10112x128xf32, #tpu.memory_space<vmem_shared>>, %arg9: memref<!tpu.dma_semaphore, #tpu.memory_space<semaphore_mem>>, %arg10: memref<!tpu.dma_semaphore, #tpu.memory_space<semaphore_mem>>, %arg11: memref<!tpu.dma_semaphore, #tpu.memory_space<semaphore_mem>>, %arg12: memref<!tpu.dma_semaphore, #tpu.memory_space<semaphore_mem>>) attributes {dimension_semantics = [#tpu.dimension_semantics<core_parallel>, #tpu.dimension_semantics<subcore_parallel>], iteration_bounds = array<i64: 2, 16>, scalar_prefetch = 0 : i64, scratch_operands = 7 : i64, tpu.core_type = #tpu.core_type<sc_vector_subcore>, window_params = [{transform_indices = #map}, {transform_indices = #map}, {transform_indices = #map}, {transform_indices = #map}]} {
    %mul3A = arith.constant 2 : i32
    %mul3A_0 = arith.muli %arg1, %mul3A : i32
    %add3A = arith.addi %mul3A_0, %arg0 : i32
    %eq3A = arith.constant 0 : i32
    %eq3A_1 = arith.cmpi eq, %arg1, %eq3A : i32
    %convert_element_type3A = arith.extui %eq3A_1 : i1 to i32
    %cond3A = arith.constant 0 : i32
    %cond3A_2 = arith.cmpi ne, %convert_element_type3A, %cond3A : i32
    scf.if %cond3A_2 {
      "tpu.region"() ({
        %run_scoped3A = tpu.sem_alloc : memref<!tpu.dma_semaphore, #tpu.memory_space<semaphore_mem>>
        tpu.enqueue_dma source(%arg4 : memref<10112x128xf32, #tpu.memory_space<hbm>>) target(%arg8 : memref<10112x128xf32, #tpu.memory_space<vmem_shared>>) target_semaphore(%run_scoped3A : memref<!tpu.dma_semaphore, #tpu.memory_space<semaphore_mem>>)
        tpu.wait_dma2 semaphore(%run_scoped3A : memref<!tpu.dma_semaphore, #tpu.memory_space<semaphore_mem>>) src(%arg4 : memref<10112x128xf32, #tpu.memory_space<hbm>>) dst(%arg8 : memref<10112x128xf32, #tpu.memory_space<vmem_shared>>)
        tpu.yield
      }) : () -> ()
    } else {
    }
    %barrier3A = arith.constant 0 : index
    tpu.barrier barrier_id(%barrier3A)
    %scan3A = arith.constant 0 : i32
    %scan3A_3 = arith.constant 0 : i32
    %scan3A_4 = arith.constant 10 : i32
    %scan3A_5 = arith.addi %scan3A_3, %scan3A_4 : i32
    %scan3A_6 = arith.constant 1 : i32
    scf.for %scan3A_16 = %scan3A_3 to %scan3A_5 step %scan3A_6  : i32 {
      %mul3A_17 = arith.constant 10 : i32
      %mul3A_18 = arith.muli %add3A, %mul3A_17 : i32
      %add3A_19 = arith.addi %mul3A_18, %scan3A_16 : i32
      %mul3A_20 = arith.constant 2 : i32
      %mul3A_21 = arith.muli %add3A_19, %mul3A_20 : i32
      %mul3A_22 = arith.constant 8 : i32
      %mul3A_23 = arith.muli %mul3A_21, %mul3A_22 : i32
      "tpu.region"() ({
        %run_scoped3A_381 = tpu.sem_alloc : memref<!tpu.dma_semaphore, #tpu.memory_space<semaphore_mem>>
        %dma_start3A_382 = arith.constant 0 : i32
        %dma_start3A_383 = tpu.memref_slice %arg3[%mul3A_23, %dma_start3A_382] : memref<5120x128xi32, #tpu.memory_space<hbm>> -> memref<16x128xi32, #tpu.memory_space<hbm>>
        %dma_start3A_384 = arith.constant 0 : i32
        %dma_start3A_385 = tpu.memref_slice %arg3[%mul3A_23, %dma_start3A_384] : memref<5120x128xi32, #tpu.memory_space<hbm>> -> memref<16x128xi32, #tpu.memory_space<hbm>>
        tpu.enqueue_dma source(%dma_start3A_385 : memref<16x128xi32, #tpu.memory_space<hbm>>) target(%arg6 : memref<16x128xi32, #tpu.memory_space<vmem>>) target_semaphore(%run_scoped3A_381 : memref<!tpu.dma_semaphore, #tpu.memory_space<semaphore_mem>>)
        %dma_wait3A_386 = arith.constant 0 : i32
        %dma_wait3A_387 = tpu.memref_slice %arg3[%mul3A_23, %dma_wait3A_386] : memref<5120x128xi32, #tpu.memory_space<hbm>> -> memref<16x128xi32, #tpu.memory_space<hbm>>
        %dma_wait3A_388 = arith.constant 0 : i32
        %dma_wait3A_389 = tpu.memref_slice %arg3[%mul3A_23, %dma_wait3A_388] : memref<5120x128xi32, #tpu.memory_space<hbm>> -> memref<16x128xi32, #tpu.memory_space<hbm>>
        tpu.wait_dma2 semaphore(%run_scoped3A_381 : memref<!tpu.dma_semaphore, #tpu.memory_space<semaphore_mem>>) src(%dma_wait3A_389 : memref<16x128xi32, #tpu.memory_space<hbm>>) dst(%arg6 : memref<16x128xi32, #tpu.memory_space<vmem>>)
        tpu.yield
      }) : () -> ()
      %dma_start3A = arith.constant 0 : i32
      %dma_start3A_24 = arith.constant 0 : i32
      %dma_start3A_25 = arith.constant 0 : i32
      %dma_start3A_26 = tpu.memref_slice %arg7[%dma_start3A_24, %dma_start3A_25] : memref<256x128xf32, #tpu.memory_space<vmem>> -> memref<64x128xf32, #tpu.memory_space<vmem>>
      %dma_start3A_27 = arith.constant 0 : i32
      %dma_start3A_28 = tpu.memref_slice %arg6[%dma_start3A, %dma_start3A_27] : memref<16x128xi32, #tpu.memory_space<vmem>> -> memref<1x64xi32, #tpu.memory_space<vmem>>
      %dma_start3A_29 = tpu.memref_squeeze %dma_start3A_28 : memref<1x64xi32, #tpu.memory_space<vmem>> -> memref<64xi32, #tpu.memory_space<vmem>>
      %dma_start3A_30 = arith.constant 0 : i32
      %dma_start3A_31 = arith.constant 0 : i32
      %dma_start3A_32 = tpu.memref_slice %arg2[%dma_start3A_30, %dma_start3A_31] : memref<10112x128xf32, #tpu.memory_space<hbm>> -> memref<10112x128xf32, #tpu.memory_space<hbm>>
      tpu.enqueue_indirect_dma source(%dma_start3A_32 : memref<10112x128xf32, #tpu.memory_space<hbm>>) target(%dma_start3A_26 : memref<64x128xf32, #tpu.memory_space<vmem>>) offsets(%dma_start3A_29 : memref<64xi32, #tpu.memory_space<vmem>>) semaphore(%arg9 : memref<!tpu.dma_semaphore, #tpu.memory_space<semaphore_mem>>)
      %dma_start3A_33 = arith.constant 0 : i32
      %dma_start3A_34 = arith.constant 64 : i32
      %dma_start3A_35 = arith.constant 0 : i32
      %dma_start3A_36 = tpu.memref_slice %arg7[%dma_start3A_34, %dma_start3A_35] : memref<256x128xf32, #tpu.memory_space<vmem>> -> memref<64x128xf32, #tpu.memory_space<vmem>>
      %dma_start3A_37 = arith.constant 64 : i32
      %dma_start3A_38 = tpu.memref_slice %arg6[%dma_start3A_33, %dma_start3A_37] : memref<16x128xi32, #tpu.memory_space<vmem>> -> memref<1x64xi32, #tpu.memory_space<vmem>>
      %dma_start3A_39 = tpu.memref_squeeze %dma_start3A_38 : memref<1x64xi32, #tpu.memory_space<vmem>> -> memref<64xi32, #tpu.memory_space<vmem>>
      %dma_start3A_40 = arith.constant 0 : i32
      %dma_start3A_41 = arith.constant 0 : i32
      %dma_start3A_42 = tpu.memref_slice %arg2[%dma_start3A_40, %dma_start3A_41] : memref<10112x128xf32, #tpu.memory_space<hbm>> -> memref<10112x128xf32, #tpu.memory_space<hbm>>
      tpu.enqueue_indirect_dma source(%dma_start3A_42 : memref<10112x128xf32, #tpu.memory_space<hbm>>) target(%dma_start3A_36 : memref<64x128xf32, #tpu.memory_space<vmem>>) offsets(%dma_start3A_39 : memref<64xi32, #tpu.memory_space<vmem>>) semaphore(%arg10 : memref<!tpu.dma_semaphore, #tpu.memory_space<semaphore_mem>>)
      %dma_start3A_43 = arith.constant 1 : i32
      %dma_start3A_44 = arith.constant 128 : i32
      %dma_start3A_45 = arith.constant 0 : i32
      %dma_start3A_46 = tpu.memref_slice %arg7[%dma_start3A_44, %dma_start3A_45] : memref<256x128xf32, #tpu.memory_space<vmem>> -> memref<64x128xf32, #tpu.memory_space<vmem>>
      %dma_start3A_47 = arith.constant 0 : i32
      %dma_start3A_48 = tpu.memref_slice %arg6[%dma_start3A_43, %dma_start3A_47] : memref<16x128xi32, #tpu.memory_space<vmem>> -> memref<1x64xi32, #tpu.memory_space<vmem>>
      %dma_start3A_49 = tpu.memref_squeeze %dma_start3A_48 : memref<1x64xi32, #tpu.memory_space<vmem>> -> memref<64xi32, #tpu.memory_space<vmem>>
      %dma_start3A_50 = arith.constant 0 : i32
      %dma_start3A_51 = arith.constant 0 : i32
      %dma_start3A_52 = tpu.memref_slice %arg2[%dma_start3A_50, %dma_start3A_51] : memref<10112x128xf32, #tpu.memory_space<hbm>> -> memref<10112x128xf32, #tpu.memory_space<hbm>>
      tpu.enqueue_indirect_dma source(%dma_start3A_52 : memref<10112x128xf32, #tpu.memory_space<hbm>>) target(%dma_start3A_46 : memref<64x128xf32, #tpu.memory_space<vmem>>) offsets(%dma_start3A_49 : memref<64xi32, #tpu.memory_space<vmem>>) semaphore(%arg11 : memref<!tpu.dma_semaphore, #tpu.memory_space<semaphore_mem>>)
      %dma_start3A_53 = arith.constant 1 : i32
      %dma_start3A_54 = arith.constant 192 : i32
      %dma_start3A_55 = arith.constant 0 : i32
      %dma_start3A_56 = tpu.memref_slice %arg7[%dma_start3A_54, %dma_start3A_55] : memref<256x128xf32, #tpu.memory_space<vmem>> -> memref<64x128xf32, #tpu.memory_space<vmem>>
      %dma_start3A_57 = arith.constant 64 : i32
      %dma_start3A_58 = tpu.memref_slice %arg6[%dma_start3A_53, %dma_start3A_57] : memref<16x128xi32, #tpu.memory_space<vmem>> -> memref<1x64xi32, #tpu.memory_space<vmem>>
      %dma_start3A_59 = tpu.memref_squeeze %dma_start3A_58 : memref<1x64xi32, #tpu.memory_space<vmem>> -> memref<64xi32, #tpu.memory_space<vmem>>
      %dma_start3A_60 = arith.constant 0 : i32
      %dma_start3A_61 = arith.constant 0 : i32
      %dma_start3A_62 = tpu.memref_slice %arg2[%dma_start3A_60, %dma_start3A_61] : memref<10112x128xf32, #tpu.memory_space<hbm>> -> memref<10112x128xf32, #tpu.memory_space<hbm>>
      tpu.enqueue_indirect_dma source(%dma_start3A_62 : memref<10112x128xf32, #tpu.memory_space<hbm>>) target(%dma_start3A_56 : memref<64x128xf32, #tpu.memory_space<vmem>>) offsets(%dma_start3A_59 : memref<64xi32, #tpu.memory_space<vmem>>) semaphore(%arg12 : memref<!tpu.dma_semaphore, #tpu.memory_space<semaphore_mem>>)
      %dma_wait3A = arith.constant 0 : i32
      %dma_wait3A_63 = arith.constant 0 : i32
      %dma_wait3A_64 = tpu.memref_slice %arg7[%dma_wait3A, %dma_wait3A_63] : memref<256x128xf32, #tpu.memory_space<vmem>> -> memref<64x128xf32, #tpu.memory_space<vmem>>
      %dma_wait3A_65 = arith.constant 0 : i32
      %dma_wait3A_66 = arith.constant 0 : i32
      %dma_wait3A_67 = tpu.memref_slice %arg2[%dma_wait3A_65, %dma_wait3A_66] : memref<10112x128xf32, #tpu.memory_space<hbm>> -> memref<64x128xf32, #tpu.memory_space<hbm>>
      %dma_wait3A_68 = arith.constant 0 : i32
      %dma_wait3A_69 = arith.constant 0 : i32
      %dma_wait3A_70 = tpu.memref_slice %arg7[%dma_wait3A_68, %dma_wait3A_69] : memref<256x128xf32, #tpu.memory_space<vmem>> -> memref<64x128xf32, #tpu.memory_space<vmem>>
      %dma_wait3A_71 = arith.constant 0 : i32
      %dma_wait3A_72 = arith.constant 0 : i32
      %dma_wait3A_73 = tpu.memref_slice %arg2[%dma_wait3A_71, %dma_wait3A_72] : memref<10112x128xf32, #tpu.memory_space<hbm>> -> memref<64x128xf32, #tpu.memory_space<hbm>>
      tpu.wait_dma2 semaphore(%arg9 : memref<!tpu.dma_semaphore, #tpu.memory_space<semaphore_mem>>) src(%dma_wait3A_73 : memref<64x128xf32, #tpu.memory_space<hbm>>) dst(%dma_wait3A_70 : memref<64x128xf32, #tpu.memory_space<vmem>>)
      %dma_wait3A_74 = arith.constant 64 : i32
      %dma_wait3A_75 = arith.constant 0 : i32
      %dma_wait3A_76 = tpu.memref_slice %arg7[%dma_wait3A_74, %dma_wait3A_75] : memref<256x128xf32, #tpu.memory_space<vmem>> -> memref<64x128xf32, #tpu.memory_space<vmem>>
      %dma_wait3A_77 = arith.constant 0 : i32
      %dma_wait3A_78 = arith.constant 0 : i32
      %dma_wait3A_79 = tpu.memref_slice %arg2[%dma_wait3A_77, %dma_wait3A_78] : memref<10112x128xf32, #tpu.memory_space<hbm>> -> memref<64x128xf32, #tpu.memory_space<hbm>>
      %dma_wait3A_80 = arith.constant 64 : i32
      %dma_wait3A_81 = arith.constant 0 : i32
      %dma_wait3A_82 = tpu.memref_slice %arg7[%dma_wait3A_80, %dma_wait3A_81] : memref<256x128xf32, #tpu.memory_space<vmem>> -> memref<64x128xf32, #tpu.memory_space<vmem>>
      %dma_wait3A_83 = arith.constant 0 : i32
      %dma_wait3A_84 = arith.constant 0 : i32
      %dma_wait3A_85 = tpu.memref_slice %arg2[%dma_wait3A_83, %dma_wait3A_84] : memref<10112x128xf32, #tpu.memory_space<hbm>> -> memref<64x128xf32, #tpu.memory_space<hbm>>
      tpu.wait_dma2 semaphore(%arg10 : memref<!tpu.dma_semaphore, #tpu.memory_space<semaphore_mem>>) src(%dma_wait3A_85 : memref<64x128xf32, #tpu.memory_space<hbm>>) dst(%dma_wait3A_82 : memref<64x128xf32, #tpu.memory_space<vmem>>)
      %run_scoped3A = arith.constant 8 : i32
      "tpu.region"() ({
        %run_scoped3A_381 = tpu.sem_alloc : memref<!tpu.dma_semaphore, #tpu.memory_space<semaphore_mem>>
        %dma_start3A_382 = arith.constant 0 : i32
        %dma_start3A_383 = arith.constant 0 : i32
        %dma_start3A_384 = tpu.memref_slice %arg7[%dma_start3A_382, %dma_start3A_383] : memref<256x128xf32, #tpu.memory_space<vmem>> -> memref<128x128xf32, #tpu.memory_space<vmem>>
        %dma_start3A_385 = arith.constant 0 : i32
        %dma_start3A_386 = tpu.memref_slice %arg6[%run_scoped3A, %dma_start3A_385] : memref<16x128xi32, #tpu.memory_space<vmem>> -> memref<1x128xi32, #tpu.memory_space<vmem>>
        %dma_start3A_387 = tpu.memref_squeeze %dma_start3A_386 : memref<1x128xi32, #tpu.memory_space<vmem>> -> memref<128xi32, #tpu.memory_space<vmem>>
        %dma_start3A_388 = arith.constant 0 : i32
        %dma_start3A_389 = arith.constant 0 : i32
        %dma_start3A_390 = tpu.memref_slice %arg8[%dma_start3A_388, %dma_start3A_389] : memref<10112x128xf32, #tpu.memory_space<vmem_shared>> -> memref<10112x128xf32, #tpu.memory_space<vmem_shared>>
        tpu.enqueue_indirect_dma source(%dma_start3A_384 : memref<128x128xf32, #tpu.memory_space<vmem>>) target(%dma_start3A_390 : memref<10112x128xf32, #tpu.memory_space<vmem_shared>>) offsets(%dma_start3A_387 : memref<128xi32, #tpu.memory_space<vmem>>) semaphore(%run_scoped3A_381 : memref<!tpu.dma_semaphore, #tpu.memory_space<semaphore_mem>>) {add = true}
        %dma_wait3A_391 = arith.constant 0 : i32
        %dma_wait3A_392 = arith.constant 0 : i32
        %dma_wait3A_393 = tpu.memref_slice %arg7[%dma_wait3A_391, %dma_wait3A_392] : memref<256x128xf32, #tpu.memory_space<vmem>> -> memref<128x128xf32, #tpu.memory_space<vmem>>
        %dma_wait3A_394 = arith.constant 0 : i32
        %dma_wait3A_395 = tpu.memref_slice %arg6[%run_scoped3A, %dma_wait3A_394] : memref<16x128xi32, #tpu.memory_space<vmem>> -> memref<1x128xi32, #tpu.memory_space<vmem>>
        %dma_wait3A_396 = tpu.memref_squeeze %dma_wait3A_395 : memref<1x128xi32, #tpu.memory_space<vmem>> -> memref<128xi32, #tpu.memory_space<vmem>>
        %dma_wait3A_397 = arith.constant 0 : i32
        %dma_wait3A_398 = arith.constant 0 : i32
        %dma_wait3A_399 = tpu.memref_slice %arg8[%dma_wait3A_397, %dma_wait3A_398] : memref<10112x128xf32, #tpu.memory_space<vmem_shared>> -> memref<10112x128xf32, #tpu.memory_space<vmem_shared>>
        tpu.wait_indirect_dma semaphore(%run_scoped3A_381 : memref<!tpu.dma_semaphore, #tpu.memory_space<semaphore_mem>>) src(%dma_wait3A_393 : memref<128x128xf32, #tpu.memory_space<vmem>>) dst(%dma_wait3A_399 : memref<10112x128xf32, #tpu.memory_space<vmem_shared>>)
        tpu.yield
      }) : () -> ()
      %dma_start3A_86 = arith.constant 2 : i32
      %dma_start3A_87 = arith.constant 0 : i32
      %dma_start3A_88 = arith.constant 0 : i32
      %dma_start3A_89 = tpu.memref_slice %arg7[%dma_start3A_87, %dma_start3A_88] : memref<256x128xf32, #tpu.memory_space<vmem>> -> memref<64x128xf32, #tpu.memory_space<vmem>>
      %dma_start3A_90 = arith.constant 0 : i32
      %dma_start3A_91 = tpu.memref_slice %arg6[%dma_start3A_86, %dma_start3A_90] : memref<16x128xi32, #tpu.memory_space<vmem>> -> memref<1x64xi32, #tpu.memory_space<vmem>>
      %dma_start3A_92 = tpu.memref_squeeze %dma_start3A_91 : memref<1x64xi32, #tpu.memory_space<vmem>> -> memref<64xi32, #tpu.memory_space<vmem>>
      %dma_start3A_93 = arith.constant 0 : i32
      %dma_start3A_94 = arith.constant 0 : i32
      %dma_start3A_95 = tpu.memref_slice %arg2[%dma_start3A_93, %dma_start3A_94] : memref<10112x128xf32, #tpu.memory_space<hbm>> -> memref<10112x128xf32, #tpu.memory_space<hbm>>
      tpu.enqueue_indirect_dma source(%dma_start3A_95 : memref<10112x128xf32, #tpu.memory_space<hbm>>) target(%dma_start3A_89 : memref<64x128xf32, #tpu.memory_space<vmem>>) offsets(%dma_start3A_92 : memref<64xi32, #tpu.memory_space<vmem>>) semaphore(%arg9 : memref<!tpu.dma_semaphore, #tpu.memory_space<semaphore_mem>>)
      %dma_start3A_96 = arith.constant 2 : i32
      %dma_start3A_97 = arith.constant 64 : i32
      %dma_start3A_98 = arith.constant 0 : i32
      %dma_start3A_99 = tpu.memref_slice %arg7[%dma_start3A_97, %dma_start3A_98] : memref<256x128xf32, #tpu.memory_space<vmem>> -> memref<64x128xf32, #tpu.memory_space<vmem>>
      %dma_start3A_100 = arith.constant 64 : i32
      %dma_start3A_101 = tpu.memref_slice %arg6[%dma_start3A_96, %dma_start3A_100] : memref<16x128xi32, #tpu.memory_space<vmem>> -> memref<1x64xi32, #tpu.memory_space<vmem>>
      %dma_start3A_102 = tpu.memref_squeeze %dma_start3A_101 : memref<1x64xi32, #tpu.memory_space<vmem>> -> memref<64xi32, #tpu.memory_space<vmem>>
      %dma_start3A_103 = arith.constant 0 : i32
      %dma_start3A_104 = arith.constant 0 : i32
      %dma_start3A_105 = tpu.memref_slice %arg2[%dma_start3A_103, %dma_start3A_104] : memref<10112x128xf32, #tpu.memory_space<hbm>> -> memref<10112x128xf32, #tpu.memory_space<hbm>>
      tpu.enqueue_indirect_dma source(%dma_start3A_105 : memref<10112x128xf32, #tpu.memory_space<hbm>>) target(%dma_start3A_99 : memref<64x128xf32, #tpu.memory_space<vmem>>) offsets(%dma_start3A_102 : memref<64xi32, #tpu.memory_space<vmem>>) semaphore(%arg10 : memref<!tpu.dma_semaphore, #tpu.memory_space<semaphore_mem>>)
      %dma_wait3A_106 = arith.constant 128 : i32
      %dma_wait3A_107 = arith.constant 0 : i32
      %dma_wait3A_108 = tpu.memref_slice %arg7[%dma_wait3A_106, %dma_wait3A_107] : memref<256x128xf32, #tpu.memory_space<vmem>> -> memref<64x128xf32, #tpu.memory_space<vmem>>
      %dma_wait3A_109 = arith.constant 0 : i32
      %dma_wait3A_110 = arith.constant 0 : i32
      %dma_wait3A_111 = tpu.memref_slice %arg2[%dma_wait3A_109, %dma_wait3A_110] : memref<10112x128xf32, #tpu.memory_space<hbm>> -> memref<64x128xf32, #tpu.memory_space<hbm>>
      %dma_wait3A_112 = arith.constant 128 : i32
      %dma_wait3A_113 = arith.constant 0 : i32
      %dma_wait3A_114 = tpu.memref_slice %arg7[%dma_wait3A_112, %dma_wait3A_113] : memref<256x128xf32, #tpu.memory_space<vmem>> -> memref<64x128xf32, #tpu.memory_space<vmem>>
      %dma_wait3A_115 = arith.constant 0 : i32
      %dma_wait3A_116 = arith.constant 0 : i32
      %dma_wait3A_117 = tpu.memref_slice %arg2[%dma_wait3A_115, %dma_wait3A_116] : memref<10112x128xf32, #tpu.memory_space<hbm>> -> memref<64x128xf32, #tpu.memory_space<hbm>>
      tpu.wait_dma2 semaphore(%arg11 : memref<!tpu.dma_semaphore, #tpu.memory_space<semaphore_mem>>) src(%dma_wait3A_117 : memref<64x128xf32, #tpu.memory_space<hbm>>) dst(%dma_wait3A_114 : memref<64x128xf32, #tpu.memory_space<vmem>>)
      %dma_wait3A_118 = arith.constant 192 : i32
      %dma_wait3A_119 = arith.constant 0 : i32
      %dma_wait3A_120 = tpu.memref_slice %arg7[%dma_wait3A_118, %dma_wait3A_119] : memref<256x128xf32, #tpu.memory_space<vmem>> -> memref<64x128xf32, #tpu.memory_space<vmem>>
      %dma_wait3A_121 = arith.constant 0 : i32
      %dma_wait3A_122 = arith.constant 0 : i32
      %dma_wait3A_123 = tpu.memref_slice %arg2[%dma_wait3A_121, %dma_wait3A_122] : memref<10112x128xf32, #tpu.memory_space<hbm>> -> memref<64x128xf32, #tpu.memory_space<hbm>>
      %dma_wait3A_124 = arith.constant 192 : i32
      %dma_wait3A_125 = arith.constant 0 : i32
      %dma_wait3A_126 = tpu.memref_slice %arg7[%dma_wait3A_124, %dma_wait3A_125] : memref<256x128xf32, #tpu.memory_space<vmem>> -> memref<64x128xf32, #tpu.memory_space<vmem>>
      %dma_wait3A_127 = arith.constant 0 : i32
      %dma_wait3A_128 = arith.constant 0 : i32
      %dma_wait3A_129 = tpu.memref_slice %arg2[%dma_wait3A_127, %dma_wait3A_128] : memref<10112x128xf32, #tpu.memory_space<hbm>> -> memref<64x128xf32, #tpu.memory_space<hbm>>
      tpu.wait_dma2 semaphore(%arg12 : memref<!tpu.dma_semaphore, #tpu.memory_space<semaphore_mem>>) src(%dma_wait3A_129 : memref<64x128xf32, #tpu.memory_space<hbm>>) dst(%dma_wait3A_126 : memref<64x128xf32, #tpu.memory_space<vmem>>)
      %run_scoped3A_130 = arith.constant 9 : i32
      "tpu.region"() ({
        %run_scoped3A_381 = tpu.sem_alloc : memref<!tpu.dma_semaphore, #tpu.memory_space<semaphore_mem>>
        %dma_start3A_382 = arith.constant 128 : i32
        %dma_start3A_383 = arith.constant 0 : i32
        %dma_start3A_384 = tpu.memref_slice %arg7[%dma_start3A_382, %dma_start3A_383] : memref<256x128xf32, #tpu.memory_space<vmem>> -> memref<128x128xf32, #tpu.memory_space<vmem>>
        %dma_start3A_385 = arith.constant 0 : i32
        %dma_start3A_386 = tpu.memref_slice %arg6[%run_scoped3A_130, %dma_start3A_385] : memref<16x128xi32, #tpu.memory_space<vmem>> -> memref<1x128xi32, #tpu.memory_space<vmem>>
        %dma_start3A_387 = tpu.memref_squeeze %dma_start3A_386 : memref<1x128xi32, #tpu.memory_space<vmem>> -> memref<128xi32, #tpu.memory_space<vmem>>
        %dma_start3A_388 = arith.constant 0 : i32
        %dma_start3A_389 = arith.constant 0 : i32
        %dma_start3A_390 = tpu.memref_slice %arg8[%dma_start3A_388, %dma_start3A_389] : memref<10112x128xf32, #tpu.memory_space<vmem_shared>> -> memref<10112x128xf32, #tpu.memory_space<vmem_shared>>
        tpu.enqueue_indirect_dma source(%dma_start3A_384 : memref<128x128xf32, #tpu.memory_space<vmem>>) target(%dma_start3A_390 : memref<10112x128xf32, #tpu.memory_space<vmem_shared>>) offsets(%dma_start3A_387 : memref<128xi32, #tpu.memory_space<vmem>>) semaphore(%run_scoped3A_381 : memref<!tpu.dma_semaphore, #tpu.memory_space<semaphore_mem>>) {add = true}
        %dma_wait3A_391 = arith.constant 128 : i32
        %dma_wait3A_392 = arith.constant 0 : i32
        %dma_wait3A_393 = tpu.memref_slice %arg7[%dma_wait3A_391, %dma_wait3A_392] : memref<256x128xf32, #tpu.memory_space<vmem>> -> memref<128x128xf32, #tpu.memory_space<vmem>>
        %dma_wait3A_394 = arith.constant 0 : i32
        %dma_wait3A_395 = tpu.memref_slice %arg6[%run_scoped3A_130, %dma_wait3A_394] : memref<16x128xi32, #tpu.memory_space<vmem>> -> memref<1x128xi32, #tpu.memory_space<vmem>>
        %dma_wait3A_396 = tpu.memref_squeeze %dma_wait3A_395 : memref<1x128xi32, #tpu.memory_space<vmem>> -> memref<128xi32, #tpu.memory_space<vmem>>
        %dma_wait3A_397 = arith.constant 0 : i32
        %dma_wait3A_398 = arith.constant 0 : i32
        %dma_wait3A_399 = tpu.memref_slice %arg8[%dma_wait3A_397, %dma_wait3A_398] : memref<10112x128xf32, #tpu.memory_space<vmem_shared>> -> memref<10112x128xf32, #tpu.memory_space<vmem_shared>>
        tpu.wait_indirect_dma semaphore(%run_scoped3A_381 : memref<!tpu.dma_semaphore, #tpu.memory_space<semaphore_mem>>) src(%dma_wait3A_393 : memref<128x128xf32, #tpu.memory_space<vmem>>) dst(%dma_wait3A_399 : memref<10112x128xf32, #tpu.memory_space<vmem_shared>>)
        tpu.yield
      }) : () -> ()
      %dma_start3A_131 = arith.constant 3 : i32
      %dma_start3A_132 = arith.constant 128 : i32
      %dma_start3A_133 = arith.constant 0 : i32
      %dma_start3A_134 = tpu.memref_slice %arg7[%dma_start3A_132, %dma_start3A_133] : memref<256x128xf32, #tpu.memory_space<vmem>> -> memref<64x128xf32, #tpu.memory_space<vmem>>
      %dma_start3A_135 = arith.constant 0 : i32
      %dma_start3A_136 = tpu.memref_slice %arg6[%dma_start3A_131, %dma_start3A_135] : memref<16x128xi32, #tpu.memory_space<vmem>> -> memref<1x64xi32, #tpu.memory_space<vmem>>
      %dma_start3A_137 = tpu.memref_squeeze %dma_start3A_136 : memref<1x64xi32, #tpu.memory_space<vmem>> -> memref<64xi32, #tpu.memory_space<vmem>>
      %dma_start3A_138 = arith.constant 0 : i32
      %dma_start3A_139 = arith.constant 0 : i32
      %dma_start3A_140 = tpu.memref_slice %arg2[%dma_start3A_138, %dma_start3A_139] : memref<10112x128xf32, #tpu.memory_space<hbm>> -> memref<10112x128xf32, #tpu.memory_space<hbm>>
      tpu.enqueue_indirect_dma source(%dma_start3A_140 : memref<10112x128xf32, #tpu.memory_space<hbm>>) target(%dma_start3A_134 : memref<64x128xf32, #tpu.memory_space<vmem>>) offsets(%dma_start3A_137 : memref<64xi32, #tpu.memory_space<vmem>>) semaphore(%arg11 : memref<!tpu.dma_semaphore, #tpu.memory_space<semaphore_mem>>)
      %dma_start3A_141 = arith.constant 3 : i32
      %dma_start3A_142 = arith.constant 192 : i32
      %dma_start3A_143 = arith.constant 0 : i32
      %dma_start3A_144 = tpu.memref_slice %arg7[%dma_start3A_142, %dma_start3A_143] : memref<256x128xf32, #tpu.memory_space<vmem>> -> memref<64x128xf32, #tpu.memory_space<vmem>>
      %dma_start3A_145 = arith.constant 64 : i32
      %dma_start3A_146 = tpu.memref_slice %arg6[%dma_start3A_141, %dma_start3A_145] : memref<16x128xi32, #tpu.memory_space<vmem>> -> memref<1x64xi32, #tpu.memory_space<vmem>>
      %dma_start3A_147 = tpu.memref_squeeze %dma_start3A_146 : memref<1x64xi32, #tpu.memory_space<vmem>> -> memref<64xi32, #tpu.memory_space<vmem>>
      %dma_start3A_148 = arith.constant 0 : i32
      %dma_start3A_149 = arith.constant 0 : i32
      %dma_start3A_150 = tpu.memref_slice %arg2[%dma_start3A_148, %dma_start3A_149] : memref<10112x128xf32, #tpu.memory_space<hbm>> -> memref<10112x128xf32, #tpu.memory_space<hbm>>
      tpu.enqueue_indirect_dma source(%dma_start3A_150 : memref<10112x128xf32, #tpu.memory_space<hbm>>) target(%dma_start3A_144 : memref<64x128xf32, #tpu.memory_space<vmem>>) offsets(%dma_start3A_147 : memref<64xi32, #tpu.memory_space<vmem>>) semaphore(%arg12 : memref<!tpu.dma_semaphore, #tpu.memory_space<semaphore_mem>>)
      %dma_wait3A_151 = arith.constant 0 : i32
      %dma_wait3A_152 = arith.constant 0 : i32
      %dma_wait3A_153 = tpu.memref_slice %arg7[%dma_wait3A_151, %dma_wait3A_152] : memref<256x128xf32, #tpu.memory_space<vmem>> -> memref<64x128xf32, #tpu.memory_space<vmem>>
      %dma_wait3A_154 = arith.constant 0 : i32
      %dma_wait3A_155 = arith.constant 0 : i32
      %dma_wait3A_156 = tpu.memref_slice %arg2[%dma_wait3A_154, %dma_wait3A_155] : memref<10112x128xf32, #tpu.memory_space<hbm>> -> memref<64x128xf32, #tpu.memory_space<hbm>>
      %dma_wait3A_157 = arith.constant 0 : i32
      %dma_wait3A_158 = arith.constant 0 : i32
      %dma_wait3A_159 = tpu.memref_slice %arg7[%dma_wait3A_157, %dma_wait3A_158] : memref<256x128xf32, #tpu.memory_space<vmem>> -> memref<64x128xf32, #tpu.memory_space<vmem>>
      %dma_wait3A_160 = arith.constant 0 : i32
      %dma_wait3A_161 = arith.constant 0 : i32
      %dma_wait3A_162 = tpu.memref_slice %arg2[%dma_wait3A_160, %dma_wait3A_161] : memref<10112x128xf32, #tpu.memory_space<hbm>> -> memref<64x128xf32, #tpu.memory_space<hbm>>
      tpu.wait_dma2 semaphore(%arg9 : memref<!tpu.dma_semaphore, #tpu.memory_space<semaphore_mem>>) src(%dma_wait3A_162 : memref<64x128xf32, #tpu.memory_space<hbm>>) dst(%dma_wait3A_159 : memref<64x128xf32, #tpu.memory_space<vmem>>)
      %dma_wait3A_163 = arith.constant 64 : i32
      %dma_wait3A_164 = arith.constant 0 : i32
      %dma_wait3A_165 = tpu.memref_slice %arg7[%dma_wait3A_163, %dma_wait3A_164] : memref<256x128xf32, #tpu.memory_space<vmem>> -> memref<64x128xf32, #tpu.memory_space<vmem>>
      %dma_wait3A_166 = arith.constant 0 : i32
      %dma_wait3A_167 = arith.constant 0 : i32
      %dma_wait3A_168 = tpu.memref_slice %arg2[%dma_wait3A_166, %dma_wait3A_167] : memref<10112x128xf32, #tpu.memory_space<hbm>> -> memref<64x128xf32, #tpu.memory_space<hbm>>
      %dma_wait3A_169 = arith.constant 64 : i32
      %dma_wait3A_170 = arith.constant 0 : i32
      %dma_wait3A_171 = tpu.memref_slice %arg7[%dma_wait3A_169, %dma_wait3A_170] : memref<256x128xf32, #tpu.memory_space<vmem>> -> memref<64x128xf32, #tpu.memory_space<vmem>>
      %dma_wait3A_172 = arith.constant 0 : i32
      %dma_wait3A_173 = arith.constant 0 : i32
      %dma_wait3A_174 = tpu.memref_slice %arg2[%dma_wait3A_172, %dma_wait3A_173] : memref<10112x128xf32, #tpu.memory_space<hbm>> -> memref<64x128xf32, #tpu.memory_space<hbm>>
      tpu.wait_dma2 semaphore(%arg10 : memref<!tpu.dma_semaphore, #tpu.memory_space<semaphore_mem>>) src(%dma_wait3A_174 : memref<64x128xf32, #tpu.memory_space<hbm>>) dst(%dma_wait3A_171 : memref<64x128xf32, #tpu.memory_space<vmem>>)
      %run_scoped3A_175 = arith.constant 10 : i32
      "tpu.region"() ({
        %run_scoped3A_381 = tpu.sem_alloc : memref<!tpu.dma_semaphore, #tpu.memory_space<semaphore_mem>>
        %dma_start3A_382 = arith.constant 0 : i32
        %dma_start3A_383 = arith.constant 0 : i32
        %dma_start3A_384 = tpu.memref_slice %arg7[%dma_start3A_382, %dma_start3A_383] : memref<256x128xf32, #tpu.memory_space<vmem>> -> memref<128x128xf32, #tpu.memory_space<vmem>>
        %dma_start3A_385 = arith.constant 0 : i32
        %dma_start3A_386 = tpu.memref_slice %arg6[%run_scoped3A_175, %dma_start3A_385] : memref<16x128xi32, #tpu.memory_space<vmem>> -> memref<1x128xi32, #tpu.memory_space<vmem>>
        %dma_start3A_387 = tpu.memref_squeeze %dma_start3A_386 : memref<1x128xi32, #tpu.memory_space<vmem>> -> memref<128xi32, #tpu.memory_space<vmem>>
        %dma_start3A_388 = arith.constant 0 : i32
        %dma_start3A_389 = arith.constant 0 : i32
        %dma_start3A_390 = tpu.memref_slice %arg8[%dma_start3A_388, %dma_start3A_389] : memref<10112x128xf32, #tpu.memory_space<vmem_shared>> -> memref<10112x128xf32, #tpu.memory_space<vmem_shared>>
        tpu.enqueue_indirect_dma source(%dma_start3A_384 : memref<128x128xf32, #tpu.memory_space<vmem>>) target(%dma_start3A_390 : memref<10112x128xf32, #tpu.memory_space<vmem_shared>>) offsets(%dma_start3A_387 : memref<128xi32, #tpu.memory_space<vmem>>) semaphore(%run_scoped3A_381 : memref<!tpu.dma_semaphore, #tpu.memory_space<semaphore_mem>>) {add = true}
        %dma_wait3A_391 = arith.constant 0 : i32
        %dma_wait3A_392 = arith.constant 0 : i32
        %dma_wait3A_393 = tpu.memref_slice %arg7[%dma_wait3A_391, %dma_wait3A_392] : memref<256x128xf32, #tpu.memory_space<vmem>> -> memref<128x128xf32, #tpu.memory_space<vmem>>
        %dma_wait3A_394 = arith.constant 0 : i32
        %dma_wait3A_395 = tpu.memref_slice %arg6[%run_scoped3A_175, %dma_wait3A_394] : memref<16x128xi32, #tpu.memory_space<vmem>> -> memref<1x128xi32, #tpu.memory_space<vmem>>
        %dma_wait3A_396 = tpu.memref_squeeze %dma_wait3A_395 : memref<1x128xi32, #tpu.memory_space<vmem>> -> memref<128xi32, #tpu.memory_space<vmem>>
        %dma_wait3A_397 = arith.constant 0 : i32
        %dma_wait3A_398 = arith.constant 0 : i32
        %dma_wait3A_399 = tpu.memref_slice %arg8[%dma_wait3A_397, %dma_wait3A_398] : memref<10112x128xf32, #tpu.memory_space<vmem_shared>> -> memref<10112x128xf32, #tpu.memory_space<vmem_shared>>
        tpu.wait_indirect_dma semaphore(%run_scoped3A_381 : memref<!tpu.dma_semaphore, #tpu.memory_space<semaphore_mem>>) src(%dma_wait3A_393 : memref<128x128xf32, #tpu.memory_space<vmem>>) dst(%dma_wait3A_399 : memref<10112x128xf32, #tpu.memory_space<vmem_shared>>)
        tpu.yield
      }) : () -> ()
      %dma_start3A_176 = arith.constant 4 : i32
      %dma_start3A_177 = arith.constant 0 : i32
      %dma_start3A_178 = arith.constant 0 : i32
      %dma_start3A_179 = tpu.memref_slice %arg7[%dma_start3A_177, %dma_start3A_178] : memref<256x128xf32, #tpu.memory_space<vmem>> -> memref<64x128xf32, #tpu.memory_space<vmem>>
      %dma_start3A_180 = arith.constant 0 : i32
      %dma_start3A_181 = tpu.memref_slice %arg6[%dma_start3A_176, %dma_start3A_180] : memref<16x128xi32, #tpu.memory_space<vmem>> -> memref<1x64xi32, #tpu.memory_space<vmem>>
      %dma_start3A_182 = tpu.memref_squeeze %dma_start3A_181 : memref<1x64xi32, #tpu.memory_space<vmem>> -> memref<64xi32, #tpu.memory_space<vmem>>
      %dma_start3A_183 = arith.constant 0 : i32
      %dma_start3A_184 = arith.constant 0 : i32
      %dma_start3A_185 = tpu.memref_slice %arg2[%dma_start3A_183, %dma_start3A_184] : memref<10112x128xf32, #tpu.memory_space<hbm>> -> memref<10112x128xf32, #tpu.memory_space<hbm>>
      tpu.enqueue_indirect_dma source(%dma_start3A_185 : memref<10112x128xf32, #tpu.memory_space<hbm>>) target(%dma_start3A_179 : memref<64x128xf32, #tpu.memory_space<vmem>>) offsets(%dma_start3A_182 : memref<64xi32, #tpu.memory_space<vmem>>) semaphore(%arg9 : memref<!tpu.dma_semaphore, #tpu.memory_space<semaphore_mem>>)
      %dma_start3A_186 = arith.constant 4 : i32
      %dma_start3A_187 = arith.constant 64 : i32
      %dma_start3A_188 = arith.constant 0 : i32
      %dma_start3A_189 = tpu.memref_slice %arg7[%dma_start3A_187, %dma_start3A_188] : memref<256x128xf32, #tpu.memory_space<vmem>> -> memref<64x128xf32, #tpu.memory_space<vmem>>
      %dma_start3A_190 = arith.constant 64 : i32
      %dma_start3A_191 = tpu.memref_slice %arg6[%dma_start3A_186, %dma_start3A_190] : memref<16x128xi32, #tpu.memory_space<vmem>> -> memref<1x64xi32, #tpu.memory_space<vmem>>
      %dma_start3A_192 = tpu.memref_squeeze %dma_start3A_191 : memref<1x64xi32, #tpu.memory_space<vmem>> -> memref<64xi32, #tpu.memory_space<vmem>>
      %dma_start3A_193 = arith.constant 0 : i32
      %dma_start3A_194 = arith.constant 0 : i32
      %dma_start3A_195 = tpu.memref_slice %arg2[%dma_start3A_193, %dma_start3A_194] : memref<10112x128xf32, #tpu.memory_space<hbm>> -> memref<10112x128xf32, #tpu.memory_space<hbm>>
      tpu.enqueue_indirect_dma source(%dma_start3A_195 : memref<10112x128xf32, #tpu.memory_space<hbm>>) target(%dma_start3A_189 : memref<64x128xf32, #tpu.memory_space<vmem>>) offsets(%dma_start3A_192 : memref<64xi32, #tpu.memory_space<vmem>>) semaphore(%arg10 : memref<!tpu.dma_semaphore, #tpu.memory_space<semaphore_mem>>)
      %dma_wait3A_196 = arith.constant 128 : i32
      %dma_wait3A_197 = arith.constant 0 : i32
      %dma_wait3A_198 = tpu.memref_slice %arg7[%dma_wait3A_196, %dma_wait3A_197] : memref<256x128xf32, #tpu.memory_space<vmem>> -> memref<64x128xf32, #tpu.memory_space<vmem>>
      %dma_wait3A_199 = arith.constant 0 : i32
      %dma_wait3A_200 = arith.constant 0 : i32
      %dma_wait3A_201 = tpu.memref_slice %arg2[%dma_wait3A_199, %dma_wait3A_200] : memref<10112x128xf32, #tpu.memory_space<hbm>> -> memref<64x128xf32, #tpu.memory_space<hbm>>
      %dma_wait3A_202 = arith.constant 128 : i32
      %dma_wait3A_203 = arith.constant 0 : i32
      %dma_wait3A_204 = tpu.memref_slice %arg7[%dma_wait3A_202, %dma_wait3A_203] : memref<256x128xf32, #tpu.memory_space<vmem>> -> memref<64x128xf32, #tpu.memory_space<vmem>>
      %dma_wait3A_205 = arith.constant 0 : i32
      %dma_wait3A_206 = arith.constant 0 : i32
      %dma_wait3A_207 = tpu.memref_slice %arg2[%dma_wait3A_205, %dma_wait3A_206] : memref<10112x128xf32, #tpu.memory_space<hbm>> -> memref<64x128xf32, #tpu.memory_space<hbm>>
      tpu.wait_dma2 semaphore(%arg11 : memref<!tpu.dma_semaphore, #tpu.memory_space<semaphore_mem>>) src(%dma_wait3A_207 : memref<64x128xf32, #tpu.memory_space<hbm>>) dst(%dma_wait3A_204 : memref<64x128xf32, #tpu.memory_space<vmem>>)
      %dma_wait3A_208 = arith.constant 192 : i32
      %dma_wait3A_209 = arith.constant 0 : i32
      %dma_wait3A_210 = tpu.memref_slice %arg7[%dma_wait3A_208, %dma_wait3A_209] : memref<256x128xf32, #tpu.memory_space<vmem>> -> memref<64x128xf32, #tpu.memory_space<vmem>>
      %dma_wait3A_211 = arith.constant 0 : i32
      %dma_wait3A_212 = arith.constant 0 : i32
      %dma_wait3A_213 = tpu.memref_slice %arg2[%dma_wait3A_211, %dma_wait3A_212] : memref<10112x128xf32, #tpu.memory_space<hbm>> -> memref<64x128xf32, #tpu.memory_space<hbm>>
      %dma_wait3A_214 = arith.constant 192 : i32
      %dma_wait3A_215 = arith.constant 0 : i32
      %dma_wait3A_216 = tpu.memref_slice %arg7[%dma_wait3A_214, %dma_wait3A_215] : memref<256x128xf32, #tpu.memory_space<vmem>> -> memref<64x128xf32, #tpu.memory_space<vmem>>
      %dma_wait3A_217 = arith.constant 0 : i32
      %dma_wait3A_218 = arith.constant 0 : i32
      %dma_wait3A_219 = tpu.memref_slice %arg2[%dma_wait3A_217, %dma_wait3A_218] : memref<10112x128xf32, #tpu.memory_space<hbm>> -> memref<64x128xf32, #tpu.memory_space<hbm>>
      tpu.wait_dma2 semaphore(%arg12 : memref<!tpu.dma_semaphore, #tpu.memory_space<semaphore_mem>>) src(%dma_wait3A_219 : memref<64x128xf32, #tpu.memory_space<hbm>>) dst(%dma_wait3A_216 : memref<64x128xf32, #tpu.memory_space<vmem>>)
      %run_scoped3A_220 = arith.constant 11 : i32
      "tpu.region"() ({
        %run_scoped3A_381 = tpu.sem_alloc : memref<!tpu.dma_semaphore, #tpu.memory_space<semaphore_mem>>
        %dma_start3A_382 = arith.constant 128 : i32
        %dma_start3A_383 = arith.constant 0 : i32
        %dma_start3A_384 = tpu.memref_slice %arg7[%dma_start3A_382, %dma_start3A_383] : memref<256x128xf32, #tpu.memory_space<vmem>> -> memref<128x128xf32, #tpu.memory_space<vmem>>
        %dma_start3A_385 = arith.constant 0 : i32
        %dma_start3A_386 = tpu.memref_slice %arg6[%run_scoped3A_220, %dma_start3A_385] : memref<16x128xi32, #tpu.memory_space<vmem>> -> memref<1x128xi32, #tpu.memory_space<vmem>>
        %dma_start3A_387 = tpu.memref_squeeze %dma_start3A_386 : memref<1x128xi32, #tpu.memory_space<vmem>> -> memref<128xi32, #tpu.memory_space<vmem>>
        %dma_start3A_388 = arith.constant 0 : i32
        %dma_start3A_389 = arith.constant 0 : i32
        %dma_start3A_390 = tpu.memref_slice %arg8[%dma_start3A_388, %dma_start3A_389] : memref<10112x128xf32, #tpu.memory_space<vmem_shared>> -> memref<10112x128xf32, #tpu.memory_space<vmem_shared>>
        tpu.enqueue_indirect_dma source(%dma_start3A_384 : memref<128x128xf32, #tpu.memory_space<vmem>>) target(%dma_start3A_390 : memref<10112x128xf32, #tpu.memory_space<vmem_shared>>) offsets(%dma_start3A_387 : memref<128xi32, #tpu.memory_space<vmem>>) semaphore(%run_scoped3A_381 : memref<!tpu.dma_semaphore, #tpu.memory_space<semaphore_mem>>) {add = true}
        %dma_wait3A_391 = arith.constant 128 : i32
        %dma_wait3A_392 = arith.constant 0 : i32
        %dma_wait3A_393 = tpu.memref_slice %arg7[%dma_wait3A_391, %dma_wait3A_392] : memref<256x128xf32, #tpu.memory_space<vmem>> -> memref<128x128xf32, #tpu.memory_space<vmem>>
        %dma_wait3A_394 = arith.constant 0 : i32
        %dma_wait3A_395 = tpu.memref_slice %arg6[%run_scoped3A_220, %dma_wait3A_394] : memref<16x128xi32, #tpu.memory_space<vmem>> -> memref<1x128xi32, #tpu.memory_space<vmem>>
        %dma_wait3A_396 = tpu.memref_squeeze %dma_wait3A_395 : memref<1x128xi32, #tpu.memory_space<vmem>> -> memref<128xi32, #tpu.memory_space<vmem>>
        %dma_wait3A_397 = arith.constant 0 : i32
        %dma_wait3A_398 = arith.constant 0 : i32
        %dma_wait3A_399 = tpu.memref_slice %arg8[%dma_wait3A_397, %dma_wait3A_398] : memref<10112x128xf32, #tpu.memory_space<vmem_shared>> -> memref<10112x128xf32, #tpu.memory_space<vmem_shared>>
        tpu.wait_indirect_dma semaphore(%run_scoped3A_381 : memref<!tpu.dma_semaphore, #tpu.memory_space<semaphore_mem>>) src(%dma_wait3A_393 : memref<128x128xf32, #tpu.memory_space<vmem>>) dst(%dma_wait3A_399 : memref<10112x128xf32, #tpu.memory_space<vmem_shared>>)
        tpu.yield
      }) : () -> ()
      %dma_start3A_221 = arith.constant 5 : i32
      %dma_start3A_222 = arith.constant 128 : i32
      %dma_start3A_223 = arith.constant 0 : i32
      %dma_start3A_224 = tpu.memref_slice %arg7[%dma_start3A_222, %dma_start3A_223] : memref<256x128xf32, #tpu.memory_space<vmem>> -> memref<64x128xf32, #tpu.memory_space<vmem>>
      %dma_start3A_225 = arith.constant 0 : i32
      %dma_start3A_226 = tpu.memref_slice %arg6[%dma_start3A_221, %dma_start3A_225] : memref<16x128xi32, #tpu.memory_space<vmem>> -> memref<1x64xi32, #tpu.memory_space<vmem>>
      %dma_start3A_227 = tpu.memref_squeeze %dma_start3A_226 : memref<1x64xi32, #tpu.memory_space<vmem>> -> memref<64xi32, #tpu.memory_space<vmem>>
      %dma_start3A_228 = arith.constant 0 : i32
      %dma_start3A_229 = arith.constant 0 : i32
      %dma_start3A_230 = tpu.memref_slice %arg2[%dma_start3A_228, %dma_start3A_229] : memref<10112x128xf32, #tpu.memory_space<hbm>> -> memref<10112x128xf32, #tpu.memory_space<hbm>>
      tpu.enqueue_indirect_dma source(%dma_start3A_230 : memref<10112x128xf32, #tpu.memory_space<hbm>>) target(%dma_start3A_224 : memref<64x128xf32, #tpu.memory_space<vmem>>) offsets(%dma_start3A_227 : memref<64xi32, #tpu.memory_space<vmem>>) semaphore(%arg11 : memref<!tpu.dma_semaphore, #tpu.memory_space<semaphore_mem>>)
      %dma_start3A_231 = arith.constant 5 : i32
      %dma_start3A_232 = arith.constant 192 : i32
      %dma_start3A_233 = arith.constant 0 : i32
      %dma_start3A_234 = tpu.memref_slice %arg7[%dma_start3A_232, %dma_start3A_233] : memref<256x128xf32, #tpu.memory_space<vmem>> -> memref<64x128xf32, #tpu.memory_space<vmem>>
      %dma_start3A_235 = arith.constant 64 : i32
      %dma_start3A_236 = tpu.memref_slice %arg6[%dma_start3A_231, %dma_start3A_235] : memref<16x128xi32, #tpu.memory_space<vmem>> -> memref<1x64xi32, #tpu.memory_space<vmem>>
      %dma_start3A_237 = tpu.memref_squeeze %dma_start3A_236 : memref<1x64xi32, #tpu.memory_space<vmem>> -> memref<64xi32, #tpu.memory_space<vmem>>
      %dma_start3A_238 = arith.constant 0 : i32
      %dma_start3A_239 = arith.constant 0 : i32
      %dma_start3A_240 = tpu.memref_slice %arg2[%dma_start3A_238, %dma_start3A_239] : memref<10112x128xf32, #tpu.memory_space<hbm>> -> memref<10112x128xf32, #tpu.memory_space<hbm>>
      tpu.enqueue_indirect_dma source(%dma_start3A_240 : memref<10112x128xf32, #tpu.memory_space<hbm>>) target(%dma_start3A_234 : memref<64x128xf32, #tpu.memory_space<vmem>>) offsets(%dma_start3A_237 : memref<64xi32, #tpu.memory_space<vmem>>) semaphore(%arg12 : memref<!tpu.dma_semaphore, #tpu.memory_space<semaphore_mem>>)
      %dma_wait3A_241 = arith.constant 0 : i32
      %dma_wait3A_242 = arith.constant 0 : i32
      %dma_wait3A_243 = tpu.memref_slice %arg7[%dma_wait3A_241, %dma_wait3A_242] : memref<256x128xf32, #tpu.memory_space<vmem>> -> memref<64x128xf32, #tpu.memory_space<vmem>>
      %dma_wait3A_244 = arith.constant 0 : i32
      %dma_wait3A_245 = arith.constant 0 : i32
      %dma_wait3A_246 = tpu.memref_slice %arg2[%dma_wait3A_244, %dma_wait3A_245] : memref<10112x128xf32, #tpu.memory_space<hbm>> -> memref<64x128xf32, #tpu.memory_space<hbm>>
      %dma_wait3A_247 = arith.constant 0 : i32
      %dma_wait3A_248 = arith.constant 0 : i32
      %dma_wait3A_249 = tpu.memref_slice %arg7[%dma_wait3A_247, %dma_wait3A_248] : memref<256x128xf32, #tpu.memory_space<vmem>> -> memref<64x128xf32, #tpu.memory_space<vmem>>
      %dma_wait3A_250 = arith.constant 0 : i32
      %dma_wait3A_251 = arith.constant 0 : i32
      %dma_wait3A_252 = tpu.memref_slice %arg2[%dma_wait3A_250, %dma_wait3A_251] : memref<10112x128xf32, #tpu.memory_space<hbm>> -> memref<64x128xf32, #tpu.memory_space<hbm>>
      tpu.wait_dma2 semaphore(%arg9 : memref<!tpu.dma_semaphore, #tpu.memory_space<semaphore_mem>>) src(%dma_wait3A_252 : memref<64x128xf32, #tpu.memory_space<hbm>>) dst(%dma_wait3A_249 : memref<64x128xf32, #tpu.memory_space<vmem>>)
      %dma_wait3A_253 = arith.constant 64 : i32
      %dma_wait3A_254 = arith.constant 0 : i32
      %dma_wait3A_255 = tpu.memref_slice %arg7[%dma_wait3A_253, %dma_wait3A_254] : memref<256x128xf32, #tpu.memory_space<vmem>> -> memref<64x128xf32, #tpu.memory_space<vmem>>
      %dma_wait3A_256 = arith.constant 0 : i32
      %dma_wait3A_257 = arith.constant 0 : i32
      %dma_wait3A_258 = tpu.memref_slice %arg2[%dma_wait3A_256, %dma_wait3A_257] : memref<10112x128xf32, #tpu.memory_space<hbm>> -> memref<64x128xf32, #tpu.memory_space<hbm>>
      %dma_wait3A_259 = arith.constant 64 : i32
      %dma_wait3A_260 = arith.constant 0 : i32
      %dma_wait3A_261 = tpu.memref_slice %arg7[%dma_wait3A_259, %dma_wait3A_260] : memref<256x128xf32, #tpu.memory_space<vmem>> -> memref<64x128xf32, #tpu.memory_space<vmem>>
      %dma_wait3A_262 = arith.constant 0 : i32
      %dma_wait3A_263 = arith.constant 0 : i32
      %dma_wait3A_264 = tpu.memref_slice %arg2[%dma_wait3A_262, %dma_wait3A_263] : memref<10112x128xf32, #tpu.memory_space<hbm>> -> memref<64x128xf32, #tpu.memory_space<hbm>>
      tpu.wait_dma2 semaphore(%arg10 : memref<!tpu.dma_semaphore, #tpu.memory_space<semaphore_mem>>) src(%dma_wait3A_264 : memref<64x128xf32, #tpu.memory_space<hbm>>) dst(%dma_wait3A_261 : memref<64x128xf32, #tpu.memory_space<vmem>>)
      %run_scoped3A_265 = arith.constant 12 : i32
      "tpu.region"() ({
        %run_scoped3A_381 = tpu.sem_alloc : memref<!tpu.dma_semaphore, #tpu.memory_space<semaphore_mem>>
        %dma_start3A_382 = arith.constant 0 : i32
        %dma_start3A_383 = arith.constant 0 : i32
        %dma_start3A_384 = tpu.memref_slice %arg7[%dma_start3A_382, %dma_start3A_383] : memref<256x128xf32, #tpu.memory_space<vmem>> -> memref<128x128xf32, #tpu.memory_space<vmem>>
        %dma_start3A_385 = arith.constant 0 : i32
        %dma_start3A_386 = tpu.memref_slice %arg6[%run_scoped3A_265, %dma_start3A_385] : memref<16x128xi32, #tpu.memory_space<vmem>> -> memref<1x128xi32, #tpu.memory_space<vmem>>
        %dma_start3A_387 = tpu.memref_squeeze %dma_start3A_386 : memref<1x128xi32, #tpu.memory_space<vmem>> -> memref<128xi32, #tpu.memory_space<vmem>>
        %dma_start3A_388 = arith.constant 0 : i32
        %dma_start3A_389 = arith.constant 0 : i32
        %dma_start3A_390 = tpu.memref_slice %arg8[%dma_start3A_388, %dma_start3A_389] : memref<10112x128xf32, #tpu.memory_space<vmem_shared>> -> memref<10112x128xf32, #tpu.memory_space<vmem_shared>>
        tpu.enqueue_indirect_dma source(%dma_start3A_384 : memref<128x128xf32, #tpu.memory_space<vmem>>) target(%dma_start3A_390 : memref<10112x128xf32, #tpu.memory_space<vmem_shared>>) offsets(%dma_start3A_387 : memref<128xi32, #tpu.memory_space<vmem>>) semaphore(%run_scoped3A_381 : memref<!tpu.dma_semaphore, #tpu.memory_space<semaphore_mem>>) {add = true}
        %dma_wait3A_391 = arith.constant 0 : i32
        %dma_wait3A_392 = arith.constant 0 : i32
        %dma_wait3A_393 = tpu.memref_slice %arg7[%dma_wait3A_391, %dma_wait3A_392] : memref<256x128xf32, #tpu.memory_space<vmem>> -> memref<128x128xf32, #tpu.memory_space<vmem>>
        %dma_wait3A_394 = arith.constant 0 : i32
        %dma_wait3A_395 = tpu.memref_slice %arg6[%run_scoped3A_265, %dma_wait3A_394] : memref<16x128xi32, #tpu.memory_space<vmem>> -> memref<1x128xi32, #tpu.memory_space<vmem>>
        %dma_wait3A_396 = tpu.memref_squeeze %dma_wait3A_395 : memref<1x128xi32, #tpu.memory_space<vmem>> -> memref<128xi32, #tpu.memory_space<vmem>>
        %dma_wait3A_397 = arith.constant 0 : i32
        %dma_wait3A_398 = arith.constant 0 : i32
        %dma_wait3A_399 = tpu.memref_slice %arg8[%dma_wait3A_397, %dma_wait3A_398] : memref<10112x128xf32, #tpu.memory_space<vmem_shared>> -> memref<10112x128xf32, #tpu.memory_space<vmem_shared>>
        tpu.wait_indirect_dma semaphore(%run_scoped3A_381 : memref<!tpu.dma_semaphore, #tpu.memory_space<semaphore_mem>>) src(%dma_wait3A_393 : memref<128x128xf32, #tpu.memory_space<vmem>>) dst(%dma_wait3A_399 : memref<10112x128xf32, #tpu.memory_space<vmem_shared>>)
        tpu.yield
      }) : () -> ()
      %dma_start3A_266 = arith.constant 6 : i32
      %dma_start3A_267 = arith.constant 0 : i32
      %dma_start3A_268 = arith.constant 0 : i32
      %dma_start3A_269 = tpu.memref_slice %arg7[%dma_start3A_267, %dma_start3A_268] : memref<256x128xf32, #tpu.memory_space<vmem>> -> memref<64x128xf32, #tpu.memory_space<vmem>>
      %dma_start3A_270 = arith.constant 0 : i32
      %dma_start3A_271 = tpu.memref_slice %arg6[%dma_start3A_266, %dma_start3A_270] : memref<16x128xi32, #tpu.memory_space<vmem>> -> memref<1x64xi32, #tpu.memory_space<vmem>>
      %dma_start3A_272 = tpu.memref_squeeze %dma_start3A_271 : memref<1x64xi32, #tpu.memory_space<vmem>> -> memref<64xi32, #tpu.memory_space<vmem>>
      %dma_start3A_273 = arith.constant 0 : i32
      %dma_start3A_274 = arith.constant 0 : i32
      %dma_start3A_275 = tpu.memref_slice %arg2[%dma_start3A_273, %dma_start3A_274] : memref<10112x128xf32, #tpu.memory_space<hbm>> -> memref<10112x128xf32, #tpu.memory_space<hbm>>
      tpu.enqueue_indirect_dma source(%dma_start3A_275 : memref<10112x128xf32, #tpu.memory_space<hbm>>) target(%dma_start3A_269 : memref<64x128xf32, #tpu.memory_space<vmem>>) offsets(%dma_start3A_272 : memref<64xi32, #tpu.memory_space<vmem>>) semaphore(%arg9 : memref<!tpu.dma_semaphore, #tpu.memory_space<semaphore_mem>>)
      %dma_start3A_276 = arith.constant 6 : i32
      %dma_start3A_277 = arith.constant 64 : i32
      %dma_start3A_278 = arith.constant 0 : i32
      %dma_start3A_279 = tpu.memref_slice %arg7[%dma_start3A_277, %dma_start3A_278] : memref<256x128xf32, #tpu.memory_space<vmem>> -> memref<64x128xf32, #tpu.memory_space<vmem>>
      %dma_start3A_280 = arith.constant 64 : i32
      %dma_start3A_281 = tpu.memref_slice %arg6[%dma_start3A_276, %dma_start3A_280] : memref<16x128xi32, #tpu.memory_space<vmem>> -> memref<1x64xi32, #tpu.memory_space<vmem>>
      %dma_start3A_282 = tpu.memref_squeeze %dma_start3A_281 : memref<1x64xi32, #tpu.memory_space<vmem>> -> memref<64xi32, #tpu.memory_space<vmem>>
      %dma_start3A_283 = arith.constant 0 : i32
      %dma_start3A_284 = arith.constant 0 : i32
      %dma_start3A_285 = tpu.memref_slice %arg2[%dma_start3A_283, %dma_start3A_284] : memref<10112x128xf32, #tpu.memory_space<hbm>> -> memref<10112x128xf32, #tpu.memory_space<hbm>>
      tpu.enqueue_indirect_dma source(%dma_start3A_285 : memref<10112x128xf32, #tpu.memory_space<hbm>>) target(%dma_start3A_279 : memref<64x128xf32, #tpu.memory_space<vmem>>) offsets(%dma_start3A_282 : memref<64xi32, #tpu.memory_space<vmem>>) semaphore(%arg10 : memref<!tpu.dma_semaphore, #tpu.memory_space<semaphore_mem>>)
      %dma_wait3A_286 = arith.constant 128 : i32
      %dma_wait3A_287 = arith.constant 0 : i32
      %dma_wait3A_288 = tpu.memref_slice %arg7[%dma_wait3A_286, %dma_wait3A_287] : memref<256x128xf32, #tpu.memory_space<vmem>> -> memref<64x128xf32, #tpu.memory_space<vmem>>
      %dma_wait3A_289 = arith.constant 0 : i32
      %dma_wait3A_290 = arith.constant 0 : i32
      %dma_wait3A_291 = tpu.memref_slice %arg2[%dma_wait3A_289, %dma_wait3A_290] : memref<10112x128xf32, #tpu.memory_space<hbm>> -> memref<64x128xf32, #tpu.memory_space<hbm>>
      %dma_wait3A_292 = arith.constant 128 : i32
      %dma_wait3A_293 = arith.constant 0 : i32
      %dma_wait3A_294 = tpu.memref_slice %arg7[%dma_wait3A_292, %dma_wait3A_293] : memref<256x128xf32, #tpu.memory_space<vmem>> -> memref<64x128xf32, #tpu.memory_space<vmem>>
      %dma_wait3A_295 = arith.constant 0 : i32
      %dma_wait3A_296 = arith.constant 0 : i32
      %dma_wait3A_297 = tpu.memref_slice %arg2[%dma_wait3A_295, %dma_wait3A_296] : memref<10112x128xf32, #tpu.memory_space<hbm>> -> memref<64x128xf32, #tpu.memory_space<hbm>>
      tpu.wait_dma2 semaphore(%arg11 : memref<!tpu.dma_semaphore, #tpu.memory_space<semaphore_mem>>) src(%dma_wait3A_297 : memref<64x128xf32, #tpu.memory_space<hbm>>) dst(%dma_wait3A_294 : memref<64x128xf32, #tpu.memory_space<vmem>>)
      %dma_wait3A_298 = arith.constant 192 : i32
      %dma_wait3A_299 = arith.constant 0 : i32
      %dma_wait3A_300 = tpu.memref_slice %arg7[%dma_wait3A_298, %dma_wait3A_299] : memref<256x128xf32, #tpu.memory_space<vmem>> -> memref<64x128xf32, #tpu.memory_space<vmem>>
      %dma_wait3A_301 = arith.constant 0 : i32
      %dma_wait3A_302 = arith.constant 0 : i32
      %dma_wait3A_303 = tpu.memref_slice %arg2[%dma_wait3A_301, %dma_wait3A_302] : memref<10112x128xf32, #tpu.memory_space<hbm>> -> memref<64x128xf32, #tpu.memory_space<hbm>>
      %dma_wait3A_304 = arith.constant 192 : i32
      %dma_wait3A_305 = arith.constant 0 : i32
      %dma_wait3A_306 = tpu.memref_slice %arg7[%dma_wait3A_304, %dma_wait3A_305] : memref<256x128xf32, #tpu.memory_space<vmem>> -> memref<64x128xf32, #tpu.memory_space<vmem>>
      %dma_wait3A_307 = arith.constant 0 : i32
      %dma_wait3A_308 = arith.constant 0 : i32
      %dma_wait3A_309 = tpu.memref_slice %arg2[%dma_wait3A_307, %dma_wait3A_308] : memref<10112x128xf32, #tpu.memory_space<hbm>> -> memref<64x128xf32, #tpu.memory_space<hbm>>
      tpu.wait_dma2 semaphore(%arg12 : memref<!tpu.dma_semaphore, #tpu.memory_space<semaphore_mem>>) src(%dma_wait3A_309 : memref<64x128xf32, #tpu.memory_space<hbm>>) dst(%dma_wait3A_306 : memref<64x128xf32, #tpu.memory_space<vmem>>)
      %run_scoped3A_310 = arith.constant 13 : i32
      "tpu.region"() ({
        %run_scoped3A_381 = tpu.sem_alloc : memref<!tpu.dma_semaphore, #tpu.memory_space<semaphore_mem>>
        %dma_start3A_382 = arith.constant 128 : i32
        %dma_start3A_383 = arith.constant 0 : i32
        %dma_start3A_384 = tpu.memref_slice %arg7[%dma_start3A_382, %dma_start3A_383] : memref<256x128xf32, #tpu.memory_space<vmem>> -> memref<128x128xf32, #tpu.memory_space<vmem>>
        %dma_start3A_385 = arith.constant 0 : i32
        %dma_start3A_386 = tpu.memref_slice %arg6[%run_scoped3A_310, %dma_start3A_385] : memref<16x128xi32, #tpu.memory_space<vmem>> -> memref<1x128xi32, #tpu.memory_space<vmem>>
        %dma_start3A_387 = tpu.memref_squeeze %dma_start3A_386 : memref<1x128xi32, #tpu.memory_space<vmem>> -> memref<128xi32, #tpu.memory_space<vmem>>
        %dma_start3A_388 = arith.constant 0 : i32
        %dma_start3A_389 = arith.constant 0 : i32
        %dma_start3A_390 = tpu.memref_slice %arg8[%dma_start3A_388, %dma_start3A_389] : memref<10112x128xf32, #tpu.memory_space<vmem_shared>> -> memref<10112x128xf32, #tpu.memory_space<vmem_shared>>
        tpu.enqueue_indirect_dma source(%dma_start3A_384 : memref<128x128xf32, #tpu.memory_space<vmem>>) target(%dma_start3A_390 : memref<10112x128xf32, #tpu.memory_space<vmem_shared>>) offsets(%dma_start3A_387 : memref<128xi32, #tpu.memory_space<vmem>>) semaphore(%run_scoped3A_381 : memref<!tpu.dma_semaphore, #tpu.memory_space<semaphore_mem>>) {add = true}
        %dma_wait3A_391 = arith.constant 128 : i32
        %dma_wait3A_392 = arith.constant 0 : i32
        %dma_wait3A_393 = tpu.memref_slice %arg7[%dma_wait3A_391, %dma_wait3A_392] : memref<256x128xf32, #tpu.memory_space<vmem>> -> memref<128x128xf32, #tpu.memory_space<vmem>>
        %dma_wait3A_394 = arith.constant 0 : i32
        %dma_wait3A_395 = tpu.memref_slice %arg6[%run_scoped3A_310, %dma_wait3A_394] : memref<16x128xi32, #tpu.memory_space<vmem>> -> memref<1x128xi32, #tpu.memory_space<vmem>>
        %dma_wait3A_396 = tpu.memref_squeeze %dma_wait3A_395 : memref<1x128xi32, #tpu.memory_space<vmem>> -> memref<128xi32, #tpu.memory_space<vmem>>
        %dma_wait3A_397 = arith.constant 0 : i32
        %dma_wait3A_398 = arith.constant 0 : i32
        %dma_wait3A_399 = tpu.memref_slice %arg8[%dma_wait3A_397, %dma_wait3A_398] : memref<10112x128xf32, #tpu.memory_space<vmem_shared>> -> memref<10112x128xf32, #tpu.memory_space<vmem_shared>>
        tpu.wait_indirect_dma semaphore(%run_scoped3A_381 : memref<!tpu.dma_semaphore, #tpu.memory_space<semaphore_mem>>) src(%dma_wait3A_393 : memref<128x128xf32, #tpu.memory_space<vmem>>) dst(%dma_wait3A_399 : memref<10112x128xf32, #tpu.memory_space<vmem_shared>>)
        tpu.yield
      }) : () -> ()
      %dma_start3A_311 = arith.constant 7 : i32
      %dma_start3A_312 = arith.constant 128 : i32
      %dma_start3A_313 = arith.constant 0 : i32
      %dma_start3A_314 = tpu.memref_slice %arg7[%dma_start3A_312, %dma_start3A_313] : memref<256x128xf32, #tpu.memory_space<vmem>> -> memref<64x128xf32, #tpu.memory_space<vmem>>
      %dma_start3A_315 = arith.constant 0 : i32
      %dma_start3A_316 = tpu.memref_slice %arg6[%dma_start3A_311, %dma_start3A_315] : memref<16x128xi32, #tpu.memory_space<vmem>> -> memref<1x64xi32, #tpu.memory_space<vmem>>
      %dma_start3A_317 = tpu.memref_squeeze %dma_start3A_316 : memref<1x64xi32, #tpu.memory_space<vmem>> -> memref<64xi32, #tpu.memory_space<vmem>>
      %dma_start3A_318 = arith.constant 0 : i32
      %dma_start3A_319 = arith.constant 0 : i32
      %dma_start3A_320 = tpu.memref_slice %arg2[%dma_start3A_318, %dma_start3A_319] : memref<10112x128xf32, #tpu.memory_space<hbm>> -> memref<10112x128xf32, #tpu.memory_space<hbm>>
      tpu.enqueue_indirect_dma source(%dma_start3A_320 : memref<10112x128xf32, #tpu.memory_space<hbm>>) target(%dma_start3A_314 : memref<64x128xf32, #tpu.memory_space<vmem>>) offsets(%dma_start3A_317 : memref<64xi32, #tpu.memory_space<vmem>>) semaphore(%arg11 : memref<!tpu.dma_semaphore, #tpu.memory_space<semaphore_mem>>)
      %dma_start3A_321 = arith.constant 7 : i32
      %dma_start3A_322 = arith.constant 192 : i32
      %dma_start3A_323 = arith.constant 0 : i32
      %dma_start3A_324 = tpu.memref_slice %arg7[%dma_start3A_322, %dma_start3A_323] : memref<256x128xf32, #tpu.memory_space<vmem>> -> memref<64x128xf32, #tpu.memory_space<vmem>>
      %dma_start3A_325 = arith.constant 64 : i32
      %dma_start3A_326 = tpu.memref_slice %arg6[%dma_start3A_321, %dma_start3A_325] : memref<16x128xi32, #tpu.memory_space<vmem>> -> memref<1x64xi32, #tpu.memory_space<vmem>>
      %dma_start3A_327 = tpu.memref_squeeze %dma_start3A_326 : memref<1x64xi32, #tpu.memory_space<vmem>> -> memref<64xi32, #tpu.memory_space<vmem>>
      %dma_start3A_328 = arith.constant 0 : i32
      %dma_start3A_329 = arith.constant 0 : i32
      %dma_start3A_330 = tpu.memref_slice %arg2[%dma_start3A_328, %dma_start3A_329] : memref<10112x128xf32, #tpu.memory_space<hbm>> -> memref<10112x128xf32, #tpu.memory_space<hbm>>
      tpu.enqueue_indirect_dma source(%dma_start3A_330 : memref<10112x128xf32, #tpu.memory_space<hbm>>) target(%dma_start3A_324 : memref<64x128xf32, #tpu.memory_space<vmem>>) offsets(%dma_start3A_327 : memref<64xi32, #tpu.memory_space<vmem>>) semaphore(%arg12 : memref<!tpu.dma_semaphore, #tpu.memory_space<semaphore_mem>>)
      %dma_wait3A_331 = arith.constant 0 : i32
      %dma_wait3A_332 = arith.constant 0 : i32
      %dma_wait3A_333 = tpu.memref_slice %arg7[%dma_wait3A_331, %dma_wait3A_332] : memref<256x128xf32, #tpu.memory_space<vmem>> -> memref<64x128xf32, #tpu.memory_space<vmem>>
      %dma_wait3A_334 = arith.constant 0 : i32
      %dma_wait3A_335 = arith.constant 0 : i32
      %dma_wait3A_336 = tpu.memref_slice %arg2[%dma_wait3A_334, %dma_wait3A_335] : memref<10112x128xf32, #tpu.memory_space<hbm>> -> memref<64x128xf32, #tpu.memory_space<hbm>>
      %dma_wait3A_337 = arith.constant 0 : i32
      %dma_wait3A_338 = arith.constant 0 : i32
      %dma_wait3A_339 = tpu.memref_slice %arg7[%dma_wait3A_337, %dma_wait3A_338] : memref<256x128xf32, #tpu.memory_space<vmem>> -> memref<64x128xf32, #tpu.memory_space<vmem>>
      %dma_wait3A_340 = arith.constant 0 : i32
      %dma_wait3A_341 = arith.constant 0 : i32
      %dma_wait3A_342 = tpu.memref_slice %arg2[%dma_wait3A_340, %dma_wait3A_341] : memref<10112x128xf32, #tpu.memory_space<hbm>> -> memref<64x128xf32, #tpu.memory_space<hbm>>
      tpu.wait_dma2 semaphore(%arg9 : memref<!tpu.dma_semaphore, #tpu.memory_space<semaphore_mem>>) src(%dma_wait3A_342 : memref<64x128xf32, #tpu.memory_space<hbm>>) dst(%dma_wait3A_339 : memref<64x128xf32, #tpu.memory_space<vmem>>)
      %dma_wait3A_343 = arith.constant 64 : i32
      %dma_wait3A_344 = arith.constant 0 : i32
      %dma_wait3A_345 = tpu.memref_slice %arg7[%dma_wait3A_343, %dma_wait3A_344] : memref<256x128xf32, #tpu.memory_space<vmem>> -> memref<64x128xf32, #tpu.memory_space<vmem>>
      %dma_wait3A_346 = arith.constant 0 : i32
      %dma_wait3A_347 = arith.constant 0 : i32
      %dma_wait3A_348 = tpu.memref_slice %arg2[%dma_wait3A_346, %dma_wait3A_347] : memref<10112x128xf32, #tpu.memory_space<hbm>> -> memref<64x128xf32, #tpu.memory_space<hbm>>
      %dma_wait3A_349 = arith.constant 64 : i32
      %dma_wait3A_350 = arith.constant 0 : i32
      %dma_wait3A_351 = tpu.memref_slice %arg7[%dma_wait3A_349, %dma_wait3A_350] : memref<256x128xf32, #tpu.memory_space<vmem>> -> memref<64x128xf32, #tpu.memory_space<vmem>>
      %dma_wait3A_352 = arith.constant 0 : i32
      %dma_wait3A_353 = arith.constant 0 : i32
      %dma_wait3A_354 = tpu.memref_slice %arg2[%dma_wait3A_352, %dma_wait3A_353] : memref<10112x128xf32, #tpu.memory_space<hbm>> -> memref<64x128xf32, #tpu.memory_space<hbm>>
      tpu.wait_dma2 semaphore(%arg10 : memref<!tpu.dma_semaphore, #tpu.memory_space<semaphore_mem>>) src(%dma_wait3A_354 : memref<64x128xf32, #tpu.memory_space<hbm>>) dst(%dma_wait3A_351 : memref<64x128xf32, #tpu.memory_space<vmem>>)
      %run_scoped3A_355 = arith.constant 14 : i32
      "tpu.region"() ({
        %run_scoped3A_381 = tpu.sem_alloc : memref<!tpu.dma_semaphore, #tpu.memory_space<semaphore_mem>>
        %dma_start3A_382 = arith.constant 0 : i32
        %dma_start3A_383 = arith.constant 0 : i32
        %dma_start3A_384 = tpu.memref_slice %arg7[%dma_start3A_382, %dma_start3A_383] : memref<256x128xf32, #tpu.memory_space<vmem>> -> memref<128x128xf32, #tpu.memory_space<vmem>>
        %dma_start3A_385 = arith.constant 0 : i32
        %dma_start3A_386 = tpu.memref_slice %arg6[%run_scoped3A_355, %dma_start3A_385] : memref<16x128xi32, #tpu.memory_space<vmem>> -> memref<1x128xi32, #tpu.memory_space<vmem>>
        %dma_start3A_387 = tpu.memref_squeeze %dma_start3A_386 : memref<1x128xi32, #tpu.memory_space<vmem>> -> memref<128xi32, #tpu.memory_space<vmem>>
        %dma_start3A_388 = arith.constant 0 : i32
        %dma_start3A_389 = arith.constant 0 : i32
        %dma_start3A_390 = tpu.memref_slice %arg8[%dma_start3A_388, %dma_start3A_389] : memref<10112x128xf32, #tpu.memory_space<vmem_shared>> -> memref<10112x128xf32, #tpu.memory_space<vmem_shared>>
        tpu.enqueue_indirect_dma source(%dma_start3A_384 : memref<128x128xf32, #tpu.memory_space<vmem>>) target(%dma_start3A_390 : memref<10112x128xf32, #tpu.memory_space<vmem_shared>>) offsets(%dma_start3A_387 : memref<128xi32, #tpu.memory_space<vmem>>) semaphore(%run_scoped3A_381 : memref<!tpu.dma_semaphore, #tpu.memory_space<semaphore_mem>>) {add = true}
        %dma_wait3A_391 = arith.constant 0 : i32
        %dma_wait3A_392 = arith.constant 0 : i32
        %dma_wait3A_393 = tpu.memref_slice %arg7[%dma_wait3A_391, %dma_wait3A_392] : memref<256x128xf32, #tpu.memory_space<vmem>> -> memref<128x128xf32, #tpu.memory_space<vmem>>
        %dma_wait3A_394 = arith.constant 0 : i32
        %dma_wait3A_395 = tpu.memref_slice %arg6[%run_scoped3A_355, %dma_wait3A_394] : memref<16x128xi32, #tpu.memory_space<vmem>> -> memref<1x128xi32, #tpu.memory_space<vmem>>
        %dma_wait3A_396 = tpu.memref_squeeze %dma_wait3A_395 : memref<1x128xi32, #tpu.memory_space<vmem>> -> memref<128xi32, #tpu.memory_space<vmem>>
        %dma_wait3A_397 = arith.constant 0 : i32
        %dma_wait3A_398 = arith.constant 0 : i32
        %dma_wait3A_399 = tpu.memref_slice %arg8[%dma_wait3A_397, %dma_wait3A_398] : memref<10112x128xf32, #tpu.memory_space<vmem_shared>> -> memref<10112x128xf32, #tpu.memory_space<vmem_shared>>
        tpu.wait_indirect_dma semaphore(%run_scoped3A_381 : memref<!tpu.dma_semaphore, #tpu.memory_space<semaphore_mem>>) src(%dma_wait3A_393 : memref<128x128xf32, #tpu.memory_space<vmem>>) dst(%dma_wait3A_399 : memref<10112x128xf32, #tpu.memory_space<vmem_shared>>)
        tpu.yield
      }) : () -> ()
      %dma_wait3A_356 = arith.constant 128 : i32
      %dma_wait3A_357 = arith.constant 0 : i32
      %dma_wait3A_358 = tpu.memref_slice %arg7[%dma_wait3A_356, %dma_wait3A_357] : memref<256x128xf32, #tpu.memory_space<vmem>> -> memref<64x128xf32, #tpu.memory_space<vmem>>
      %dma_wait3A_359 = arith.constant 0 : i32
      %dma_wait3A_360 = arith.constant 0 : i32
      %dma_wait3A_361 = tpu.memref_slice %arg2[%dma_wait3A_359, %dma_wait3A_360] : memref<10112x128xf32, #tpu.memory_space<hbm>> -> memref<64x128xf32, #tpu.memory_space<hbm>>
      %dma_wait3A_362 = arith.constant 128 : i32
      %dma_wait3A_363 = arith.constant 0 : i32
      %dma_wait3A_364 = tpu.memref_slice %arg7[%dma_wait3A_362, %dma_wait3A_363] : memref<256x128xf32, #tpu.memory_space<vmem>> -> memref<64x128xf32, #tpu.memory_space<vmem>>
      %dma_wait3A_365 = arith.constant 0 : i32
      %dma_wait3A_366 = arith.constant 0 : i32
      %dma_wait3A_367 = tpu.memref_slice %arg2[%dma_wait3A_365, %dma_wait3A_366] : memref<10112x128xf32, #tpu.memory_space<hbm>> -> memref<64x128xf32, #tpu.memory_space<hbm>>
      tpu.wait_dma2 semaphore(%arg11 : memref<!tpu.dma_semaphore, #tpu.memory_space<semaphore_mem>>) src(%dma_wait3A_367 : memref<64x128xf32, #tpu.memory_space<hbm>>) dst(%dma_wait3A_364 : memref<64x128xf32, #tpu.memory_space<vmem>>)
      %dma_wait3A_368 = arith.constant 192 : i32
      %dma_wait3A_369 = arith.constant 0 : i32
      %dma_wait3A_370 = tpu.memref_slice %arg7[%dma_wait3A_368, %dma_wait3A_369] : memref<256x128xf32, #tpu.memory_space<vmem>> -> memref<64x128xf32, #tpu.memory_space<vmem>>
      %dma_wait3A_371 = arith.constant 0 : i32
      %dma_wait3A_372 = arith.constant 0 : i32
      %dma_wait3A_373 = tpu.memref_slice %arg2[%dma_wait3A_371, %dma_wait3A_372] : memref<10112x128xf32, #tpu.memory_space<hbm>> -> memref<64x128xf32, #tpu.memory_space<hbm>>
      %dma_wait3A_374 = arith.constant 192 : i32
      %dma_wait3A_375 = arith.constant 0 : i32
      %dma_wait3A_376 = tpu.memref_slice %arg7[%dma_wait3A_374, %dma_wait3A_375] : memref<256x128xf32, #tpu.memory_space<vmem>> -> memref<64x128xf32, #tpu.memory_space<vmem>>
      %dma_wait3A_377 = arith.constant 0 : i32
      %dma_wait3A_378 = arith.constant 0 : i32
      %dma_wait3A_379 = tpu.memref_slice %arg2[%dma_wait3A_377, %dma_wait3A_378] : memref<10112x128xf32, #tpu.memory_space<hbm>> -> memref<64x128xf32, #tpu.memory_space<hbm>>
      tpu.wait_dma2 semaphore(%arg12 : memref<!tpu.dma_semaphore, #tpu.memory_space<semaphore_mem>>) src(%dma_wait3A_379 : memref<64x128xf32, #tpu.memory_space<hbm>>) dst(%dma_wait3A_376 : memref<64x128xf32, #tpu.memory_space<vmem>>)
      %run_scoped3A_380 = arith.constant 15 : i32
      "tpu.region"() ({
        %run_scoped3A_381 = tpu.sem_alloc : memref<!tpu.dma_semaphore, #tpu.memory_space<semaphore_mem>>
        %dma_start3A_382 = arith.constant 128 : i32
        %dma_start3A_383 = arith.constant 0 : i32
        %dma_start3A_384 = tpu.memref_slice %arg7[%dma_start3A_382, %dma_start3A_383] : memref<256x128xf32, #tpu.memory_space<vmem>> -> memref<128x128xf32, #tpu.memory_space<vmem>>
        %dma_start3A_385 = arith.constant 0 : i32
        %dma_start3A_386 = tpu.memref_slice %arg6[%run_scoped3A_380, %dma_start3A_385] : memref<16x128xi32, #tpu.memory_space<vmem>> -> memref<1x128xi32, #tpu.memory_space<vmem>>
        %dma_start3A_387 = tpu.memref_squeeze %dma_start3A_386 : memref<1x128xi32, #tpu.memory_space<vmem>> -> memref<128xi32, #tpu.memory_space<vmem>>
        %dma_start3A_388 = arith.constant 0 : i32
        %dma_start3A_389 = arith.constant 0 : i32
        %dma_start3A_390 = tpu.memref_slice %arg8[%dma_start3A_388, %dma_start3A_389] : memref<10112x128xf32, #tpu.memory_space<vmem_shared>> -> memref<10112x128xf32, #tpu.memory_space<vmem_shared>>
        tpu.enqueue_indirect_dma source(%dma_start3A_384 : memref<128x128xf32, #tpu.memory_space<vmem>>) target(%dma_start3A_390 : memref<10112x128xf32, #tpu.memory_space<vmem_shared>>) offsets(%dma_start3A_387 : memref<128xi32, #tpu.memory_space<vmem>>) semaphore(%run_scoped3A_381 : memref<!tpu.dma_semaphore, #tpu.memory_space<semaphore_mem>>) {add = true}
        %dma_wait3A_391 = arith.constant 128 : i32
        %dma_wait3A_392 = arith.constant 0 : i32
        %dma_wait3A_393 = tpu.memref_slice %arg7[%dma_wait3A_391, %dma_wait3A_392] : memref<256x128xf32, #tpu.memory_space<vmem>> -> memref<128x128xf32, #tpu.memory_space<vmem>>
        %dma_wait3A_394 = arith.constant 0 : i32
        %dma_wait3A_395 = tpu.memref_slice %arg6[%run_scoped3A_380, %dma_wait3A_394] : memref<16x128xi32, #tpu.memory_space<vmem>> -> memref<1x128xi32, #tpu.memory_space<vmem>>
        %dma_wait3A_396 = tpu.memref_squeeze %dma_wait3A_395 : memref<1x128xi32, #tpu.memory_space<vmem>> -> memref<128xi32, #tpu.memory_space<vmem>>
        %dma_wait3A_397 = arith.constant 0 : i32
        %dma_wait3A_398 = arith.constant 0 : i32
        %dma_wait3A_399 = tpu.memref_slice %arg8[%dma_wait3A_397, %dma_wait3A_398] : memref<10112x128xf32, #tpu.memory_space<vmem_shared>> -> memref<10112x128xf32, #tpu.memory_space<vmem_shared>>
        tpu.wait_indirect_dma semaphore(%run_scoped3A_381 : memref<!tpu.dma_semaphore, #tpu.memory_space<semaphore_mem>>) src(%dma_wait3A_393 : memref<128x128xf32, #tpu.memory_space<vmem>>) dst(%dma_wait3A_399 : memref<10112x128xf32, #tpu.memory_space<vmem_shared>>)
        tpu.yield
      }) : () -> ()
    }
    %scan3A_7 = arith.constant 10 : i32
    %barrier3A_8 = arith.constant 0 : index
    tpu.barrier barrier_id(%barrier3A_8)
    %mul3A_9 = arith.constant 632 : i32
    %mul3A_10 = arith.muli %arg1, %mul3A_9 : i32
    %mul3A_11 = arith.constant 10112 : i32
    %mul3A_12 = arith.muli %arg0, %mul3A_11 : i32
    %mul3A_13 = arith.constant 632 : i32
    %mul3A_14 = arith.muli %arg1, %mul3A_13 : i32
    %add3A_15 = arith.addi %mul3A_12, %mul3A_14 : i32
    "tpu.region"() ({
      %run_scoped3A = tpu.sem_alloc : memref<!tpu.dma_semaphore, #tpu.memory_space<semaphore_mem>>
      %dma_start3A = arith.constant 0 : i32
      %dma_start3A_16 = tpu.memref_slice %arg5[%add3A_15, %dma_start3A] : memref<20224x128xf32, #tpu.memory_space<hbm>> -> memref<632x128xf32, #tpu.memory_space<hbm>>
      %dma_start3A_17 = arith.constant 0 : i32
      %dma_start3A_18 = tpu.memref_slice %arg8[%mul3A_10, %dma_start3A_17] : memref<10112x128xf32, #tpu.memory_space<vmem_shared>> -> memref<632x128xf32, #tpu.memory_space<vmem_shared>>
      tpu.enqueue_dma source(%dma_start3A_18 : memref<632x128xf32, #tpu.memory_space<vmem_shared>>) target(%dma_start3A_16 : memref<632x128xf32, #tpu.memory_space<hbm>>) target_semaphore(%run_scoped3A : memref<!tpu.dma_semaphore, #tpu.memory_space<semaphore_mem>>)
      %dma_wait3A = arith.constant 0 : i32
      %dma_wait3A_19 = tpu.memref_slice %arg5[%add3A_15, %dma_wait3A] : memref<20224x128xf32, #tpu.memory_space<hbm>> -> memref<632x128xf32, #tpu.memory_space<hbm>>
      %dma_wait3A_20 = arith.constant 0 : i32
      %dma_wait3A_21 = tpu.memref_slice %arg8[%mul3A_10, %dma_wait3A_20] : memref<10112x128xf32, #tpu.memory_space<vmem_shared>> -> memref<632x128xf32, #tpu.memory_space<vmem_shared>>
      tpu.wait_dma2 semaphore(%run_scoped3A : memref<!tpu.dma_semaphore, #tpu.memory_space<semaphore_mem>>) src(%dma_wait3A_21 : memref<632x128xf32, #tpu.memory_space<vmem_shared>>) dst(%dma_wait3A_19 : memref<632x128xf32, #tpu.memory_space<hbm>>)
      tpu.yield
    }) : () -> ()
    return
  }
}

module attributes {stable_mosaic.version = 14 : i64} {
  func.func @_tc_mid_body(%arg0: memref<10112x64xf32, #tpu.memory_space<vmem>>, %arg1: memref<2x10112x128xf32, #tpu.memory_space<vmem>>, %arg2: memref<64x128xf32, #tpu.memory_space<vmem>>, %arg3: memref<64x64xf32, #tpu.memory_space<vmem>>, %arg4: memref<1x64xf32, #tpu.memory_space<vmem>>, %arg5: memref<10112x128xf32, #tpu.memory_space<vmem>>, %arg6: memref<10112x64xf32, #tpu.memory_space<vmem>>) attributes {dimension_semantics = [], scalar_prefetch = 0 : i64, scratch_operands = 0 : i64, tpu.core_type = #tpu.core_type<tc>} {
    %get3A = arith.constant 0 : index
    %get3A_0 = arith.constant 0 : index
    %get3A_1 = vector.load %arg0[%get3A, %get3A_0] : memref<10112x64xf32, #tpu.memory_space<vmem>>, vector<10112x64xf32>
    %get3A_2 = arith.constant 0 : index
    %get3A_3 = arith.constant 0 : index
    %get3A_4 = arith.constant 0 : index
    %get3A_5 = vector.load %arg1[%get3A_2, %get3A_3, %get3A_4] : memref<2x10112x128xf32, #tpu.memory_space<vmem>>, vector<1x10112x64xf32>
    %get3A_6 = vector.shape_cast %get3A_5 : vector<1x10112x64xf32> to vector<10112x64xf32>
    %add3A = arith.addf %get3A_1, %get3A_6 : vector<10112x64xf32>
    %get3A_7 = arith.constant 1 : index
    %get3A_8 = arith.constant 0 : index
    %get3A_9 = arith.constant 0 : index
    %get3A_10 = vector.load %arg1[%get3A_7, %get3A_8, %get3A_9] : memref<2x10112x128xf32, #tpu.memory_space<vmem>>, vector<1x10112x64xf32>
    %get3A_11 = vector.shape_cast %get3A_10 : vector<1x10112x64xf32> to vector<10112x64xf32>
    %add3A_12 = arith.addf %add3A, %get3A_11 : vector<10112x64xf32>
    %tanh3A = math.tanh %add3A_12 : vector<10112x64xf32>
    %get3A_13 = arith.constant 0 : index
    %get3A_14 = arith.constant 0 : index
    %get3A_15 = vector.load %arg2[%get3A_13, %get3A_14] : memref<64x128xf32, #tpu.memory_space<vmem>>, vector<64x128xf32>
    %dot_general3A = arith.constant dense<0.000000e+00> : vector<10112x128xf32>
    %dot_general3A_16 = tpu.matmul %tanh3A, %get3A_15, %dot_general3A {dimension_numbers = #tpu.dot_dimension_numbers<[1], [0], [0], [1], [0, 0, 1, 1], [], []>, transpose_lhs_hint = false} : vector<10112x64xf32>, vector<64x128xf32>, vector<10112x128xf32> -> vector<10112x128xf32>
    %iota3A = tpu.iota {dimensions = array<i32: 0>} : vector<10112x128xi32>
    %lt3A = arith.constant 10000 : i32
    %lt3A_17 = vector.broadcast %lt3A : i32 to vector<10112x128xi32>
    %lt3A_18 = arith.cmpi slt, %iota3A, %lt3A_17 : vector<10112x128xi32>
    %jit3A = arith.constant 0.000000e+00 : f32
    %broadcast_in_dim3A = vector.broadcast %jit3A : f32 to vector<10112x128xf32>
    %select_n3A = arith.select %lt3A_18, %dot_general3A_16, %broadcast_in_dim3A : vector<10112x128xi1>, vector<10112x128xf32>
    %swap3A = arith.constant 0 : index
    %swap3A_19 = arith.constant 0 : index
    %swap3A_20 = vector.load %arg5[%swap3A, %swap3A_19] : memref<10112x128xf32, #tpu.memory_space<vmem>>, vector<10112x128xf32>
    tpu.vector_store %arg5[%swap3A, %swap3A_19], %select_n3A {strides = array<i32>} : memref<10112x128xf32, #tpu.memory_space<vmem>>, vector<10112x128xf32>,
    %get3A_21 = arith.constant 0 : index
    %get3A_22 = arith.constant 0 : index
    %get3A_23 = vector.load %arg3[%get3A_21, %get3A_22] : memref<64x64xf32, #tpu.memory_space<vmem>>, vector<64x64xf32>
    %dot_general3A_24 = arith.constant dense<0.000000e+00> : vector<10112x64xf32>
    %dot_general3A_25 = tpu.matmul %tanh3A, %get3A_23, %dot_general3A_24 {dimension_numbers = #tpu.dot_dimension_numbers<[1], [0], [0], [1], [0, 0, 1, 1], [], []>, transpose_lhs_hint = false} : vector<10112x64xf32>, vector<64x64xf32>, vector<10112x64xf32> -> vector<10112x64xf32>
    %get3A_26 = arith.constant 0 : index
    %get3A_27 = arith.constant 0 : index
    %get3A_28 = vector.load %arg4[%get3A_26, %get3A_27] : memref<1x64xf32, #tpu.memory_space<vmem>>, vector<1x64xf32>
    %add3A_29 = vector.broadcast %get3A_28 : vector<1x64xf32> to vector<10112x64xf32>
    %add3A_30 = arith.addf %dot_general3A_25, %add3A_29 : vector<10112x64xf32>
    %swap3A_31 = arith.constant 0 : index
    %swap3A_32 = arith.constant 0 : index
    %swap3A_33 = vector.load %arg6[%swap3A_31, %swap3A_32] : memref<10112x64xf32, #tpu.memory_space<vmem>>, vector<10112x64xf32>
    tpu.vector_store %arg6[%swap3A_31, %swap3A_32], %add3A_30 {strides = array<i32>} : memref<10112x64xf32, #tpu.memory_space<vmem>>, vector<10112x64xf32>,
    return
  }
}

module attributes {stable_mosaic.version = 14 : i64} {
  func.func @_tc_in_body(%arg0: memref<10112x128xf32, #tpu.memory_space<vmem>>, %arg1: memref<128x64xf32, #tpu.memory_space<vmem>>, %arg2: memref<1x64xf32, #tpu.memory_space<vmem>>, %arg3: memref<64x128xf32, #tpu.memory_space<vmem>>, %arg4: memref<64x64xf32, #tpu.memory_space<vmem>>, %arg5: memref<1x64xf32, #tpu.memory_space<vmem>>, %arg6: memref<10112x128xf32, #tpu.memory_space<vmem>>, %arg7: memref<10112x64xf32, #tpu.memory_space<vmem>>) attributes {dimension_semantics = [], scalar_prefetch = 0 : i64, scratch_operands = 0 : i64, tpu.core_type = #tpu.core_type<tc>} {
    %get3A = arith.constant 0 : index
    %get3A_0 = arith.constant 0 : index
    %get3A_1 = vector.load %arg0[%get3A, %get3A_0] : memref<10112x128xf32, #tpu.memory_space<vmem>>, vector<10112x128xf32>
    %get3A_2 = arith.constant 0 : index
    %get3A_3 = arith.constant 0 : index
    %get3A_4 = vector.load %arg1[%get3A_2, %get3A_3] : memref<128x64xf32, #tpu.memory_space<vmem>>, vector<128x64xf32>
    %dot_general3A = arith.constant dense<0.000000e+00> : vector<10112x64xf32>
    %dot_general3A_5 = tpu.matmul %get3A_1, %get3A_4, %dot_general3A {dimension_numbers = #tpu.dot_dimension_numbers<[1], [0], [0], [1], [0, 0, 1, 1], [], []>, transpose_lhs_hint = false} : vector<10112x128xf32>, vector<128x64xf32>, vector<10112x64xf32> -> vector<10112x64xf32>
    %get3A_6 = arith.constant 0 : index
    %get3A_7 = arith.constant 0 : index
    %get3A_8 = vector.load %arg2[%get3A_6, %get3A_7] : memref<1x64xf32, #tpu.memory_space<vmem>>, vector<1x64xf32>
    %add3A = vector.broadcast %get3A_8 : vector<1x64xf32> to vector<10112x64xf32>
    %add3A_9 = arith.addf %dot_general3A_5, %add3A : vector<10112x64xf32>
    %get3A_10 = arith.constant 0 : index
    %get3A_11 = arith.constant 0 : index
    %get3A_12 = vector.load %arg3[%get3A_10, %get3A_11] : memref<64x128xf32, #tpu.memory_space<vmem>>, vector<64x128xf32>
    %dot_general3A_13 = arith.constant dense<0.000000e+00> : vector<10112x128xf32>
    %dot_general3A_14 = tpu.matmul %add3A_9, %get3A_12, %dot_general3A_13 {dimension_numbers = #tpu.dot_dimension_numbers<[1], [0], [0], [1], [0, 0, 1, 1], [], []>, transpose_lhs_hint = false} : vector<10112x64xf32>, vector<64x128xf32>, vector<10112x128xf32> -> vector<10112x128xf32>
    %iota3A = tpu.iota {dimensions = array<i32: 0>} : vector<10112x128xi32>
    %lt3A = arith.constant 10000 : i32
    %lt3A_15 = vector.broadcast %lt3A : i32 to vector<10112x128xi32>
    %lt3A_16 = arith.cmpi slt, %iota3A, %lt3A_15 : vector<10112x128xi32>
    %jit3A = arith.constant 0.000000e+00 : f32
    %broadcast_in_dim3A = vector.broadcast %jit3A : f32 to vector<10112x128xf32>
    %select_n3A = arith.select %lt3A_16, %dot_general3A_14, %broadcast_in_dim3A : vector<10112x128xi1>, vector<10112x128xf32>
    %swap3A = arith.constant 0 : index
    %swap3A_17 = arith.constant 0 : index
    %swap3A_18 = vector.load %arg6[%swap3A, %swap3A_17] : memref<10112x128xf32, #tpu.memory_space<vmem>>, vector<10112x128xf32>
    tpu.vector_store %arg6[%swap3A, %swap3A_17], %select_n3A {strides = array<i32>} : memref<10112x128xf32, #tpu.memory_space<vmem>>, vector<10112x128xf32>,
    %get3A_19 = arith.constant 0 : index
    %get3A_20 = arith.constant 0 : index
    %get3A_21 = vector.load %arg4[%get3A_19, %get3A_20] : memref<64x64xf32, #tpu.memory_space<vmem>>, vector<64x64xf32>
    %dot_general3A_22 = arith.constant dense<0.000000e+00> : vector<10112x64xf32>
    %dot_general3A_23 = tpu.matmul %add3A_9, %get3A_21, %dot_general3A_22 {dimension_numbers = #tpu.dot_dimension_numbers<[1], [0], [0], [1], [0, 0, 1, 1], [], []>, transpose_lhs_hint = false} : vector<10112x64xf32>, vector<64x64xf32>, vector<10112x64xf32> -> vector<10112x64xf32>
    %get3A_24 = arith.constant 0 : index
    %get3A_25 = arith.constant 0 : index
    %get3A_26 = vector.load %arg5[%get3A_24, %get3A_25] : memref<1x64xf32, #tpu.memory_space<vmem>>, vector<1x64xf32>
    %add3A_27 = vector.broadcast %get3A_26 : vector<1x64xf32> to vector<10112x64xf32>
    %add3A_28 = arith.addf %dot_general3A_23, %add3A_27 : vector<10112x64xf32>
    %swap3A_29 = arith.constant 0 : index
    %swap3A_30 = arith.constant 0 : index
    %swap3A_31 = vector.load %arg7[%swap3A_29, %swap3A_30] : memref<10112x64xf32, #tpu.memory_space<vmem>>, vector<10112x64xf32>
    tpu.vector_store %arg7[%swap3A_29, %swap3A_30], %add3A_28 {strides = array<i32>} : memref<10112x64xf32, #tpu.memory_space<vmem>>, vector<10112x64xf32>,
    return
  }
}

module attributes {stable_mosaic.version = 14 : i64} {
  func.func @_tc_out_body(%arg0: memref<10112x64xf32, #tpu.memory_space<vmem>>, %arg1: memref<2x10112x128xf32, #tpu.memory_space<vmem>>, %arg2: memref<64x19xf32, #tpu.memory_space<vmem>>, %arg3: memref<1x19xf32, #tpu.memory_space<vmem>>, %arg4: memref<10112x19xf32, #tpu.memory_space<vmem>>) attributes {dimension_semantics = [], scalar_prefetch = 0 : i64, scratch_operands = 0 : i64, tpu.core_type = #tpu.core_type<tc>} {
    %get3A = arith.constant 0 : index
    %get3A_0 = arith.constant 0 : index
    %get3A_1 = vector.load %arg0[%get3A, %get3A_0] : memref<10112x64xf32, #tpu.memory_space<vmem>>, vector<10112x64xf32>
    %get3A_2 = arith.constant 0 : index
    %get3A_3 = arith.constant 0 : index
    %get3A_4 = arith.constant 0 : index
    %get3A_5 = vector.load %arg1[%get3A_2, %get3A_3, %get3A_4] : memref<2x10112x128xf32, #tpu.memory_space<vmem>>, vector<1x10112x64xf32>
    %get3A_6 = vector.shape_cast %get3A_5 : vector<1x10112x64xf32> to vector<10112x64xf32>
    %add3A = arith.addf %get3A_1, %get3A_6 : vector<10112x64xf32>
    %get3A_7 = arith.constant 1 : index
    %get3A_8 = arith.constant 0 : index
    %get3A_9 = arith.constant 0 : index
    %get3A_10 = vector.load %arg1[%get3A_7, %get3A_8, %get3A_9] : memref<2x10112x128xf32, #tpu.memory_space<vmem>>, vector<1x10112x64xf32>
    %get3A_11 = vector.shape_cast %get3A_10 : vector<1x10112x64xf32> to vector<10112x64xf32>
    %add3A_12 = arith.addf %add3A, %get3A_11 : vector<10112x64xf32>
    %tanh3A = math.tanh %add3A_12 : vector<10112x64xf32>
    %get3A_13 = arith.constant 0 : index
    %get3A_14 = arith.constant 0 : index
    %get3A_15 = vector.load %arg2[%get3A_13, %get3A_14] : memref<64x19xf32, #tpu.memory_space<vmem>>, vector<64x19xf32>
    %dot_general3A = arith.constant dense<0.000000e+00> : vector<10112x19xf32>
    %dot_general3A_16 = tpu.matmul %tanh3A, %get3A_15, %dot_general3A {dimension_numbers = #tpu.dot_dimension_numbers<[1], [0], [0], [1], [0, 0, 1, 1], [], []>, transpose_lhs_hint = false} : vector<10112x64xf32>, vector<64x19xf32>, vector<10112x19xf32> -> vector<10112x19xf32>
    %get3A_17 = arith.constant 0 : index
    %get3A_18 = arith.constant 0 : index
    %get3A_19 = vector.load %arg3[%get3A_17, %get3A_18] : memref<1x19xf32, #tpu.memory_space<vmem>>, vector<1x19xf32>
    %add3A_20 = vector.broadcast %get3A_19 : vector<1x19xf32> to vector<10112x19xf32>
    %add3A_21 = arith.addf %dot_general3A_16, %add3A_20 : vector<10112x19xf32>
    %swap3A = arith.constant 0 : index
    %swap3A_22 = arith.constant 0 : index
    %swap3A_23 = vector.load %arg4[%swap3A, %swap3A_22] : memref<10112x19xf32, #tpu.memory_space<vmem>>, vector<10112x19xf32>
    tpu.vector_store %arg4[%swap3A, %swap3A_22], %add3A_21 {strides = array<i32>} : memref<10112x19xf32, #tpu.memory_space<vmem>>, vector<10112x19xf32>,
    return
  }
}

</mosaic_0001>

<sc_bundles>
// kernel: kernel.10.cloned.1.call-start
scs
__scs_entry_jumppad:
0x0: {  	(pc) =	sbr.rel $0x88, $3  }
0x1: {  	(tag) =	ssettag $0x0;
	lr =	simm.s32 $0x1  }
0x2: {  	[smem:$0x3F93] =	sst lr;
	_ =	strace $0xD0000000  }
0x3: {  	_ = 	snop  }
0x4: {  	_ = 	snop  }
0x5: {  	_ = 	snop  }
0x6: {  	_ = 	snop  }
0x7: {  	_ = 	snop  }
__scs_overlays_trampoline_lowered:
0x8: {  	[smem:$0x3FA2] =	sst s0  }
0x9: {  	[smem:$0x3FA3] =	sst s1  }
0xa: {  	[smem:$0x3FA4] =	sst s2  }
0xb: {  	[smem:$0x3FA5] =	sst s3  }
0xc: {  	[smem:$0x3FA6] =	sst s4  }
0xd: {  	[smem:$0x3FA7] =	sst s5  }
0xe: {  	[smem:$0x3FA8] =	sst s6  }
0xf: {  	[smem:$0x3FA9] =	sst s7  }
0x10: {  	[smem:$0x3FAA] =	sst s8  }
0x11: {  	[smem:$0x3FAB] =	sst s9;
	s0 =	simm.s32 @!p0 $0x0  }
0x12: {  	s1 =	sld [smem:$0x3F91];
	s0 =	simm.s32 @p0 $0x1  }
0x13: {  	[smem:$0x3FAC] =	sst s0;
	s0 =	simm.s32 @!p1 $0x0  }
0x14: {  	s2 =	sld [smem:$0x3F90];
	s0 =	simm.s32 @p1 $0x1  }
0x15: {  	[smem:$0x3FAD] =	sst s0;
	s0 =	simm.s32 @!p2 $0x0  }
0x16: {  	s3 =	sld [smem:$0x3FDB];
	s0 =	simm.s32 @p2 $0x1  }
0x17: {  	s4 =	simm.s32 $0x1BF5;
	[smem:$0x3FAF] =	sst s0  }
0x18: {  	s0 =	sld [smem:$0x3F92];
	_ =	swait.ge [sflag:s4], $0x0  }
0x19: {  	s7 =	sld [smem:$0x3F93]  }
0x1a: {  	s8 =	sadd.s32 $0xFFFFE003, lr  }
0x1b: {  	s9 =	sadd.s32 $0xFFFFFEF7, lr;
	s5 =	simm.s32 $0xFFFFFFFF;
	p2 =	slt.u32 s8, $0xFFFFF086  }
0x1c: {  	p1 =	slt.u32 s9, $0xF7A;
	s5 =	simm.s32 @!p2 $0x0  }
0x1d: {  	s5 =	simm.s32 @p1 $0x1;
	p0 =	seq.s32 s7, s2  }
0x1e: {  	s7 =	smul.u32 @!p0 $0xF7A, s2;
	p2 =	seq.s32 @!p0 s5, $0x0  }
0x1f: {  	s9 =	smul.u32 $0xF7A, s1;
	s8 =	simm.s32 @!p0 $0x1BF5;
	p2 =	por !p2, p0  }
0x20: {  	[sflag:s8] =	ssyncset.s32 @!p0 $0xFFFFF086;
	s6 =	sadd.s32 @!p0 s3, s7;
	s7 =	simm.s32 @!p0 $0x108  }
0x21: {  	s3 =	sadd.s32 s3, s9;
	s6 =	sadd.s32 @!p0 $0x88, s6;
	s7 =	simm.s32 @p2 $0x1082  }
0x22: {  	[simem:s7], [sflag:s8] =	dma.local @!p0 [hbm:s6], $0xF7A  }
0x23: {  	s9 =	sor.u32 $0xD0000000, s2;
	s6 =	simm.s32 $0x108;
	_ =	swait.ge @!p0 [sflag:s8], $0x0  }
0x24: {  	s3 =	sadd.s32 $0x88, s3;
	s6 =	simm.s32 @!p1 $0x1082;
	[sflag:s4] =	ssyncset.s32 $0xFFFFF086  }
0x25: {  	[simem:s6], [sflag:s4] =	dma.local [hbm:s3], $0xF7A  }
0x26: {  	[smem:$0x3F93] =	sst s1;
	(tag) =	ssettag s2;
	_ =	strace s9  }
0x27: {  	s1 =	sld [smem:$0x3FA3]  }
0x28: {  	s2 =	sld [smem:$0x3FA4]  }
0x29: {  	s4 =	sld [smem:$0x3FA6]  }
0x2a: {  	p0 =	seq.s32 s5, $0x0;
	s5 =	sld [smem:$0x3FA7]  }
0x2b: {  	s6 =	sld [smem:$0x3FA8]  }
0x2c: {  	s7 =	sld [smem:$0x3FA9]  }
0x2d: {  	s3 =	simm.s32 $0x108;
	s8 =	sld [smem:$0x3FAA]  }
0x2e: {  	s3 =	simm.s32 @!p0 $0x1082;
	s9 =	sld [smem:$0x3FAB]  }
0x2f: {  	lr =	sadd.s32 s0, s3;
	s0 =	sld [smem:$0x3FA2]  }
0x30: {  	s3 =	sld [smem:$0x3FA5]  }
0x31: {  	[smem:$0x3FAE] =	sst s10  }
0x32: {  	s10 =	sld [smem:$0x3FAC];
	_ =	sdelay $0x3  }
0x33: {  	p0 =	seq.s32 s10, $0x1;
	s10 =	sld [smem:$0x3FAE];
	_ =	sdelay $0x3  }
0x34: {  	[smem:$0x3FAE] =	sst s10  }
0x35: {  	s10 =	sld [smem:$0x3FAD];
	_ =	sdelay $0x3  }
0x36: {  	p1 =	seq.s32 s10, $0x1;
	s10 =	sld [smem:$0x3FAE];
	_ =	sdelay $0x3  }
0x37: {  	[smem:$0x3FAE] =	sst s10  }
0x38: {  	s10 =	sld [smem:$0x3FAF]  }
0x39: {  	_ = 	snop;
	(pc) =	sbr.ind lr, $3  }
0x3a: {  	_ = 	snop  }
0x3b: {  	_ = 	snop  }
0x3c: {  	p2 =	seq.s32 s10, $0x1;
	s10 =	sld [smem:$0x3FAE]  }
0x3d: {  	_ =	shalt  }
0x3e: {  	_ =	shalt  }
0x3f: {  	_ =	shalt  }
0x40: {  	_ =	shalt  }
0x41: {  	_ =	shalt  }
0x42: {  	_ =	shalt  }
0x43: {  	_ =	shalt  }
0x44: {  	_ =	shalt  }
0x45: {  	_ =	shalt  }
0x46: {  	_ =	shalt  }
0x47: {  	_ =	shalt  }
0x48: {  	_ =	shalt  }
0x49: {  	_ =	shalt  }
0x4a: {  	_ =	shalt  }
0x4b: {  	_ =	shalt  }
0x4c: {  	_ =	shalt  }
0x4d: {  	_ =	shalt  }
0x4e: {  	_ =	shalt  }
0x4f: {  	_ =	shalt  }
0x50: {  	_ =	shalt  }
0x51: {  	_ =	shalt  }
0x52: {  	_ =	shalt  }
0x53: {  	_ =	shalt  }
0x54: {  	_ =	shalt  }
0x55: {  	_ =	shalt  }
0x56: {  	_ =	shalt  }
0x57: {  	_ =	shalt  }
0x58: {  	_ =	shalt  }
0x59: {  	_ =	shalt  }
0x5a: {  	_ =	shalt  }
0x5b: {  	_ =	shalt  }
0x5c: {  	_ =	shalt  }
0x5d: {  	_ =	shalt  }
0x5e: {  	_ =	shalt  }
0x5f: {  	_ =	shalt  }
0x60: {  	_ =	shalt  }
0x61: {  	_ =	shalt  }
0x62: {  	_ =	shalt  }
0x63: {  	_ =	shalt  }
0x64: {  	_ =	shalt  }
0x65: {  	_ =	shalt  }
0x66: {  	_ =	shalt  }
0x67: {  	_ =	shalt  }
0x68: {  	_ =	shalt  }
0x69: {  	_ =	shalt  }
0x6a: {  	_ =	shalt  }
0x6b: {  	_ =	shalt  }
0x6c: {  	_ =	shalt  }
0x6d: {  	_ =	shalt  }
0x6e: {  	_ =	shalt  }
0x6f: {  	_ =	shalt  }
0x70: {  	_ =	shalt  }
0x71: {  	_ =	shalt  }
0x72: {  	_ =	shalt  }
0x73: {  	_ =	shalt  }
0x74: {  	_ =	shalt  }
0x75: {  	_ =	shalt  }
0x76: {  	_ =	shalt  }
0x77: {  	_ =	shalt  }
0x78: {  	_ =	shalt  }
0x79: {  	_ =	shalt  }
0x7a: {  	_ =	shalt  }
0x7b: {  	_ =	shalt  }
0x7c: {  	_ =	shalt  }
0x7d: {  	_ =	shalt  }
0x7e: {  	_ =	shalt  }
0x7f: {  	_ =	shalt  }
0x80: {  	_ =	shalt  }
0x81: {  	_ =	shalt  }
0x82: {  	_ =	shalt  }
0x83: {  	_ =	shalt  }
0x84: {  	_ =	shalt  }
0x85: {  	_ =	shalt  }
0x86: {  	_ =	shalt  }
0x87: {  	_ =	shalt  }
.Lfunc_end0:
.L_simem_size_0:
called_computation.1_lowered:
.L_overlay_start_0:
0x88: {  	s2 =	sld [smem:$0x3FD9]  }
0x89: {  	s3 =	sld [smem:$0x3FFE];
	_ =	sdelay $0x1  }
0x8a: {  	s1 =	srdreg.scid  }
0x8b: {  	s0 =	sand.u32 $0x1, s1  }
0x8c: {  	s16 =	sshll.u32 s0, $0xA;
	s2 =	sadd.s32 s3, s2  }
0x8d: {  	s2 =	sadd.s32 s2, s16  }
0x8e: {  	[smem:$0x3FBA] =	sst s2  }
0x8f: {  	_ = 	snop  }
0x90: {  	(tm) =	ssettm $0x1  }
0x91: {  	s17 =	sld [smem:$0x3FFB];
	_ =	sdelay $0x3  }
0x92: {  	_ =	strace s17  }
0x93: {  	s2 =	sld [smem:$0x3FFC];
	_ =	sdelay $0x3  }
0x94: {  	_ =	strace s2  }
0x95: {  	s2 =	sld [smem:$0x3FFD];
	_ =	sdelay $0x3  }
0x96: {  	_ =	strace s2  }
0x97: {  	_ =	strace $0x8FFFFFFF  }
0x98: {  	s18 =	sld [smem:$0x3FDB];
	_ =	sdelay $0x1  }
0x99: {  	s19 =	simm.s32 $_scs_section_size  }
0x9a: {  	s4 =	simm.s32 $_size__tile_overlayer_lowered;
	s5 =	simm.s32 $_tile_overlayer_lowered  }
0x9b: {  	s22 =	simm.s32 $0x1BFF;
	s21 =	sshll.u32 s5, $0x1;
	s2 =	sadd.s32 s19, s18  }
0x9c: {  	s6 =	simm.s32 $0x0;
	s20 =	sshll.u32 s4, $0x1;
	s4 =	sadd.s32 s21, s2  }
0x9d: {  	[timem:s6], [sflag:s22] =	dma.local [hbm:s4], s20  }
0x9e: {  	_ =	swait.ge [sflag:s22], s20  }
0x9f: {  	s3 =	ssub.s32 $0x0, s20;
	[sflag:s22] =	ssyncset.done $0x0  }
0xa0: {  	[sflag:s22] =	ssyncadd.s32 s3;
	_ =	sdelay $0x1  }
0xa1: {  	s23 =	simm.s32 $0x1B8B  }
0xa2: {  	_ =	swait.ge [sflag:s23], $0x1  }
0xa3: {  	[sflag:s23] =	ssyncset.done $0x0  }
0xa4: {  	s25 =	simm.s32 $0x1B8E;
	s24 =	sld [smem:$0x3FFE];
	[sflag:s23] =	ssyncadd.s32 $0xFFFFFFFF  }
0xa5: {  	s26 =	simm.s32 $execute0_lowered;
	[smem:$0x3FD2] =	sst s25  }
0xa6: {  	s4 =	sshll.u32 s26, $0x1;
	_ =	strace $0x80000049;
	[dreg:$0x1] =	wrdreg $0xFFFFFFFF  }
0xa7: {  	s28 =	simm.s32 $_size_execute0_lowered;
	s2 =	sadd.s32 s2, s4;
	[dreg:$0x0] =	wrdreg $0x0  }
0xa8: {  	s4 =	sshll.u32 s28, $0x1;
	[dreg:$0x2] =	wrdreg s2  }
0xa9: {  	[dreg:$0x3] =	wrdreg s4  }
0xaa: {  	[dreg:$0x4] =	wrdreg $0xC0  }
0xab: {  	_ =	task [dreg:s6], $0x5FFFF  }
0xac: {  	[dreg:$0x1] =	wrdreg $0xFFFFFFFF  }
0xad: {  	[dreg:$0x0] =	wrdreg $0x60  }
0xae: {  	[dreg:$0x2] =	wrdreg s24  }
0xaf: {  	[dreg:$0x3] =	wrdreg $0x88000  }
0xb0: {  	[dreg:$0x4] =	wrdreg $0x9  }
0xb1: {  	_ =	task.clear_ibuf [dreg:s6], $0x5FFFF;
	_ =	strace $0x90000049  }
0xb2: {  	s29 =	simm.s32 $0x9;
	_ =	strace $0x8000004B  }
0xb3: {  	_ =	swait.ge [sflag:s29], $0x1  }
0xb4: {  	[sflag:s29] =	ssyncadd.s32 $0xFFFFFFFF  }
0xb5: {  	_ =	strace $0x9000004B  }
0xb6: {  	_ =	sfence  }
0xb7: {  	s30 =	sld [smem:$0x0];
	_ =	sdelay $0x2  }
0xb8: {  	s31 =	sshll.u32 s1, $0xD;
	s1 =	sshrl.u32 s1, $0x2  }
0xb9: {  	s3 =	sand.u32 $0x4000, s31;
	s1 =	sadd.s32 s1, s30  }
0xba: {  	s0 =	sor.u32 s3, s0;
	s1 =	sshll.u32 s1, $0x11  }
0xbb: {  	s0 =	sor.u32 s1, s0  }
0xbc: {  	s0 =	sadd.s32 $0x8F2B, s0  }
0xbd: {  	[sflag:s0] =	ssyncadd.remote.s32 $0x1  }
0xbe: {  	_ =	sfence.sel $0xFFFF  }
0xbf: {  	[dreg:$0x0] =	wrdreg $0xFFFFFFFF;
	(pc) =	sbr.abs _section_cstart, $3  }
0xc0: {  	[dreg:$0x1] =	wrdreg $0xFFFFFFFF  }
0xc1: {  	_ =	task.clear_ibuf [dreg:s6], $0x2FFFF;
	_ =	strace $0x9FFFFFFF  }
0xc2: {  	(tm) =	ssettm $0x7FFFFFFF  }
0xc3: {  	_ =	shalt  }
tec
execute0_lowered:
.L_overlay_start_1:
0x0: {  	(tag) =	ssettag $0x1  }
0x1: {  	s0 =	rddreg [dreg:$0x0]  }
0x2: {  	s1 =	rddreg [dreg:$0x1];
	s9 =	stileid.u32  }
0x3: {  	s2 =	srdreg.scid;
	s3 =	simm.s32 $0x0;
	s11 =	simm.s32 $0x800  }
0x4: {  	s12 =	simm.s32 $0x2800;
	s19 =	simm.s32 $0xC0;
	s13 =	simm.s32 $0x80  }
0x5: {  	s20 =	simm.s32 $0x400;
	s14 =	simm.s32 $0x4800;
	s21 =	simm.s32 $0x100  }
0x6: {  	s15 =	simm.s32 $0x6800;
	s22 =	simm.s32 $0x140;
	s16 =	simm.s32 $0x1  }
0x7: {  	s23 =	simm.s32 $0x480;
	s28 =	simm.s32 $0x600;
	s29 =	simm.s32 $0x300  }
0x8: {  	s30 =	simm.s32 $0x340;
	s31 =	simm.s32 $0x680;
	s5 =	smul.u32 $0x1400, s9  }
0x9: {  	s2 =	sand.u32 $0x1, s2;
	[smem:$0x7FF] =	sst s3;
	s10 =	sadd.s32 $0x3DA00, s0  }
0xa: {  	s7 =	smul.u32 $0x2780, s9;
	_ =	strace $0x8000004A;
	[dreg:$0xb] =	wrdreg s10  }
0xb: {  	s4 =	sadd.s32 $0x16200, s0;
	s8 =	smul.u32 $0x4F000, s9;
	[dreg:$0x4] =	wrdreg s19  }
0xc: {  	p0 =	sne.s32 s9, $0x0;
	s9 =	simm.s32 $0x5;
	[dreg:$0x5] =	wrdreg s20  }
0xd: {  	s6 =	smul.u32 $0x27800, s2;
	s24 =	ssub.s32 $0x2, s2;
	[dreg:$0x6] =	wrdreg s21  }
0xe: {  	s2 =	smul.u32 $0xA00, s2;
	s10 =	simm.s32 $0x40;
	[dreg:$0x7] =	wrdreg s22  }
0xf: {  	[dreg:$0x8] =	wrdreg s23;
	s19 =	simm.s32 $0x4;
	s21 =	simm.s32 $0x200  }
0x10: {  	s22 =	simm.s32 $0x240;
	s23 =	simm.s32 $0x580;
	s5 =	sadd.s32 s5, s0  }
0x11: {  	s25 =	sshrl.u32 s24, $0x1;
	s26 =	sshrl.u32 s8, $0x2;
	s6 =	sadd.s32 s7, s6  }
0x12: {  	s2 =	sadd.s32 s2, s5;
	s8 =	sadd.s32 s26, s1;
	s5 =	simm.s32 $0x700  }
0x13: {  	s0 =	sadd.s32 s6, s0;
	s6 =	ssub.s32 s24, s25;
	s17 =	sadd.s32 $0x2200, s2  }
0x14: {  	s24 =	simm.s32 $0x180;
	s25 =	simm.s32 $0x1C0;
	[dreg:$0x3] =	wrdreg s17  }
0x15: {  	s26 =	sshrl.u32 s8, $0x3;
	s2 =	simm.s32 $0x3C0;
	[dreg:$0x9] =	wrdreg s24  }
0x16: {  	s8 =	simm.s32 $0x0;
	s0 =	sadd.s32 $0x65200, s0;
	[dreg:$0xa] =	wrdreg s25  }
0x17: {  	s18 =	smax.u32 s6, $0x1;
	s17 =	simm.s32 $0x2;
	[dreg:$0xf] =	wrdreg s26  }
0x18: {  	s24 =	simm.s32 $0x280;
	s26 =	simm.s32 $0x2C0;
	[dreg:$0xc] =	wrdreg s0  }
0x19: {  	s6 =	simm.s32 $0x780;
	[dreg:$0xd] =	wrdreg s18;
	s0 =	sshrl.u32 @!p0 s1, $0x3  }
0x1a: {  	s18 =	simm.s32 $0x3;
	[dreg:$0xe] =	wrdreg s0;
	s0 =	simm.s32 $0x380  }
.LBB2_1:
0x1b: {  	[dreg:$0x10] =	wrdreg s8  }
0x1c: {  	s8 =	rddreg [dreg:$0xb]  }
0x1d: {  	s7 =	simm.s32 @!p0 $0x1C05;
	s20 =	rddreg [dreg:$0xe]  }
0x1e: {  	[spmem:s20], [sflag:s7] =	dma.local @!p0 [hbm:s8], $0x27800  }
0x1f: {  	s7 =	simm.s32 @!p0 $0x5  }
0x20: {  	_ =	swait.ge @!p0 [sflag:s7], $0x27800  }
0x21: {  	[sflag:s7] =	ssyncset.done @!p0 $0x0  }
0x22: {  	[sflag:s7] =	ssyncadd.s32 @!p0 $0xFFFD8800  }
0x23: {  	[bflag:$0x0] =	sbarrier.arrive $0xFFFF  }
0x24: {  	s8 =	rddreg [dreg:$0x3]  }
0x25: {  	s7 =	sadd.s32 $0x0, s8  }
0x26: {  	[tilespmem:s3], [sflag:$0x5] =	stream.linear.gather [hbm4b:s7+s3], $0x800, $0x38;
	[tilespmem:$0x1C400] =	vst v63  }
0x27: {  	_ =	swait.ge [sflag:s9], $0x800  }
0x28: {  	[sflag:s9] =	ssyncset.done $0x0  }
0x29: {  	[sflag:s9] =	ssyncadd.s32 $0xFFFFF800  }
0x2a: {  	[tilespmem:s11], [sflag:$0x1] =	stream.indirect.gather [hbm4b:s4+s10], $0x80, s3, s10, $0xb8;
	[tilespmem:$0x1C400] =	vst v63  }
0x2b: {  	_ = 	snop  }
0x2c: {  	[tilespmem:s12], [sflag:$0x2] =	stream.indirect.gather [hbm4b:s4+s10], $0x80, s10, s10, $0xb8;
	[tilespmem:$0x1C400] =	vst v63  }
0x2d: {  	_ = 	snop  }
0x2e: {  	[tilespmem:s14], [sflag:$0x3] =	stream.indirect.gather [hbm4b:s4+s10], $0x80, s13, s10, $0xb8;
	[tilespmem:$0x1C400] =	vst v63  }
0x2f: {  	s20 =	rddreg [dreg:$0x4]  }
0x30: {  	[tilespmem:s15], [sflag:$0x4] =	stream.indirect.gather [hbm4b:s4+s10], $0x80, s20, s10, $0xb8;
	[tilespmem:$0x1C400] =	vst v63  }
0x31: {  	_ =	swait.ge [sflag:s16], $0x2000  }
0x32: {  	[sflag:s16] =	ssyncset.done $0x0  }
0x33: {  	[sflag:s16] =	ssyncadd.s32 $0xFFFFE000  }
0x34: {  	_ =	swait.ge [sflag:s17], $0x2000  }
0x35: {  	[sflag:s17] =	ssyncset.done $0x0  }
0x36: {  	s25 =	rddreg [dreg:$0x5];
	[sflag:s17] =	ssyncadd.s32 $0xFFFFE000  }
0x37: {  	[spmem:s1] =	stream.indirect.scatter.add.f32 [tilespmem:s11], [sflag:$0x5], $0x80, s25, s13, $0xb8;
	[tilespmem:$0x1C400] =	vst v63  }
0x38: {  	_ =	swait.ge [sflag:s9], $0x4000  }
0x39: {  	[sflag:s9] =	ssyncset.done $0x0  }
0x3a: {  	s8 =	rddreg [dreg:$0x6];
	[sflag:s9] =	ssyncadd.s32 $0xFFFFC000  }
0x3b: {  	[tilespmem:s11], [sflag:$0x1] =	stream.indirect.gather [hbm4b:s4+s10], $0x80, s8, s10, $0xb8;
	[tilespmem:$0x1C400] =	vst v63  }
0x3c: {  	s20 =	rddreg [dreg:$0x7]  }
0x3d: {  	[tilespmem:s12], [sflag:$0x2] =	stream.indirect.gather [hbm4b:s4+s10], $0x80, s20, s10, $0xb8;
	[tilespmem:$0x1C400] =	vst v63  }
0x3e: {  	_ =	swait.ge [sflag:s18], $0x2000  }
0x3f: {  	[sflag:s18] =	ssyncset.done $0x0  }
0x40: {  	[sflag:s18] =	ssyncadd.s32 $0xFFFFE000  }
0x41: {  	_ =	swait.ge [sflag:s19], $0x2000  }
0x42: {  	[sflag:s19] =	ssyncset.done $0x0  }
0x43: {  	s25 =	rddreg [dreg:$0x8];
	[sflag:s19] =	ssyncadd.s32 $0xFFFFE000  }
0x44: {  	[spmem:s1] =	stream.indirect.scatter.add.f32 [tilespmem:s14], [sflag:$0x5], $0x80, s25, s13, $0xb8;
	[tilespmem:$0x1C400] =	vst v63  }
0x45: {  	_ =	swait.ge [sflag:s9], $0x4000  }
0x46: {  	[sflag:s9] =	ssyncset.done $0x0  }
0x47: {  	s8 =	rddreg [dreg:$0x9];
	[sflag:s9] =	ssyncadd.s32 $0xFFFFC000  }
0x48: {  	[tilespmem:s14], [sflag:$0x3] =	stream.indirect.gather [hbm4b:s4+s10], $0x80, s8, s10, $0xb8;
	[tilespmem:$0x1C400] =	vst v63  }
0x49: {  	s20 =	rddreg [dreg:$0xa]  }
0x4a: {  	[tilespmem:s15], [sflag:$0x4] =	stream.indirect.gather [hbm4b:s4+s10], $0x80, s20, s10, $0xb8;
	[tilespmem:$0x1C400] =	vst v63  }
0x4b: {  	_ =	swait.ge [sflag:s16], $0x2000  }
0x4c: {  	[sflag:s16] =	ssyncset.done $0x0  }
0x4d: {  	[sflag:s16] =	ssyncadd.s32 $0xFFFFE000  }
0x4e: {  	_ =	swait.ge [sflag:s17], $0x2000  }
0x4f: {  	[sflag:s17] =	ssyncset.done $0x0  }
0x50: {  	s25 =	simm.s32 $0x500;
	[sflag:s17] =	ssyncadd.s32 $0xFFFFE000  }
0x51: {  	[spmem:s1] =	stream.indirect.scatter.add.f32 [tilespmem:s11], [sflag:$0x5], $0x80, s25, s13, $0xb8;
	[tilespmem:$0x1C400] =	vst v63  }
0x52: {  	_ =	swait.ge [sflag:s9], $0x4000  }
0x53: {  	[sflag:s9] =	ssyncset.done $0x0  }
0x54: {  	[sflag:s9] =	ssyncadd.s32 $0xFFFFC000  }
0x55: {  	[tilespmem:s11], [sflag:$0x1] =	stream.indirect.gather [hbm4b:s4+s10], $0x80, s21, s10, $0xb8;
	[tilespmem:$0x1C400] =	vst v63  }
0x56: {  	_ = 	snop  }
0x57: {  	[tilespmem:s12], [sflag:$0x2] =	stream.indirect.gather [hbm4b:s4+s10], $0x80, s22, s10, $0xb8;
	[tilespmem:$0x1C400] =	vst v63  }
0x58: {  	_ =	swait.ge [sflag:s18], $0x2000  }
0x59: {  	[sflag:s18] =	ssyncset.done $0x0  }
0x5a: {  	[sflag:s18] =	ssyncadd.s32 $0xFFFFE000  }
0x5b: {  	_ =	swait.ge [sflag:s19], $0x2000  }
0x5c: {  	[sflag:s19] =	ssyncset.done $0x0  }
0x5d: {  	[sflag:s19] =	ssyncadd.s32 $0xFFFFE000  }
0x5e: {  	[spmem:s1] =	stream.indirect.scatter.add.f32 [tilespmem:s14], [sflag:$0x5], $0x80, s23, s13, $0xb8;
	[tilespmem:$0x1C400] =	vst v63  }
0x5f: {  	_ =	swait.ge [sflag:s9], $0x4000  }
0x60: {  	[sflag:s9] =	ssyncset.done $0x0  }
0x61: {  	[sflag:s9] =	ssyncadd.s32 $0xFFFFC000  }
0x62: {  	[tilespmem:s14], [sflag:$0x3] =	stream.indirect.gather [hbm4b:s4+s10], $0x80, s24, s10, $0xb8;
	[tilespmem:$0x1C400] =	vst v63  }
0x63: {  	_ = 	snop  }
0x64: {  	[tilespmem:s15], [sflag:$0x4] =	stream.indirect.gather [hbm4b:s4+s10], $0x80, s26, s10, $0xb8;
	[tilespmem:$0x1C400] =	vst v63  }
0x65: {  	_ =	swait.ge [sflag:s16], $0x2000  }
0x66: {  	[sflag:s16] =	ssyncset.done $0x0  }
0x67: {  	[sflag:s16] =	ssyncadd.s32 $0xFFFFE000  }
0x68: {  	_ =	swait.ge [sflag:s17], $0x2000  }
0x69: {  	[sflag:s17] =	ssyncset.done $0x0  }
0x6a: {  	[sflag:s17] =	ssyncadd.s32 $0xFFFFE000  }
0x6b: {  	[spmem:s1] =	stream.indirect.scatter.add.f32 [tilespmem:s11], [sflag:$0x5], $0x80, s28, s13, $0xb8;
	[tilespmem:$0x1C400] =	vst v63  }
0x6c: {  	_ =	swait.ge [sflag:s9], $0x4000  }
0x6d: {  	[sflag:s9] =	ssyncset.done $0x0  }
0x6e: {  	[sflag:s9] =	ssyncadd.s32 $0xFFFFC000  }
0x6f: {  	[tilespmem:s11], [sflag:$0x1] =	stream.indirect.gather [hbm4b:s4+s10], $0x80, s29, s10, $0xb8;
	[tilespmem:$0x1C400] =	vst v63  }
0x70: {  	_ = 	snop  }
0x71: {  	[tilespmem:s12], [sflag:$0x2] =	stream.indirect.gather [hbm4b:s4+s10], $0x80, s30, s10, $0xb8;
	[tilespmem:$0x1C400] =	vst v63  }
0x72: {  	_ =	swait.ge [sflag:s18], $0x2000  }
0x73: {  	[sflag:s18] =	ssyncset.done $0x0  }
0x74: {  	[sflag:s18] =	ssyncadd.s32 $0xFFFFE000  }
0x75: {  	_ =	swait.ge [sflag:s19], $0x2000  }
0x76: {  	[sflag:s19] =	ssyncset.done $0x0  }
0x77: {  	[sflag:s19] =	ssyncadd.s32 $0xFFFFE000  }
0x78: {  	[spmem:s1] =	stream.indirect.scatter.add.f32 [tilespmem:s14], [sflag:$0x5], $0x80, s31, s13, $0xb8;
	[tilespmem:$0x1C400] =	vst v63  }
0x79: {  	_ =	swait.ge [sflag:s9], $0x4000  }
0x7a: {  	[sflag:s9] =	ssyncset.done $0x0  }
0x7b: {  	[sflag:s9] =	ssyncadd.s32 $0xFFFFC000  }
0x7c: {  	[tilespmem:s14], [sflag:$0x3] =	stream.indirect.gather [hbm4b:s4+s10], $0x80, s0, s10, $0xb8;
	[tilespmem:$0x1C400] =	vst v63  }
0x7d: {  	_ = 	snop  }
0x7e: {  	[tilespmem:s15], [sflag:$0x4] =	stream.indirect.gather [hbm4b:s4+s10], $0x80, s2, s10, $0xb8;
	[tilespmem:$0x1C400] =	vst v63  }
0x7f: {  	_ =	swait.ge [sflag:s16], $0x2000  }
0x80: {  	[sflag:s16] =	ssyncset.done $0x0  }
0x81: {  	[sflag:s16] =	ssyncadd.s32 $0xFFFFE000  }
0x82: {  	_ =	swait.ge [sflag:s17], $0x2000  }
0x83: {  	[sflag:s17] =	ssyncset.done $0x0  }
0x84: {  	[sflag:s17] =	ssyncadd.s32 $0xFFFFE000  }
0x85: {  	[spmem:s1] =	stream.indirect.scatter.add.f32 [tilespmem:s11], [sflag:$0x5], $0x80, s5, s13, $0xb8;
	[tilespmem:$0x1C400] =	vst v63  }
0x86: {  	_ =	swait.ge [sflag:s9], $0x4000  }
0x87: {  	[sflag:s9] =	ssyncset.done $0x0  }
0x88: {  	[sflag:s9] =	ssyncadd.s32 $0xFFFFC000  }
0x89: {  	_ =	swait.ge [sflag:s18], $0x2000  }
0x8a: {  	[sflag:s18] =	ssyncset.done $0x0  }
0x8b: {  	[sflag:s18] =	ssyncadd.s32 $0xFFFFE000  }
0x8c: {  	_ =	swait.ge [sflag:s19], $0x2000  }
0x8d: {  	[sflag:s19] =	ssyncset.done $0x0  }
0x8e: {  	[sflag:s19] =	ssyncadd.s32 $0xFFFFE000  }
0x8f: {  	[spmem:s1] =	stream.indirect.scatter.add.f32 [tilespmem:s14], [sflag:$0x5], $0x80, s6, s13, $0xb8;
	[tilespmem:$0x1C400] =	vst v63  }
0x90: {  	s8 =	simm.s32 $0x100;
	_ =	swait.ge [sflag:s9], $0x4000  }
0x91: {  	s25 =	simm.s32 $0x200;
	s7 =	rddreg [dreg:$0x3];
	[sflag:s9] =	ssyncset.done $0x0  }
.LBB2_2:
0x92: {  	[sflag:s9] =	ssyncadd.s32 $0xFFFFC000;
	s7 =	sadd.s32 s8, s7  }
0x93: {  	[tilespmem:s3], [sflag:$0x5] =	stream.linear.gather [hbm4b:s7+s3], $0x800, $0x38;
	[tilespmem:$0x1C400] =	vst v63  }
0x94: {  	_ =	swait.ge [sflag:s9], $0x800  }
0x95: {  	[sflag:s9] =	ssyncset.done $0x0  }
0x96: {  	[sflag:s9] =	ssyncadd.s32 $0xFFFFF800  }
0x97: {  	[tilespmem:s11], [sflag:$0x1] =	stream.indirect.gather [hbm4b:s4+s10], $0x80, s3, s10, $0xb8;
	[tilespmem:$0x1C400] =	vst v63  }
0x98: {  	_ = 	snop  }
0x99: {  	[tilespmem:s12], [sflag:$0x2] =	stream.indirect.gather [hbm4b:s4+s10], $0x80, s10, s10, $0xb8;
	[tilespmem:$0x1C400] =	vst v63  }
0x9a: {  	s20 =	smov.u32 s25  }
0x9b: {  	[tilespmem:s14], [sflag:$0x3] =	stream.indirect.gather [hbm4b:s4+s10], $0x80, s13, s10, $0xb8;
	[tilespmem:$0x1C400] =	vst v63  }
0x9c: {  	s8 =	smov.u32 s20;
	s20 =	rddreg [dreg:$0x4]  }
0x9d: {  	[tilespmem:s15], [sflag:$0x4] =	stream.indirect.gather [hbm4b:s4+s10], $0x80, s20, s10, $0xb8;
	[tilespmem:$0x1C400] =	vst v63  }
0x9e: {  	_ =	swait.ge [sflag:s16], $0x2000  }
0x9f: {  	[sflag:s16] =	ssyncset.done $0x0  }
0xa0: {  	[sflag:s16] =	ssyncadd.s32 $0xFFFFE000  }
0xa1: {  	_ =	swait.ge [sflag:s17], $0x2000  }
0xa2: {  	[sflag:s17] =	ssyncset.done $0x0  }
0xa3: {  	s20 =	rddreg [dreg:$0x5];
	[sflag:s17] =	ssyncadd.s32 $0xFFFFE000  }
0xa4: {  	[spmem:s1] =	stream.indirect.scatter.add.f32 [tilespmem:s11], [sflag:$0x5], $0x80, s20, s13, $0xb8;
	[tilespmem:$0x1C400] =	vst v63  }
0xa5: {  	_ =	swait.ge [sflag:s9], $0x4000  }
0xa6: {  	[sflag:s9] =	ssyncset.done $0x0  }
0xa7: {  	s7 =	rddreg [dreg:$0x6];
	[sflag:s9] =	ssyncadd.s32 $0xFFFFC000  }
0xa8: {  	[tilespmem:s11], [sflag:$0x1] =	stream.indirect.gather [hbm4b:s4+s10], $0x80, s7, s10, $0xb8;
	[tilespmem:$0x1C400] =	vst v63  }
0xa9: {  	s20 =	rddreg [dreg:$0x7]  }
0xaa: {  	[tilespmem:s12], [sflag:$0x2] =	stream.indirect.gather [hbm4b:s4+s10], $0x80, s20, s10, $0xb8;
	[tilespmem:$0x1C400] =	vst v63  }
0xab: {  	_ =	swait.ge [sflag:s18], $0x2000  }
0xac: {  	[sflag:s18] =	ssyncset.done $0x0  }
0xad: {  	[sflag:s18] =	ssyncadd.s32 $0xFFFFE000  }
0xae: {  	_ =	swait.ge [sflag:s19], $0x2000  }
0xaf: {  	[sflag:s19] =	ssyncset.done $0x0  }
0xb0: {  	s20 =	rddreg [dreg:$0x8];
	[sflag:s19] =	ssyncadd.s32 $0xFFFFE000  }
0xb1: {  	[spmem:s1] =	stream.indirect.scatter.add.f32 [tilespmem:s14], [sflag:$0x5], $0x80, s20, s13, $0xb8;
	[tilespmem:$0x1C400] =	vst v63  }
0xb2: {  	_ =	swait.ge [sflag:s9], $0x4000  }
0xb3: {  	[sflag:s9] =	ssyncset.done $0x0  }
0xb4: {  	s7 =	rddreg [dreg:$0x9];
	[sflag:s9] =	ssyncadd.s32 $0xFFFFC000  }
0xb5: {  	[tilespmem:s14], [sflag:$0x3] =	stream.indirect.gather [hbm4b:s4+s10], $0x80, s7, s10, $0xb8;
	[tilespmem:$0x1C400] =	vst v63  }
0xb6: {  	s20 =	rddreg [dreg:$0xa]  }
0xb7: {  	[tilespmem:s15], [sflag:$0x4] =	stream.indirect.gather [hbm4b:s4+s10], $0x80, s20, s10, $0xb8;
	[tilespmem:$0x1C400] =	vst v63  }
0xb8: {  	_ =	swait.ge [sflag:s16], $0x2000  }
0xb9: {  	[sflag:s16] =	ssyncset.done $0x0  }
0xba: {  	[sflag:s16] =	ssyncadd.s32 $0xFFFFE000  }
0xbb: {  	_ =	swait.ge [sflag:s17], $0x2000  }
0xbc: {  	[sflag:s17] =	ssyncset.done $0x0  }
0xbd: {  	s20 =	simm.s32 $0x500;
	[sflag:s17] =	ssyncadd.s32 $0xFFFFE000  }
0xbe: {  	[spmem:s1] =	stream.indirect.scatter.add.f32 [tilespmem:s11], [sflag:$0x5], $0x80, s20, s13, $0xb8;
	[tilespmem:$0x1C400] =	vst v63  }
0xbf: {  	_ =	swait.ge [sflag:s9], $0x4000  }
0xc0: {  	[sflag:s9] =	ssyncset.done $0x0  }
0xc1: {  	[sflag:s9] =	ssyncadd.s32 $0xFFFFC000  }
0xc2: {  	[tilespmem:s11], [sflag:$0x1] =	stream.indirect.gather [hbm4b:s4+s10], $0x80, s21, s10, $0xb8;
	[tilespmem:$0x1C400] =	vst v63  }
0xc3: {  	_ = 	snop  }
0xc4: {  	[tilespmem:s12], [sflag:$0x2] =	stream.indirect.gather [hbm4b:s4+s10], $0x80, s22, s10, $0xb8;
	[tilespmem:$0x1C400] =	vst v63  }
0xc5: {  	_ =	swait.ge [sflag:s18], $0x2000  }
0xc6: {  	[sflag:s18] =	ssyncset.done $0x0  }
0xc7: {  	[sflag:s18] =	ssyncadd.s32 $0xFFFFE000  }
0xc8: {  	_ =	swait.ge [sflag:s19], $0x2000  }
0xc9: {  	[sflag:s19] =	ssyncset.done $0x0  }
0xca: {  	[sflag:s19] =	ssyncadd.s32 $0xFFFFE000  }
0xcb: {  	[spmem:s1] =	stream.indirect.scatter.add.f32 [tilespmem:s14], [sflag:$0x5], $0x80, s23, s13, $0xb8;
	[tilespmem:$0x1C400] =	vst v63  }
0xcc: {  	_ =	swait.ge [sflag:s9], $0x4000  }
0xcd: {  	[sflag:s9] =	ssyncset.done $0x0  }
0xce: {  	[sflag:s9] =	ssyncadd.s32 $0xFFFFC000  }
0xcf: {  	[tilespmem:s14], [sflag:$0x3] =	stream.indirect.gather [hbm4b:s4+s10], $0x80, s24, s10, $0xb8;
	[tilespmem:$0x1C400] =	vst v63  }
0xd0: {  	_ = 	snop  }
0xd1: {  	[tilespmem:s15], [sflag:$0x4] =	stream.indirect.gather [hbm4b:s4+s10], $0x80, s26, s10, $0xb8;
	[tilespmem:$0x1C400] =	vst v63  }
0xd2: {  	_ =	swait.ge [sflag:s16], $0x2000  }
0xd3: {  	[sflag:s16] =	ssyncset.done $0x0  }
0xd4: {  	[sflag:s16] =	ssyncadd.s32 $0xFFFFE000  }
0xd5: {  	_ =	swait.ge [sflag:s17], $0x2000  }
0xd6: {  	[sflag:s17] =	ssyncset.done $0x0  }
0xd7: {  	[sflag:s17] =	ssyncadd.s32 $0xFFFFE000  }
0xd8: {  	[spmem:s1] =	stream.indirect.scatter.add.f32 [tilespmem:s11], [sflag:$0x5], $0x80, s28, s13, $0xb8;
	[tilespmem:$0x1C400] =	vst v63  }
0xd9: {  	_ =	swait.ge [sflag:s9], $0x4000  }
0xda: {  	[sflag:s9] =	ssyncset.done $0x0  }
0xdb: {  	[sflag:s9] =	ssyncadd.s32 $0xFFFFC000  }
0xdc: {  	[tilespmem:s11], [sflag:$0x1] =	stream.indirect.gather [hbm4b:s4+s10], $0x80, s29, s10, $0xb8;
	[tilespmem:$0x1C400] =	vst v63  }
0xdd: {  	_ = 	snop  }
0xde: {  	[tilespmem:s12], [sflag:$0x2] =	stream.indirect.gather [hbm4b:s4+s10], $0x80, s30, s10, $0xb8;
	[tilespmem:$0x1C400] =	vst v63  }
0xdf: {  	_ =	swait.ge [sflag:s18], $0x2000  }
0xe0: {  	[sflag:s18] =	ssyncset.done $0x0  }
0xe1: {  	[sflag:s18] =	ssyncadd.s32 $0xFFFFE000  }
0xe2: {  	_ =	swait.ge [sflag:s19], $0x2000  }
0xe3: {  	[sflag:s19] =	ssyncset.done $0x0  }
0xe4: {  	[sflag:s19] =	ssyncadd.s32 $0xFFFFE000  }
0xe5: {  	[spmem:s1] =	stream.indirect.scatter.add.f32 [tilespmem:s14], [sflag:$0x5], $0x80, s31, s13, $0xb8;
	[tilespmem:$0x1C400] =	vst v63  }
0xe6: {  	_ =	swait.ge [sflag:s9], $0x4000  }
0xe7: {  	[sflag:s9] =	ssyncset.done $0x0  }
0xe8: {  	[sflag:s9] =	ssyncadd.s32 $0xFFFFC000  }
0xe9: {  	[tilespmem:s14], [sflag:$0x3] =	stream.indirect.gather [hbm4b:s4+s10], $0x80, s0, s10, $0xb8;
	[tilespmem:$0x1C400] =	vst v63  }
0xea: {  	_ = 	snop  }
0xeb: {  	[tilespmem:s15], [sflag:$0x4] =	stream.indirect.gather [hbm4b:s4+s10], $0x80, s2, s10, $0xb8;
	[tilespmem:$0x1C400] =	vst v63  }
0xec: {  	_ =	swait.ge [sflag:s16], $0x2000  }
0xed: {  	[sflag:s16] =	ssyncset.done $0x0  }
0xee: {  	[sflag:s16] =	ssyncadd.s32 $0xFFFFE000  }
0xef: {  	_ =	swait.ge [sflag:s17], $0x2000  }
0xf0: {  	[sflag:s17] =	ssyncset.done $0x0  }
0xf1: {  	[sflag:s17] =	ssyncadd.s32 $0xFFFFE000  }
0xf2: {  	[spmem:s1] =	stream.indirect.scatter.add.f32 [tilespmem:s11], [sflag:$0x5], $0x80, s5, s13, $0xb8;
	[tilespmem:$0x1C400] =	vst v63  }
0xf3: {  	_ =	swait.ge [sflag:s9], $0x4000  }
0xf4: {  	[sflag:s9] =	ssyncset.done $0x0  }
0xf5: {  	[sflag:s9] =	ssyncadd.s32 $0xFFFFC000  }
0xf6: {  	_ =	swait.ge [sflag:s18], $0x2000  }
0xf7: {  	[sflag:s18] =	ssyncset.done $0x0  }
0xf8: {  	[sflag:s18] =	ssyncadd.s32 $0xFFFFE000  }
0xf9: {  	p1 =	sne.s32 s25, $0x900;
	_ =	swait.ge [sflag:s19], $0x2000  }
.Ltmp0:
0xfa: {  	[sflag:s19] =	ssyncset.done $0x0;
	(pc) =	sbr.rel @p1 .LBB2_2-.Ltmp0, $4  }
0xfb: {  	[sflag:s19] =	ssyncadd.s32 $0xFFFFE000  }
0xfc: {  	[spmem:s1] =	stream.indirect.scatter.add.f32 [tilespmem:s14], [sflag:$0x5], $0x80, s6, s13, $0xb8;
	[tilespmem:$0x1C400] =	vst v63  }
0xfd: {  	_ =	swait.ge [sflag:s9], $0x4000  }
0xfe: {  	s25 =	sadd.s32 $0x100, s25;
	s7 =	rddreg [dreg:$0x3];
	[sflag:s9] =	ssyncset.done $0x0  }
0xff: {  	[sflag:s9] =	ssyncadd.s32 $0xFFFFC000;
	s7 =	sadd.s32 s8, s7  }
0x100: {  	[tilespmem:s3], [sflag:$0x5] =	stream.linear.gather [hbm4b:s7+s3], $0x800, $0x38;
	[tilespmem:$0x1C400] =	vst v63  }
0x101: {  	_ =	swait.ge [sflag:s9], $0x800  }
0x102: {  	[sflag:s9] =	ssyncset.done $0x0  }
0x103: {  	[sflag:s9] =	ssyncadd.s32 $0xFFFFF800  }
0x104: {  	[tilespmem:s11], [sflag:$0x1] =	stream.indirect.gather [hbm4b:s4+s10], $0x80, s3, s10, $0xb8;
	[tilespmem:$0x1C400] =	vst v63  }
0x105: {  	_ = 	snop  }
0x106: {  	[tilespmem:s12], [sflag:$0x2] =	stream.indirect.gather [hbm4b:s4+s10], $0x80, s10, s10, $0xb8;
	[tilespmem:$0x1C400] =	vst v63  }
0x107: {  	_ = 	snop  }
0x108: {  	[tilespmem:s14], [sflag:$0x3] =	stream.indirect.gather [hbm4b:s4+s10], $0x80, s13, s10, $0xb8;
	[tilespmem:$0x1C400] =	vst v63  }
0x109: {  	s25 =	rddreg [dreg:$0x4]  }
0x10a: {  	[tilespmem:s15], [sflag:$0x4] =	stream.indirect.gather [hbm4b:s4+s10], $0x80, s25, s10, $0xb8;
	[tilespmem:$0x1C400] =	vst v63  }
0x10b: {  	_ =	swait.ge [sflag:s16], $0x2000  }
0x10c: {  	[sflag:s16] =	ssyncset.done $0x0  }
0x10d: {  	[sflag:s16] =	ssyncadd.s32 $0xFFFFE000  }
0x10e: {  	_ =	swait.ge [sflag:s17], $0x2000  }
0x10f: {  	[sflag:s17] =	ssyncset.done $0x0  }
0x110: {  	s8 =	rddreg [dreg:$0x5];
	[sflag:s17] =	ssyncadd.s32 $0xFFFFE000  }
0x111: {  	[spmem:s1] =	stream.indirect.scatter.add.f32 [tilespmem:s11], [sflag:$0x5], $0x80, s8, s13, $0xb8;
	[tilespmem:$0x1C400] =	vst v63  }
0x112: {  	_ =	swait.ge [sflag:s9], $0x4000  }
0x113: {  	[sflag:s9] =	ssyncset.done $0x0  }
0x114: {  	s20 =	rddreg [dreg:$0x6];
	[sflag:s9] =	ssyncadd.s32 $0xFFFFC000  }
0x115: {  	[tilespmem:s11], [sflag:$0x1] =	stream.indirect.gather [hbm4b:s4+s10], $0x80, s20, s10, $0xb8;
	[tilespmem:$0x1C400] =	vst v63  }
0x116: {  	s25 =	rddreg [dreg:$0x7]  }
0x117: {  	[tilespmem:s12], [sflag:$0x2] =	stream.indirect.gather [hbm4b:s4+s10], $0x80, s25, s10, $0xb8;
	[tilespmem:$0x1C400] =	vst v63  }
0x118: {  	_ =	swait.ge [sflag:s18], $0x2000  }
0x119: {  	[sflag:s18] =	ssyncset.done $0x0  }
0x11a: {  	[sflag:s18] =	ssyncadd.s32 $0xFFFFE000  }
0x11b: {  	_ =	swait.ge [sflag:s19], $0x2000  }
0x11c: {  	[sflag:s19] =	ssyncset.done $0x0  }
0x11d: {  	s8 =	rddreg [dreg:$0x8];
	[sflag:s19] =	ssyncadd.s32 $0xFFFFE000  }
0x11e: {  	[spmem:s1] =	stream.indirect.scatter.add.f32 [tilespmem:s14], [sflag:$0x5], $0x80, s8, s13, $0xb8;
	[tilespmem:$0x1C400] =	vst v63  }
0x11f: {  	_ =	swait.ge [sflag:s9], $0x4000  }
0x120: {  	[sflag:s9] =	ssyncset.done $0x0  }
0x121: {  	s20 =	rddreg [dreg:$0x9];
	[sflag:s9] =	ssyncadd.s32 $0xFFFFC000  }
0x122: {  	[tilespmem:s14], [sflag:$0x3] =	stream.indirect.gather [hbm4b:s4+s10], $0x80, s20, s10, $0xb8;
	[tilespmem:$0x1C400] =	vst v63  }
0x123: {  	s25 =	rddreg [dreg:$0xa]  }
0x124: {  	[tilespmem:s15], [sflag:$0x4] =	stream.indirect.gather [hbm4b:s4+s10], $0x80, s25, s10, $0xb8;
	[tilespmem:$0x1C400] =	vst v63  }
0x125: {  	_ =	swait.ge [sflag:s16], $0x2000  }
0x126: {  	[sflag:s16] =	ssyncset.done $0x0  }
0x127: {  	[sflag:s16] =	ssyncadd.s32 $0xFFFFE000  }
0x128: {  	_ =	swait.ge [sflag:s17], $0x2000  }
0x129: {  	[sflag:s17] =	ssyncset.done $0x0  }
0x12a: {  	s8 =	simm.s32 $0x500;
	[sflag:s17] =	ssyncadd.s32 $0xFFFFE000  }
0x12b: {  	[spmem:s1] =	stream.indirect.scatter.add.f32 [tilespmem:s11], [sflag:$0x5], $0x80, s8, s13, $0xb8;
	[tilespmem:$0x1C400] =	vst v63  }
0x12c: {  	_ =	swait.ge [sflag:s9], $0x4000  }
0x12d: {  	[sflag:s9] =	ssyncset.done $0x0  }
0x12e: {  	[sflag:s9] =	ssyncadd.s32 $0xFFFFC000  }
0x12f: {  	[tilespmem:s11], [sflag:$0x1] =	stream.indirect.gather [hbm4b:s4+s10], $0x80, s21, s10, $0xb8;
	[tilespmem:$0x1C400] =	vst v63  }
0x130: {  	_ = 	snop  }
0x131: {  	[tilespmem:s12], [sflag:$0x2] =	stream.indirect.gather [hbm4b:s4+s10], $0x80, s22, s10, $0xb8;
	[tilespmem:$0x1C400] =	vst v63  }
0x132: {  	_ =	swait.ge [sflag:s18], $0x2000  }
0x133: {  	[sflag:s18] =	ssyncset.done $0x0  }
0x134: {  	[sflag:s18] =	ssyncadd.s32 $0xFFFFE000  }
0x135: {  	_ =	swait.ge [sflag:s19], $0x2000  }
0x136: {  	[sflag:s19] =	ssyncset.done $0x0  }
0x137: {  	[sflag:s19] =	ssyncadd.s32 $0xFFFFE000  }
0x138: {  	[spmem:s1] =	stream.indirect.scatter.add.f32 [tilespmem:s14], [sflag:$0x5], $0x80, s23, s13, $0xb8;
	[tilespmem:$0x1C400] =	vst v63  }
0x139: {  	_ =	swait.ge [sflag:s9], $0x4000  }
0x13a: {  	[sflag:s9] =	ssyncset.done $0x0  }
0x13b: {  	[sflag:s9] =	ssyncadd.s32 $0xFFFFC000  }
0x13c: {  	[tilespmem:s14], [sflag:$0x3] =	stream.indirect.gather [hbm4b:s4+s10], $0x80, s24, s10, $0xb8;
	[tilespmem:$0x1C400] =	vst v63  }
0x13d: {  	_ = 	snop  }
0x13e: {  	[tilespmem:s15], [sflag:$0x4] =	stream.indirect.gather [hbm4b:s4+s10], $0x80, s26, s10, $0xb8;
	[tilespmem:$0x1C400] =	vst v63  }
0x13f: {  	_ =	swait.ge [sflag:s16], $0x2000  }
0x140: {  	[sflag:s16] =	ssyncset.done $0x0  }
0x141: {  	[sflag:s16] =	ssyncadd.s32 $0xFFFFE000  }
0x142: {  	_ =	swait.ge [sflag:s17], $0x2000  }
0x143: {  	[sflag:s17] =	ssyncset.done $0x0  }
0x144: {  	[sflag:s17] =	ssyncadd.s32 $0xFFFFE000  }
0x145: {  	[spmem:s1] =	stream.indirect.scatter.add.f32 [tilespmem:s11], [sflag:$0x5], $0x80, s28, s13, $0xb8;
	[tilespmem:$0x1C400] =	vst v63  }
0x146: {  	_ =	swait.ge [sflag:s9], $0x4000  }
0x147: {  	[sflag:s9] =	ssyncset.done $0x0  }
0x148: {  	[sflag:s9] =	ssyncadd.s32 $0xFFFFC000  }
0x149: {  	[tilespmem:s11], [sflag:$0x1] =	stream.indirect.gather [hbm4b:s4+s10], $0x80, s29, s10, $0xb8;
	[tilespmem:$0x1C400] =	vst v63  }
0x14a: {  	_ = 	snop  }
0x14b: {  	[tilespmem:s12], [sflag:$0x2] =	stream.indirect.gather [hbm4b:s4+s10], $0x80, s30, s10, $0xb8;
	[tilespmem:$0x1C400] =	vst v63  }
0x14c: {  	_ =	swait.ge [sflag:s18], $0x2000  }
0x14d: {  	[sflag:s18] =	ssyncset.done $0x0  }
0x14e: {  	[sflag:s18] =	ssyncadd.s32 $0xFFFFE000  }
0x14f: {  	_ =	swait.ge [sflag:s19], $0x2000  }
0x150: {  	[sflag:s19] =	ssyncset.done $0x0  }
0x151: {  	[sflag:s19] =	ssyncadd.s32 $0xFFFFE000  }
0x152: {  	[spmem:s1] =	stream.indirect.scatter.add.f32 [tilespmem:s14], [sflag:$0x5], $0x80, s31, s13, $0xb8;
	[tilespmem:$0x1C400] =	vst v63  }
0x153: {  	_ =	swait.ge [sflag:s9], $0x4000  }
0x154: {  	[sflag:s9] =	ssyncset.done $0x0  }
0x155: {  	[sflag:s9] =	ssyncadd.s32 $0xFFFFC000  }
0x156: {  	[tilespmem:s14], [sflag:$0x3] =	stream.indirect.gather [hbm4b:s4+s10], $0x80, s0, s10, $0xb8;
	[tilespmem:$0x1C400] =	vst v63  }
0x157: {  	_ = 	snop  }
0x158: {  	[tilespmem:s15], [sflag:$0x4] =	stream.indirect.gather [hbm4b:s4+s10], $0x80, s2, s10, $0xb8;
	[tilespmem:$0x1C400] =	vst v63  }
0x159: {  	_ =	swait.ge [sflag:s16], $0x2000  }
0x15a: {  	[sflag:s16] =	ssyncset.done $0x0  }
0x15b: {  	[sflag:s16] =	ssyncadd.s32 $0xFFFFE000  }
0x15c: {  	_ =	swait.ge [sflag:s17], $0x2000  }
0x15d: {  	[sflag:s17] =	ssyncset.done $0x0  }
0x15e: {  	[sflag:s17] =	ssyncadd.s32 $0xFFFFE000  }
0x15f: {  	[spmem:s1] =	stream.indirect.scatter.add.f32 [tilespmem:s11], [sflag:$0x5], $0x80, s5, s13, $0xb8;
	[tilespmem:$0x1C400] =	vst v63  }
0x160: {  	_ =	swait.ge [sflag:s9], $0x4000  }
0x161: {  	[sflag:s9] =	ssyncset.done $0x0  }
0x162: {  	[sflag:s9] =	ssyncadd.s32 $0xFFFFC000  }
0x163: {  	_ =	swait.ge [sflag:s18], $0x2000  }
0x164: {  	[sflag:s18] =	ssyncset.done $0x0  }
0x165: {  	[sflag:s18] =	ssyncadd.s32 $0xFFFFE000  }
0x166: {  	_ =	swait.ge [sflag:s19], $0x2000  }
0x167: {  	[sflag:s19] =	ssyncset.done $0x0  }
0x168: {  	[sflag:s19] =	ssyncadd.s32 $0xFFFFE000  }
0x169: {  	[spmem:s1] =	stream.indirect.scatter.add.f32 [tilespmem:s14], [sflag:$0x5], $0x80, s6, s13, $0xb8;
	[tilespmem:$0x1C400] =	vst v63  }
0x16a: {  	_ =	swait.ge [sflag:s9], $0x4000  }
0x16b: {  	[sflag:s9] =	ssyncset.done $0x0  }
0x16c: {  	[sflag:s9] =	ssyncadd.s32 $0xFFFFC000  }
0x16d: {  	s20 =	stileid.u32;
	[bflag:$0x0] =	sbarrier.arrive $0xFFFF  }
0x16e: {  	s7 =	sshll.u32 s20, $0x6;
	s25 =	rddreg [dreg:$0xc]  }
0x16f: {  	s7 =	sor.u32 $0x1C05, s7;
	s20 =	rddreg [dreg:$0xf]  }
0x170: {  	[hbm:s25], [sflag:s7] =	dma.local [spmem:s20], $0x2780  }
0x171: {  	_ =	swait.ge [sflag:s9], $0x2780  }
0x172: {  	s20 =	rddreg [dreg:$0x10]  }
0x173: {  	s25 =	rddreg [dreg:$0xd];
	s8 =	sadd.s32 $0x1, s20  }
0x174: {  	p1 =	sne.s32 s8, s25  }
.Ltmp1:
0x175: {  	_ = 	snop;
	(pc) =	sbr.rel @p1 .LBB2_1-.Ltmp1, $3  }
0x176: {  	_ =	sdelay $0x1  }
0x177: {  	[sflag:s9] =	ssyncset.done $0x0  }
0x178: {  	[sflag:s9] =	ssyncadd.s32 $0xFFFFD880  }
0x179: {  	_ =	sfence.sel $0x180000  }
0x17a: {  	[bflag:$0x0] =	sbarrier.arrive $0xFFFF  }
0x17b: {  	_ =	strace $0x9000004A  }
0x17c: {  	[bflag:$0x2] =	sbarrier.arrive $0xFFFF  }
0x17d: {  	s0 =	rddreg [dreg:$0x2]  }
0x17e: {  	s0 =	sadd.s32 @!p0 $0x100000, s0  }
0x17f: {  	[sflag:s0] =	ssyncadd.tile.s32 @!p0 $0x1;
	_ =	shalt  }
.Lfunc_end2:
_tile_overlayer_lowered:
.L_overlay_start_2:
0x180: {  	(tag) =	ssettag $0x2  }
0x181: {  	s0 =	rddreg [dreg:$0x0];
	s2 =	stileid.u32  }
0x182: {  	s1 =	rddreg [dreg:$0x1];
	p0 =	sne.s32 s2, $0x0  }
0x183: {  	s3 =	rddreg [dreg:$0x2];
	[bflag:$0x3] =	sbarrier.arrive $0xFFFF;
	s2 =	simm.s32 @!p0 $0x1C05  }
0x184: {  	[timem:s3], [sflag:s2] =	dma.local @!p0 [hbm:s0], s1  }
0x185: {  	s0 =	simm.s32 @!p0 $0x5  }
0x186: {  	_ =	swait.ge @!p0 [sflag:s0], s1  }
0x187: {  	s1 =	ssub.s32 @!p0 $0x0, s1;
	[sflag:s0] =	ssyncset.done @!p0 $0x0  }
0x188: {  	[sflag:s0] =	ssyncadd.s32 @!p0 s1  }
0x189: {  	[bflag:$0x3] =	sbarrier.arrive $0xFFFF  }
0x18a: {  	_ =	shalt  }

// kernel: kernel.7.cloned.1.call-start
scs
__scs_entry_jumppad:
0x0: {  	(pc) =	sbr.rel $0x88, $3  }
0x1: {  	(tag) =	ssettag $0x0;
	lr =	simm.s32 $0x1  }
0x2: {  	[smem:$0x3F93] =	sst lr;
	_ =	strace $0xD0000000  }
0x3: {  	_ = 	snop  }
0x4: {  	_ = 	snop  }
0x5: {  	_ = 	snop  }
0x6: {  	_ = 	snop  }
0x7: {  	_ = 	snop  }
__scs_overlays_trampoline_lowered:
0x8: {  	[smem:$0x3FA2] =	sst s0  }
0x9: {  	[smem:$0x3FA3] =	sst s1  }
0xa: {  	[smem:$0x3FA4] =	sst s2  }
0xb: {  	[smem:$0x3FA5] =	sst s3  }
0xc: {  	[smem:$0x3FA6] =	sst s4  }
0xd: {  	[smem:$0x3FA7] =	sst s5  }
0xe: {  	[smem:$0x3FA8] =	sst s6  }
0xf: {  	[smem:$0x3FA9] =	sst s7  }
0x10: {  	[smem:$0x3FAA] =	sst s8  }
0x11: {  	[smem:$0x3FAB] =	sst s9;
	s0 =	simm.s32 @!p0 $0x0  }
0x12: {  	s1 =	sld [smem:$0x3F91];
	s0 =	simm.s32 @p0 $0x1  }
0x13: {  	[smem:$0x3FAC] =	sst s0;
	s0 =	simm.s32 @!p1 $0x0  }
0x14: {  	s2 =	sld [smem:$0x3F90];
	s0 =	simm.s32 @p1 $0x1  }
0x15: {  	[smem:$0x3FAD] =	sst s0;
	s0 =	simm.s32 @!p2 $0x0  }
0x16: {  	s3 =	sld [smem:$0x3FDB];
	s0 =	simm.s32 @p2 $0x1  }
0x17: {  	s4 =	simm.s32 $0x1BF5;
	[smem:$0x3FAF] =	sst s0  }
0x18: {  	s0 =	sld [smem:$0x3F92];
	_ =	swait.ge [sflag:s4], $0x0  }
0x19: {  	s7 =	sld [smem:$0x3F93]  }
0x1a: {  	s8 =	sadd.s32 $0xFFFFE003, lr  }
0x1b: {  	s9 =	sadd.s32 $0xFFFFFEF7, lr;
	s5 =	simm.s32 $0xFFFFFFFF;
	p2 =	slt.u32 s8, $0xFFFFF086  }
0x1c: {  	p1 =	slt.u32 s9, $0xF7A;
	s5 =	simm.s32 @!p2 $0x0  }
0x1d: {  	s5 =	simm.s32 @p1 $0x1;
	p0 =	seq.s32 s7, s2  }
0x1e: {  	s7 =	smul.u32 @!p0 $0xF7A, s2;
	p2 =	seq.s32 @!p0 s5, $0x0  }
0x1f: {  	s9 =	smul.u32 $0xF7A, s1;
	s8 =	simm.s32 @!p0 $0x1BF5;
	p2 =	por !p2, p0  }
0x20: {  	[sflag:s8] =	ssyncset.s32 @!p0 $0xFFFFF086;
	s6 =	sadd.s32 @!p0 s3, s7;
	s7 =	simm.s32 @!p0 $0x108  }
0x21: {  	s3 =	sadd.s32 s3, s9;
	s6 =	sadd.s32 @!p0 $0x88, s6;
	s7 =	simm.s32 @p2 $0x1082  }
0x22: {  	[simem:s7], [sflag:s8] =	dma.local @!p0 [hbm:s6], $0xF7A  }
0x23: {  	s9 =	sor.u32 $0xD0000000, s2;
	s6 =	simm.s32 $0x108;
	_ =	swait.ge @!p0 [sflag:s8], $0x0  }
0x24: {  	s3 =	sadd.s32 $0x88, s3;
	s6 =	simm.s32 @!p1 $0x1082;
	[sflag:s4] =	ssyncset.s32 $0xFFFFF086  }
0x25: {  	[simem:s6], [sflag:s4] =	dma.local [hbm:s3], $0xF7A  }
0x26: {  	[smem:$0x3F93] =	sst s1;
	(tag) =	ssettag s2;
	_ =	strace s9  }
0x27: {  	s1 =	sld [smem:$0x3FA3]  }
0x28: {  	s2 =	sld [smem:$0x3FA4]  }
0x29: {  	s4 =	sld [smem:$0x3FA6]  }
0x2a: {  	p0 =	seq.s32 s5, $0x0;
	s5 =	sld [smem:$0x3FA7]  }
0x2b: {  	s6 =	sld [smem:$0x3FA8]  }
0x2c: {  	s7 =	sld [smem:$0x3FA9]  }
0x2d: {  	s3 =	simm.s32 $0x108;
	s8 =	sld [smem:$0x3FAA]  }
0x2e: {  	s3 =	simm.s32 @!p0 $0x1082;
	s9 =	sld [smem:$0x3FAB]  }
0x2f: {  	lr =	sadd.s32 s0, s3;
	s0 =	sld [smem:$0x3FA2]  }
0x30: {  	s3 =	sld [smem:$0x3FA5]  }
0x31: {  	[smem:$0x3FAE] =	sst s10  }
0x32: {  	s10 =	sld [smem:$0x3FAC];
	_ =	sdelay $0x3  }
0x33: {  	p0 =	seq.s32 s10, $0x1;
	s10 =	sld [smem:$0x3FAE];
	_ =	sdelay $0x3  }
0x34: {  	[smem:$0x3FAE] =	sst s10  }
0x35: {  	s10 =	sld [smem:$0x3FAD];
	_ =	sdelay $0x3  }
0x36: {  	p1 =	seq.s32 s10, $0x1;
	s10 =	sld [smem:$0x3FAE];
	_ =	sdelay $0x3  }
0x37: {  	[smem:$0x3FAE] =	sst s10  }
0x38: {  	s10 =	sld [smem:$0x3FAF]  }
0x39: {  	_ = 	snop;
	(pc) =	sbr.ind lr, $3  }
0x3a: {  	_ = 	snop  }
0x3b: {  	_ = 	snop  }
0x3c: {  	p2 =	seq.s32 s10, $0x1;
	s10 =	sld [smem:$0x3FAE]  }
0x3d: {  	_ =	shalt  }
0x3e: {  	_ =	shalt  }
0x3f: {  	_ =	shalt  }
0x40: {  	_ =	shalt  }
0x41: {  	_ =	shalt  }
0x42: {  	_ =	shalt  }
0x43: {  	_ =	shalt  }
0x44: {  	_ =	shalt  }
0x45: {  	_ =	shalt  }
0x46: {  	_ =	shalt  }
0x47: {  	_ =	shalt  }
0x48: {  	_ =	shalt  }
0x49: {  	_ =	shalt  }
0x4a: {  	_ =	shalt  }
0x4b: {  	_ =	shalt  }
0x4c: {  	_ =	shalt  }
0x4d: {  	_ =	shalt  }
0x4e: {  	_ =	shalt  }
0x4f: {  	_ =	shalt  }
0x50: {  	_ =	shalt  }
0x51: {  	_ =	shalt  }
0x52: {  	_ =	shalt  }
0x53: {  	_ =	shalt  }
0x54: {  	_ =	shalt  }
0x55: {  	_ =	shalt  }
0x56: {  	_ =	shalt  }
0x57: {  	_ =	shalt  }
0x58: {  	_ =	shalt  }
0x59: {  	_ =	shalt  }
0x5a: {  	_ =	shalt  }
0x5b: {  	_ =	shalt  }
0x5c: {  	_ =	shalt  }
0x5d: {  	_ =	shalt  }
0x5e: {  	_ =	shalt  }
0x5f: {  	_ =	shalt  }
0x60: {  	_ =	shalt  }
0x61: {  	_ =	shalt  }
0x62: {  	_ =	shalt  }
0x63: {  	_ =	shalt  }
0x64: {  	_ =	shalt  }
0x65: {  	_ =	shalt  }
0x66: {  	_ =	shalt  }
0x67: {  	_ =	shalt  }
0x68: {  	_ =	shalt  }
0x69: {  	_ =	shalt  }
0x6a: {  	_ =	shalt  }
0x6b: {  	_ =	shalt  }
0x6c: {  	_ =	shalt  }
0x6d: {  	_ =	shalt  }
0x6e: {  	_ =	shalt  }
0x6f: {  	_ =	shalt  }
0x70: {  	_ =	shalt  }
0x71: {  	_ =	shalt  }
0x72: {  	_ =	shalt  }
0x73: {  	_ =	shalt  }
0x74: {  	_ =	shalt  }
0x75: {  	_ =	shalt  }
0x76: {  	_ =	shalt  }
0x77: {  	_ =	shalt  }
0x78: {  	_ =	shalt  }
0x79: {  	_ =	shalt  }
0x7a: {  	_ =	shalt  }
0x7b: {  	_ =	shalt  }
0x7c: {  	_ =	shalt  }
0x7d: {  	_ =	shalt  }
0x7e: {  	_ =	shalt  }
0x7f: {  	_ =	shalt  }
0x80: {  	_ =	shalt  }
0x81: {  	_ =	shalt  }
0x82: {  	_ =	shalt  }
0x83: {  	_ =	shalt  }
0x84: {  	_ =	shalt  }
0x85: {  	_ =	shalt  }
0x86: {  	_ =	shalt  }
0x87: {  	_ =	shalt  }
.Lfunc_end0:
.L_simem_size_0:
called_computation_lowered:
.L_overlay_start_0:
0x88: {  	s2 =	sld [smem:$0x3FD9]  }
0x89: {  	s3 =	sld [smem:$0x3FFE];
	_ =	sdelay $0x1  }
0x8a: {  	s1 =	srdreg.scid  }
0x8b: {  	s0 =	sand.u32 $0x1, s1  }
0x8c: {  	s16 =	sshll.u32 s0, $0xA;
	s2 =	sadd.s32 s3, s2  }
0x8d: {  	s2 =	sadd.s32 s2, s16  }
0x8e: {  	[smem:$0x3FBA] =	sst s2  }
0x8f: {  	_ = 	snop  }
0x90: {  	(tm) =	ssettm $0x1  }
0x91: {  	s17 =	sld [smem:$0x3FFB];
	_ =	sdelay $0x3  }
0x92: {  	_ =	strace s17  }
0x93: {  	s2 =	sld [smem:$0x3FFC];
	_ =	sdelay $0x3  }
0x94: {  	_ =	strace s2  }
0x95: {  	s2 =	sld [smem:$0x3FFD];
	_ =	sdelay $0x3  }
0x96: {  	_ =	strace s2  }
0x97: {  	_ =	strace $0x8FFFFFFF  }
0x98: {  	s18 =	sld [smem:$0x3FDB];
	_ =	sdelay $0x1  }
0x99: {  	s19 =	simm.s32 $_scs_section_size  }
0x9a: {  	s4 =	simm.s32 $_size__tile_overlayer_lowered;
	s5 =	simm.s32 $_tile_overlayer_lowered  }
0x9b: {  	s22 =	simm.s32 $0x1BFF;
	s21 =	sshll.u32 s5, $0x1;
	s2 =	sadd.s32 s19, s18  }
0x9c: {  	s6 =	simm.s32 $0x0;
	s20 =	sshll.u32 s4, $0x1;
	s4 =	sadd.s32 s21, s2  }
0x9d: {  	[timem:s6], [sflag:s22] =	dma.local [hbm:s4], s20  }
0x9e: {  	_ =	swait.ge [sflag:s22], s20  }
0x9f: {  	s3 =	ssub.s32 $0x0, s20;
	[sflag:s22] =	ssyncset.done $0x0  }
0xa0: {  	[sflag:s22] =	ssyncadd.s32 s3;
	_ =	sdelay $0x1  }
0xa1: {  	s23 =	simm.s32 $0x1B8B  }
0xa2: {  	_ =	swait.ge [sflag:s23], $0x1  }
0xa3: {  	[sflag:s23] =	ssyncset.done $0x0  }
0xa4: {  	s25 =	simm.s32 $0x1B8E;
	s24 =	sld [smem:$0x3FFE];
	[sflag:s23] =	ssyncadd.s32 $0xFFFFFFFF  }
0xa5: {  	s26 =	simm.s32 $execute0_lowered;
	[smem:$0x3FD2] =	sst s25  }
0xa6: {  	s4 =	sshll.u32 s26, $0x1;
	_ =	strace $0x80000046;
	[dreg:$0x1] =	wrdreg $0xFFFFFFFF  }
0xa7: {  	s28 =	simm.s32 $_size_execute0_lowered;
	s2 =	sadd.s32 s2, s4;
	[dreg:$0x0] =	wrdreg $0x0  }
0xa8: {  	s4 =	sshll.u32 s28, $0x1;
	[dreg:$0x2] =	wrdreg s2  }
0xa9: {  	[dreg:$0x3] =	wrdreg s4  }
0xaa: {  	[dreg:$0x4] =	wrdreg $0xC0  }
0xab: {  	_ =	task [dreg:s6], $0x5FFFF  }
0xac: {  	[dreg:$0x1] =	wrdreg $0xFFFFFFFF  }
0xad: {  	[dreg:$0x0] =	wrdreg $0x60  }
0xae: {  	[dreg:$0x2] =	wrdreg s24  }
0xaf: {  	[dreg:$0x3] =	wrdreg $0x88000  }
0xb0: {  	[dreg:$0x4] =	wrdreg $0x9  }
0xb1: {  	_ =	task.clear_ibuf [dreg:s6], $0x5FFFF;
	_ =	strace $0x90000046  }
0xb2: {  	s29 =	simm.s32 $0x9;
	_ =	strace $0x80000048  }
0xb3: {  	_ =	swait.ge [sflag:s29], $0x1  }
0xb4: {  	[sflag:s29] =	ssyncadd.s32 $0xFFFFFFFF  }
0xb5: {  	_ =	strace $0x90000048  }
0xb6: {  	_ =	sfence  }
0xb7: {  	s30 =	sld [smem:$0x0];
	_ =	sdelay $0x2  }
0xb8: {  	s31 =	sshll.u32 s1, $0xD;
	s1 =	sshrl.u32 s1, $0x2  }
0xb9: {  	s3 =	sand.u32 $0x4000, s31;
	s1 =	sadd.s32 s1, s30  }
0xba: {  	s0 =	sor.u32 s3, s0;
	s1 =	sshll.u32 s1, $0x11  }
0xbb: {  	s0 =	sor.u32 s1, s0  }
0xbc: {  	s0 =	sadd.s32 $0x8F2B, s0  }
0xbd: {  	[sflag:s0] =	ssyncadd.remote.s32 $0x1  }
0xbe: {  	_ =	sfence.sel $0xFFFF  }
0xbf: {  	[dreg:$0x0] =	wrdreg $0xFFFFFFFF;
	(pc) =	sbr.abs _section_cstart, $3  }
0xc0: {  	[dreg:$0x1] =	wrdreg $0xFFFFFFFF  }
0xc1: {  	_ =	task.clear_ibuf [dreg:s6], $0x2FFFF;
	_ =	strace $0x9FFFFFFF  }
0xc2: {  	(tm) =	ssettm $0x7FFFFFFF  }
0xc3: {  	_ =	shalt  }
tec
execute0_lowered:
.L_overlay_start_1:
0x0: {  	(tag) =	ssettag $0x1  }
0x1: {  	s0 =	rddreg [dreg:$0x0]  }
0x2: {  	s1 =	rddreg [dreg:$0x1];
	s9 =	stileid.u32  }
0x3: {  	s2 =	srdreg.scid;
	s3 =	simm.s32 $0x0;
	s11 =	simm.s32 $0x800  }
0x4: {  	s12 =	simm.s32 $0x2800;
	s19 =	simm.s32 $0xC0;
	s13 =	simm.s32 $0x80  }
0x5: {  	s20 =	simm.s32 $0x400;
	s14 =	simm.s32 $0x4800;
	s21 =	simm.s32 $0x100  }
0x6: {  	s15 =	simm.s32 $0x6800;
	s22 =	simm.s32 $0x140;
	s16 =	simm.s32 $0x1  }
0x7: {  	s23 =	simm.s32 $0x480;
	s28 =	simm.s32 $0x600;
	s29 =	simm.s32 $0x300  }
0x8: {  	s30 =	simm.s32 $0x340;
	s31 =	simm.s32 $0x680;
	s5 =	smul.u32 $0x1400, s9  }
0x9: {  	s2 =	sand.u32 $0x1, s2;
	[smem:$0x7FF] =	sst s3;
	s10 =	sadd.s32 $0x3DA00, s0  }
0xa: {  	s7 =	smul.u32 $0x2780, s9;
	_ =	strace $0x80000047;
	[dreg:$0xb] =	wrdreg s10  }
0xb: {  	s4 =	sadd.s32 $0x16200, s0;
	s8 =	smul.u32 $0x4F000, s9;
	[dreg:$0x4] =	wrdreg s19  }
0xc: {  	p0 =	sne.s32 s9, $0x0;
	s9 =	simm.s32 $0x5;
	[dreg:$0x5] =	wrdreg s20  }
0xd: {  	s6 =	smul.u32 $0x27800, s2;
	s24 =	ssub.s32 $0x2, s2;
	[dreg:$0x6] =	wrdreg s21  }
0xe: {  	s2 =	smul.u32 $0xA00, s2;
	s10 =	simm.s32 $0x40;
	[dreg:$0x7] =	wrdreg s22  }
0xf: {  	[dreg:$0x8] =	wrdreg s23;
	s19 =	simm.s32 $0x4;
	s21 =	simm.s32 $0x200  }
0x10: {  	s22 =	simm.s32 $0x240;
	s23 =	simm.s32 $0x580;
	s5 =	sadd.s32 s5, s0  }
0x11: {  	s25 =	sshrl.u32 s24, $0x1;
	s26 =	sshrl.u32 s8, $0x2;
	s6 =	sadd.s32 s7, s6  }
0x12: {  	s2 =	sadd.s32 s2, s5;
	s8 =	sadd.s32 s26, s1;
	s5 =	simm.s32 $0x700  }
0x13: {  	s0 =	sadd.s32 s6, s0;
	s6 =	ssub.s32 s24, s25;
	s17 =	sadd.s32 $0x2200, s2  }
0x14: {  	s24 =	simm.s32 $0x180;
	s25 =	simm.s32 $0x1C0;
	[dreg:$0x3] =	wrdreg s17  }
0x15: {  	s26 =	sshrl.u32 s8, $0x3;
	s2 =	simm.s32 $0x3C0;
	[dreg:$0x9] =	wrdreg s24  }
0x16: {  	s8 =	simm.s32 $0x0;
	s0 =	sadd.s32 $0x65200, s0;
	[dreg:$0xa] =	wrdreg s25  }
0x17: {  	s18 =	smax.u32 s6, $0x1;
	s17 =	simm.s32 $0x2;
	[dreg:$0xf] =	wrdreg s26  }
0x18: {  	s24 =	simm.s32 $0x280;
	s26 =	simm.s32 $0x2C0;
	[dreg:$0xc] =	wrdreg s0  }
0x19: {  	s6 =	simm.s32 $0x780;
	[dreg:$0xd] =	wrdreg s18;
	s0 =	sshrl.u32 @!p0 s1, $0x3  }
0x1a: {  	s18 =	simm.s32 $0x3;
	[dreg:$0xe] =	wrdreg s0;
	s0 =	simm.s32 $0x380  }
.LBB2_1:
0x1b: {  	[dreg:$0x10] =	wrdreg s8  }
0x1c: {  	s8 =	rddreg [dreg:$0xb]  }
0x1d: {  	s7 =	simm.s32 @!p0 $0x1C05;
	s20 =	rddreg [dreg:$0xe]  }
0x1e: {  	[spmem:s20], [sflag:s7] =	dma.local @!p0 [hbm:s8], $0x27800  }
0x1f: {  	s7 =	simm.s32 @!p0 $0x5  }
0x20: {  	_ =	swait.ge @!p0 [sflag:s7], $0x27800  }
0x21: {  	[sflag:s7] =	ssyncset.done @!p0 $0x0  }
0x22: {  	[sflag:s7] =	ssyncadd.s32 @!p0 $0xFFFD8800  }
0x23: {  	[bflag:$0x0] =	sbarrier.arrive $0xFFFF  }
0x24: {  	s8 =	rddreg [dreg:$0x3]  }
0x25: {  	s7 =	sadd.s32 $0x0, s8  }
0x26: {  	[tilespmem:s3], [sflag:$0x5] =	stream.linear.gather [hbm4b:s7+s3], $0x800, $0x38;
	[tilespmem:$0x1C400] =	vst v63  }
0x27: {  	_ =	swait.ge [sflag:s9], $0x800  }
0x28: {  	[sflag:s9] =	ssyncset.done $0x0  }
0x29: {  	[sflag:s9] =	ssyncadd.s32 $0xFFFFF800  }
0x2a: {  	[tilespmem:s11], [sflag:$0x1] =	stream.indirect.gather [hbm4b:s4+s10], $0x80, s3, s10, $0xb8;
	[tilespmem:$0x1C400] =	vst v63  }
0x2b: {  	_ = 	snop  }
0x2c: {  	[tilespmem:s12], [sflag:$0x2] =	stream.indirect.gather [hbm4b:s4+s10], $0x80, s10, s10, $0xb8;
	[tilespmem:$0x1C400] =	vst v63  }
0x2d: {  	_ = 	snop  }
0x2e: {  	[tilespmem:s14], [sflag:$0x3] =	stream.indirect.gather [hbm4b:s4+s10], $0x80, s13, s10, $0xb8;
	[tilespmem:$0x1C400] =	vst v63  }
0x2f: {  	s20 =	rddreg [dreg:$0x4]  }
0x30: {  	[tilespmem:s15], [sflag:$0x4] =	stream.indirect.gather [hbm4b:s4+s10], $0x80, s20, s10, $0xb8;
	[tilespmem:$0x1C400] =	vst v63  }
0x31: {  	_ =	swait.ge [sflag:s16], $0x2000  }
0x32: {  	[sflag:s16] =	ssyncset.done $0x0  }
0x33: {  	[sflag:s16] =	ssyncadd.s32 $0xFFFFE000  }
0x34: {  	_ =	swait.ge [sflag:s17], $0x2000  }
0x35: {  	[sflag:s17] =	ssyncset.done $0x0  }
0x36: {  	s25 =	rddreg [dreg:$0x5];
	[sflag:s17] =	ssyncadd.s32 $0xFFFFE000  }
0x37: {  	[spmem:s1] =	stream.indirect.scatter.add.f32 [tilespmem:s11], [sflag:$0x5], $0x80, s25, s13, $0xb8;
	[tilespmem:$0x1C400] =	vst v63  }
0x38: {  	_ =	swait.ge [sflag:s9], $0x4000  }
0x39: {  	[sflag:s9] =	ssyncset.done $0x0  }
0x3a: {  	s8 =	rddreg [dreg:$0x6];
	[sflag:s9] =	ssyncadd.s32 $0xFFFFC000  }
0x3b: {  	[tilespmem:s11], [sflag:$0x1] =	stream.indirect.gather [hbm4b:s4+s10], $0x80, s8, s10, $0xb8;
	[tilespmem:$0x1C400] =	vst v63  }
0x3c: {  	s20 =	rddreg [dreg:$0x7]  }
0x3d: {  	[tilespmem:s12], [sflag:$0x2] =	stream.indirect.gather [hbm4b:s4+s10], $0x80, s20, s10, $0xb8;
	[tilespmem:$0x1C400] =	vst v63  }
0x3e: {  	_ =	swait.ge [sflag:s18], $0x2000  }
0x3f: {  	[sflag:s18] =	ssyncset.done $0x0  }
0x40: {  	[sflag:s18] =	ssyncadd.s32 $0xFFFFE000  }
0x41: {  	_ =	swait.ge [sflag:s19], $0x2000  }
0x42: {  	[sflag:s19] =	ssyncset.done $0x0  }
0x43: {  	s25 =	rddreg [dreg:$0x8];
	[sflag:s19] =	ssyncadd.s32 $0xFFFFE000  }
0x44: {  	[spmem:s1] =	stream.indirect.scatter.add.f32 [tilespmem:s14], [sflag:$0x5], $0x80, s25, s13, $0xb8;
	[tilespmem:$0x1C400] =	vst v63  }
0x45: {  	_ =	swait.ge [sflag:s9], $0x4000  }
0x46: {  	[sflag:s9] =	ssyncset.done $0x0  }
0x47: {  	s8 =	rddreg [dreg:$0x9];
	[sflag:s9] =	ssyncadd.s32 $0xFFFFC000  }
0x48: {  	[tilespmem:s14], [sflag:$0x3] =	stream.indirect.gather [hbm4b:s4+s10], $0x80, s8, s10, $0xb8;
	[tilespmem:$0x1C400] =	vst v63  }
0x49: {  	s20 =	rddreg [dreg:$0xa]  }
0x4a: {  	[tilespmem:s15], [sflag:$0x4] =	stream.indirect.gather [hbm4b:s4+s10], $0x80, s20, s10, $0xb8;
	[tilespmem:$0x1C400] =	vst v63  }
0x4b: {  	_ =	swait.ge [sflag:s16], $0x2000  }
0x4c: {  	[sflag:s16] =	ssyncset.done $0x0  }
0x4d: {  	[sflag:s16] =	ssyncadd.s32 $0xFFFFE000  }
0x4e: {  	_ =	swait.ge [sflag:s17], $0x2000  }
0x4f: {  	[sflag:s17] =	ssyncset.done $0x0  }
0x50: {  	s25 =	simm.s32 $0x500;
	[sflag:s17] =	ssyncadd.s32 $0xFFFFE000  }
0x51: {  	[spmem:s1] =	stream.indirect.scatter.add.f32 [tilespmem:s11], [sflag:$0x5], $0x80, s25, s13, $0xb8;
	[tilespmem:$0x1C400] =	vst v63  }
0x52: {  	_ =	swait.ge [sflag:s9], $0x4000  }
0x53: {  	[sflag:s9] =	ssyncset.done $0x0  }
0x54: {  	[sflag:s9] =	ssyncadd.s32 $0xFFFFC000  }
0x55: {  	[tilespmem:s11], [sflag:$0x1] =	stream.indirect.gather [hbm4b:s4+s10], $0x80, s21, s10, $0xb8;
	[tilespmem:$0x1C400] =	vst v63  }
0x56: {  	_ = 	snop  }
0x57: {  	[tilespmem:s12], [sflag:$0x2] =	stream.indirect.gather [hbm4b:s4+s10], $0x80, s22, s10, $0xb8;
	[tilespmem:$0x1C400] =	vst v63  }
0x58: {  	_ =	swait.ge [sflag:s18], $0x2000  }
0x59: {  	[sflag:s18] =	ssyncset.done $0x0  }
0x5a: {  	[sflag:s18] =	ssyncadd.s32 $0xFFFFE000  }
0x5b: {  	_ =	swait.ge [sflag:s19], $0x2000  }
0x5c: {  	[sflag:s19] =	ssyncset.done $0x0  }
0x5d: {  	[sflag:s19] =	ssyncadd.s32 $0xFFFFE000  }
0x5e: {  	[spmem:s1] =	stream.indirect.scatter.add.f32 [tilespmem:s14], [sflag:$0x5], $0x80, s23, s13, $0xb8;
	[tilespmem:$0x1C400] =	vst v63  }
0x5f: {  	_ =	swait.ge [sflag:s9], $0x4000  }
0x60: {  	[sflag:s9] =	ssyncset.done $0x0  }
0x61: {  	[sflag:s9] =	ssyncadd.s32 $0xFFFFC000  }
0x62: {  	[tilespmem:s14], [sflag:$0x3] =	stream.indirect.gather [hbm4b:s4+s10], $0x80, s24, s10, $0xb8;
	[tilespmem:$0x1C400] =	vst v63  }
0x63: {  	_ = 	snop  }
0x64: {  	[tilespmem:s15], [sflag:$0x4] =	stream.indirect.gather [hbm4b:s4+s10], $0x80, s26, s10, $0xb8;
	[tilespmem:$0x1C400] =	vst v63  }
0x65: {  	_ =	swait.ge [sflag:s16], $0x2000  }
0x66: {  	[sflag:s16] =	ssyncset.done $0x0  }
0x67: {  	[sflag:s16] =	ssyncadd.s32 $0xFFFFE000  }
0x68: {  	_ =	swait.ge [sflag:s17], $0x2000  }
0x69: {  	[sflag:s17] =	ssyncset.done $0x0  }
0x6a: {  	[sflag:s17] =	ssyncadd.s32 $0xFFFFE000  }
0x6b: {  	[spmem:s1] =	stream.indirect.scatter.add.f32 [tilespmem:s11], [sflag:$0x5], $0x80, s28, s13, $0xb8;
	[tilespmem:$0x1C400] =	vst v63  }
0x6c: {  	_ =	swait.ge [sflag:s9], $0x4000  }
0x6d: {  	[sflag:s9] =	ssyncset.done $0x0  }
0x6e: {  	[sflag:s9] =	ssyncadd.s32 $0xFFFFC000  }
0x6f: {  	[tilespmem:s11], [sflag:$0x1] =	stream.indirect.gather [hbm4b:s4+s10], $0x80, s29, s10, $0xb8;
	[tilespmem:$0x1C400] =	vst v63  }
0x70: {  	_ = 	snop  }
0x71: {  	[tilespmem:s12], [sflag:$0x2] =	stream.indirect.gather [hbm4b:s4+s10], $0x80, s30, s10, $0xb8;
	[tilespmem:$0x1C400] =	vst v63  }
0x72: {  	_ =	swait.ge [sflag:s18], $0x2000  }
0x73: {  	[sflag:s18] =	ssyncset.done $0x0  }
0x74: {  	[sflag:s18] =	ssyncadd.s32 $0xFFFFE000  }
0x75: {  	_ =	swait.ge [sflag:s19], $0x2000  }
0x76: {  	[sflag:s19] =	ssyncset.done $0x0  }
0x77: {  	[sflag:s19] =	ssyncadd.s32 $0xFFFFE000  }
0x78: {  	[spmem:s1] =	stream.indirect.scatter.add.f32 [tilespmem:s14], [sflag:$0x5], $0x80, s31, s13, $0xb8;
	[tilespmem:$0x1C400] =	vst v63  }
0x79: {  	_ =	swait.ge [sflag:s9], $0x4000  }
0x7a: {  	[sflag:s9] =	ssyncset.done $0x0  }
0x7b: {  	[sflag:s9] =	ssyncadd.s32 $0xFFFFC000  }
0x7c: {  	[tilespmem:s14], [sflag:$0x3] =	stream.indirect.gather [hbm4b:s4+s10], $0x80, s0, s10, $0xb8;
	[tilespmem:$0x1C400] =	vst v63  }
0x7d: {  	_ = 	snop  }
0x7e: {  	[tilespmem:s15], [sflag:$0x4] =	stream.indirect.gather [hbm4b:s4+s10], $0x80, s2, s10, $0xb8;
	[tilespmem:$0x1C400] =	vst v63  }
0x7f: {  	_ =	swait.ge [sflag:s16], $0x2000  }
0x80: {  	[sflag:s16] =	ssyncset.done $0x0  }
0x81: {  	[sflag:s16] =	ssyncadd.s32 $0xFFFFE000  }
0x82: {  	_ =	swait.ge [sflag:s17], $0x2000  }
0x83: {  	[sflag:s17] =	ssyncset.done $0x0  }
0x84: {  	[sflag:s17] =	ssyncadd.s32 $0xFFFFE000  }
0x85: {  	[spmem:s1] =	stream.indirect.scatter.add.f32 [tilespmem:s11], [sflag:$0x5], $0x80, s5, s13, $0xb8;
	[tilespmem:$0x1C400] =	vst v63  }
0x86: {  	_ =	swait.ge [sflag:s9], $0x4000  }
0x87: {  	[sflag:s9] =	ssyncset.done $0x0  }
0x88: {  	[sflag:s9] =	ssyncadd.s32 $0xFFFFC000  }
0x89: {  	_ =	swait.ge [sflag:s18], $0x2000  }
0x8a: {  	[sflag:s18] =	ssyncset.done $0x0  }
0x8b: {  	[sflag:s18] =	ssyncadd.s32 $0xFFFFE000  }
0x8c: {  	_ =	swait.ge [sflag:s19], $0x2000  }
0x8d: {  	[sflag:s19] =	ssyncset.done $0x0  }
0x8e: {  	[sflag:s19] =	ssyncadd.s32 $0xFFFFE000  }
0x8f: {  	[spmem:s1] =	stream.indirect.scatter.add.f32 [tilespmem:s14], [sflag:$0x5], $0x80, s6, s13, $0xb8;
	[tilespmem:$0x1C400] =	vst v63  }
0x90: {  	s8 =	simm.s32 $0x100;
	_ =	swait.ge [sflag:s9], $0x4000  }
0x91: {  	s25 =	simm.s32 $0x200;
	s7 =	rddreg [dreg:$0x3];
	[sflag:s9] =	ssyncset.done $0x0  }
.LBB2_2:
0x92: {  	[sflag:s9] =	ssyncadd.s32 $0xFFFFC000;
	s7 =	sadd.s32 s8, s7  }
0x93: {  	[tilespmem:s3], [sflag:$0x5] =	stream.linear.gather [hbm4b:s7+s3], $0x800, $0x38;
	[tilespmem:$0x1C400] =	vst v63  }
0x94: {  	_ =	swait.ge [sflag:s9], $0x800  }
0x95: {  	[sflag:s9] =	ssyncset.done $0x0  }
0x96: {  	[sflag:s9] =	ssyncadd.s32 $0xFFFFF800  }
0x97: {  	[tilespmem:s11], [sflag:$0x1] =	stream.indirect.gather [hbm4b:s4+s10], $0x80, s3, s10, $0xb8;
	[tilespmem:$0x1C400] =	vst v63  }
0x98: {  	_ = 	snop  }
0x99: {  	[tilespmem:s12], [sflag:$0x2] =	stream.indirect.gather [hbm4b:s4+s10], $0x80, s10, s10, $0xb8;
	[tilespmem:$0x1C400] =	vst v63  }
0x9a: {  	s20 =	smov.u32 s25  }
0x9b: {  	[tilespmem:s14], [sflag:$0x3] =	stream.indirect.gather [hbm4b:s4+s10], $0x80, s13, s10, $0xb8;
	[tilespmem:$0x1C400] =	vst v63  }
0x9c: {  	s8 =	smov.u32 s20;
	s20 =	rddreg [dreg:$0x4]  }
0x9d: {  	[tilespmem:s15], [sflag:$0x4] =	stream.indirect.gather [hbm4b:s4+s10], $0x80, s20, s10, $0xb8;
	[tilespmem:$0x1C400] =	vst v63  }
0x9e: {  	_ =	swait.ge [sflag:s16], $0x2000  }
0x9f: {  	[sflag:s16] =	ssyncset.done $0x0  }
0xa0: {  	[sflag:s16] =	ssyncadd.s32 $0xFFFFE000  }
0xa1: {  	_ =	swait.ge [sflag:s17], $0x2000  }
0xa2: {  	[sflag:s17] =	ssyncset.done $0x0  }
0xa3: {  	s20 =	rddreg [dreg:$0x5];
	[sflag:s17] =	ssyncadd.s32 $0xFFFFE000  }
0xa4: {  	[spmem:s1] =	stream.indirect.scatter.add.f32 [tilespmem:s11], [sflag:$0x5], $0x80, s20, s13, $0xb8;
	[tilespmem:$0x1C400] =	vst v63  }
0xa5: {  	_ =	swait.ge [sflag:s9], $0x4000  }
0xa6: {  	[sflag:s9] =	ssyncset.done $0x0  }
0xa7: {  	s7 =	rddreg [dreg:$0x6];
	[sflag:s9] =	ssyncadd.s32 $0xFFFFC000  }
0xa8: {  	[tilespmem:s11], [sflag:$0x1] =	stream.indirect.gather [hbm4b:s4+s10], $0x80, s7, s10, $0xb8;
	[tilespmem:$0x1C400] =	vst v63  }
0xa9: {  	s20 =	rddreg [dreg:$0x7]  }
0xaa: {  	[tilespmem:s12], [sflag:$0x2] =	stream.indirect.gather [hbm4b:s4+s10], $0x80, s20, s10, $0xb8;
	[tilespmem:$0x1C400] =	vst v63  }
0xab: {  	_ =	swait.ge [sflag:s18], $0x2000  }
0xac: {  	[sflag:s18] =	ssyncset.done $0x0  }
0xad: {  	[sflag:s18] =	ssyncadd.s32 $0xFFFFE000  }
0xae: {  	_ =	swait.ge [sflag:s19], $0x2000  }
0xaf: {  	[sflag:s19] =	ssyncset.done $0x0  }
0xb0: {  	s20 =	rddreg [dreg:$0x8];
	[sflag:s19] =	ssyncadd.s32 $0xFFFFE000  }
0xb1: {  	[spmem:s1] =	stream.indirect.scatter.add.f32 [tilespmem:s14], [sflag:$0x5], $0x80, s20, s13, $0xb8;
	[tilespmem:$0x1C400] =	vst v63  }
0xb2: {  	_ =	swait.ge [sflag:s9], $0x4000  }
0xb3: {  	[sflag:s9] =	ssyncset.done $0x0  }
0xb4: {  	s7 =	rddreg [dreg:$0x9];
	[sflag:s9] =	ssyncadd.s32 $0xFFFFC000  }
0xb5: {  	[tilespmem:s14], [sflag:$0x3] =	stream.indirect.gather [hbm4b:s4+s10], $0x80, s7, s10, $0xb8;
	[tilespmem:$0x1C400] =	vst v63  }
0xb6: {  	s20 =	rddreg [dreg:$0xa]  }
0xb7: {  	[tilespmem:s15], [sflag:$0x4] =	stream.indirect.gather [hbm4b:s4+s10], $0x80, s20, s10, $0xb8;
	[tilespmem:$0x1C400] =	vst v63  }
0xb8: {  	_ =	swait.ge [sflag:s16], $0x2000  }
0xb9: {  	[sflag:s16] =	ssyncset.done $0x0  }
0xba: {  	[sflag:s16] =	ssyncadd.s32 $0xFFFFE000  }
0xbb: {  	_ =	swait.ge [sflag:s17], $0x2000  }
0xbc: {  	[sflag:s17] =	ssyncset.done $0x0  }
0xbd: {  	s20 =	simm.s32 $0x500;
	[sflag:s17] =	ssyncadd.s32 $0xFFFFE000  }
0xbe: {  	[spmem:s1] =	stream.indirect.scatter.add.f32 [tilespmem:s11], [sflag:$0x5], $0x80, s20, s13, $0xb8;
	[tilespmem:$0x1C400] =	vst v63  }
0xbf: {  	_ =	swait.ge [sflag:s9], $0x4000  }
0xc0: {  	[sflag:s9] =	ssyncset.done $0x0  }
0xc1: {  	[sflag:s9] =	ssyncadd.s32 $0xFFFFC000  }
0xc2: {  	[tilespmem:s11], [sflag:$0x1] =	stream.indirect.gather [hbm4b:s4+s10], $0x80, s21, s10, $0xb8;
	[tilespmem:$0x1C400] =	vst v63  }
0xc3: {  	_ = 	snop  }
0xc4: {  	[tilespmem:s12], [sflag:$0x2] =	stream.indirect.gather [hbm4b:s4+s10], $0x80, s22, s10, $0xb8;
	[tilespmem:$0x1C400] =	vst v63  }
0xc5: {  	_ =	swait.ge [sflag:s18], $0x2000  }
0xc6: {  	[sflag:s18] =	ssyncset.done $0x0  }
0xc7: {  	[sflag:s18] =	ssyncadd.s32 $0xFFFFE000  }
0xc8: {  	_ =	swait.ge [sflag:s19], $0x2000  }
0xc9: {  	[sflag:s19] =	ssyncset.done $0x0  }
0xca: {  	[sflag:s19] =	ssyncadd.s32 $0xFFFFE000  }
0xcb: {  	[spmem:s1] =	stream.indirect.scatter.add.f32 [tilespmem:s14], [sflag:$0x5], $0x80, s23, s13, $0xb8;
	[tilespmem:$0x1C400] =	vst v63  }
0xcc: {  	_ =	swait.ge [sflag:s9], $0x4000  }
0xcd: {  	[sflag:s9] =	ssyncset.done $0x0  }
0xce: {  	[sflag:s9] =	ssyncadd.s32 $0xFFFFC000  }
0xcf: {  	[tilespmem:s14], [sflag:$0x3] =	stream.indirect.gather [hbm4b:s4+s10], $0x80, s24, s10, $0xb8;
	[tilespmem:$0x1C400] =	vst v63  }
0xd0: {  	_ = 	snop  }
0xd1: {  	[tilespmem:s15], [sflag:$0x4] =	stream.indirect.gather [hbm4b:s4+s10], $0x80, s26, s10, $0xb8;
	[tilespmem:$0x1C400] =	vst v63  }
0xd2: {  	_ =	swait.ge [sflag:s16], $0x2000  }
0xd3: {  	[sflag:s16] =	ssyncset.done $0x0  }
0xd4: {  	[sflag:s16] =	ssyncadd.s32 $0xFFFFE000  }
0xd5: {  	_ =	swait.ge [sflag:s17], $0x2000  }
0xd6: {  	[sflag:s17] =	ssyncset.done $0x0  }
0xd7: {  	[sflag:s17] =	ssyncadd.s32 $0xFFFFE000  }
0xd8: {  	[spmem:s1] =	stream.indirect.scatter.add.f32 [tilespmem:s11], [sflag:$0x5], $0x80, s28, s13, $0xb8;
	[tilespmem:$0x1C400] =	vst v63  }
0xd9: {  	_ =	swait.ge [sflag:s9], $0x4000  }
0xda: {  	[sflag:s9] =	ssyncset.done $0x0  }
0xdb: {  	[sflag:s9] =	ssyncadd.s32 $0xFFFFC000  }
0xdc: {  	[tilespmem:s11], [sflag:$0x1] =	stream.indirect.gather [hbm4b:s4+s10], $0x80, s29, s10, $0xb8;
	[tilespmem:$0x1C400] =	vst v63  }
0xdd: {  	_ = 	snop  }
0xde: {  	[tilespmem:s12], [sflag:$0x2] =	stream.indirect.gather [hbm4b:s4+s10], $0x80, s30, s10, $0xb8;
	[tilespmem:$0x1C400] =	vst v63  }
0xdf: {  	_ =	swait.ge [sflag:s18], $0x2000  }
0xe0: {  	[sflag:s18] =	ssyncset.done $0x0  }
0xe1: {  	[sflag:s18] =	ssyncadd.s32 $0xFFFFE000  }
0xe2: {  	_ =	swait.ge [sflag:s19], $0x2000  }
0xe3: {  	[sflag:s19] =	ssyncset.done $0x0  }
0xe4: {  	[sflag:s19] =	ssyncadd.s32 $0xFFFFE000  }
0xe5: {  	[spmem:s1] =	stream.indirect.scatter.add.f32 [tilespmem:s14], [sflag:$0x5], $0x80, s31, s13, $0xb8;
	[tilespmem:$0x1C400] =	vst v63  }
0xe6: {  	_ =	swait.ge [sflag:s9], $0x4000  }
0xe7: {  	[sflag:s9] =	ssyncset.done $0x0  }
0xe8: {  	[sflag:s9] =	ssyncadd.s32 $0xFFFFC000  }
0xe9: {  	[tilespmem:s14], [sflag:$0x3] =	stream.indirect.gather [hbm4b:s4+s10], $0x80, s0, s10, $0xb8;
	[tilespmem:$0x1C400] =	vst v63  }
0xea: {  	_ = 	snop  }
0xeb: {  	[tilespmem:s15], [sflag:$0x4] =	stream.indirect.gather [hbm4b:s4+s10], $0x80, s2, s10, $0xb8;
	[tilespmem:$0x1C400] =	vst v63  }
0xec: {  	_ =	swait.ge [sflag:s16], $0x2000  }
0xed: {  	[sflag:s16] =	ssyncset.done $0x0  }
0xee: {  	[sflag:s16] =	ssyncadd.s32 $0xFFFFE000  }
0xef: {  	_ =	swait.ge [sflag:s17], $0x2000  }
0xf0: {  	[sflag:s17] =	ssyncset.done $0x0  }
0xf1: {  	[sflag:s17] =	ssyncadd.s32 $0xFFFFE000  }
0xf2: {  	[spmem:s1] =	stream.indirect.scatter.add.f32 [tilespmem:s11], [sflag:$0x5], $0x80, s5, s13, $0xb8;
	[tilespmem:$0x1C400] =	vst v63  }
0xf3: {  	_ =	swait.ge [sflag:s9], $0x4000  }
0xf4: {  	[sflag:s9] =	ssyncset.done $0x0  }
0xf5: {  	[sflag:s9] =	ssyncadd.s32 $0xFFFFC000  }
0xf6: {  	_ =	swait.ge [sflag:s18], $0x2000  }
0xf7: {  	[sflag:s18] =	ssyncset.done $0x0  }
0xf8: {  	[sflag:s18] =	ssyncadd.s32 $0xFFFFE000  }
0xf9: {  	p1 =	sne.s32 s25, $0x900;
	_ =	swait.ge [sflag:s19], $0x2000  }
.Ltmp0:
0xfa: {  	[sflag:s19] =	ssyncset.done $0x0;
	(pc) =	sbr.rel @p1 .LBB2_2-.Ltmp0, $4  }
0xfb: {  	[sflag:s19] =	ssyncadd.s32 $0xFFFFE000  }
0xfc: {  	[spmem:s1] =	stream.indirect.scatter.add.f32 [tilespmem:s14], [sflag:$0x5], $0x80, s6, s13, $0xb8;
	[tilespmem:$0x1C400] =	vst v63  }
0xfd: {  	_ =	swait.ge [sflag:s9], $0x4000  }
0xfe: {  	s25 =	sadd.s32 $0x100, s25;
	s7 =	rddreg [dreg:$0x3];
	[sflag:s9] =	ssyncset.done $0x0  }
0xff: {  	[sflag:s9] =	ssyncadd.s32 $0xFFFFC000;
	s7 =	sadd.s32 s8, s7  }
0x100: {  	[tilespmem:s3], [sflag:$0x5] =	stream.linear.gather [hbm4b:s7+s3], $0x800, $0x38;
	[tilespmem:$0x1C400] =	vst v63  }
0x101: {  	_ =	swait.ge [sflag:s9], $0x800  }
0x102: {  	[sflag:s9] =	ssyncset.done $0x0  }
0x103: {  	[sflag:s9] =	ssyncadd.s32 $0xFFFFF800  }
0x104: {  	[tilespmem:s11], [sflag:$0x1] =	stream.indirect.gather [hbm4b:s4+s10], $0x80, s3, s10, $0xb8;
	[tilespmem:$0x1C400] =	vst v63  }
0x105: {  	_ = 	snop  }
0x106: {  	[tilespmem:s12], [sflag:$0x2] =	stream.indirect.gather [hbm4b:s4+s10], $0x80, s10, s10, $0xb8;
	[tilespmem:$0x1C400] =	vst v63  }
0x107: {  	_ = 	snop  }
0x108: {  	[tilespmem:s14], [sflag:$0x3] =	stream.indirect.gather [hbm4b:s4+s10], $0x80, s13, s10, $0xb8;
	[tilespmem:$0x1C400] =	vst v63  }
0x109: {  	s25 =	rddreg [dreg:$0x4]  }
0x10a: {  	[tilespmem:s15], [sflag:$0x4] =	stream.indirect.gather [hbm4b:s4+s10], $0x80, s25, s10, $0xb8;
	[tilespmem:$0x1C400] =	vst v63  }
0x10b: {  	_ =	swait.ge [sflag:s16], $0x2000  }
0x10c: {  	[sflag:s16] =	ssyncset.done $0x0  }
0x10d: {  	[sflag:s16] =	ssyncadd.s32 $0xFFFFE000  }
0x10e: {  	_ =	swait.ge [sflag:s17], $0x2000  }
0x10f: {  	[sflag:s17] =	ssyncset.done $0x0  }
0x110: {  	s8 =	rddreg [dreg:$0x5];
	[sflag:s17] =	ssyncadd.s32 $0xFFFFE000  }
0x111: {  	[spmem:s1] =	stream.indirect.scatter.add.f32 [tilespmem:s11], [sflag:$0x5], $0x80, s8, s13, $0xb8;
	[tilespmem:$0x1C400] =	vst v63  }
0x112: {  	_ =	swait.ge [sflag:s9], $0x4000  }
0x113: {  	[sflag:s9] =	ssyncset.done $0x0  }
0x114: {  	s20 =	rddreg [dreg:$0x6];
	[sflag:s9] =	ssyncadd.s32 $0xFFFFC000  }
0x115: {  	[tilespmem:s11], [sflag:$0x1] =	stream.indirect.gather [hbm4b:s4+s10], $0x80, s20, s10, $0xb8;
	[tilespmem:$0x1C400] =	vst v63  }
0x116: {  	s25 =	rddreg [dreg:$0x7]  }
0x117: {  	[tilespmem:s12], [sflag:$0x2] =	stream.indirect.gather [hbm4b:s4+s10], $0x80, s25, s10, $0xb8;
	[tilespmem:$0x1C400] =	vst v63  }
0x118: {  	_ =	swait.ge [sflag:s18], $0x2000  }
0x119: {  	[sflag:s18] =	ssyncset.done $0x0  }
0x11a: {  	[sflag:s18] =	ssyncadd.s32 $0xFFFFE000  }
0x11b: {  	_ =	swait.ge [sflag:s19], $0x2000  }
0x11c: {  	[sflag:s19] =	ssyncset.done $0x0  }
0x11d: {  	s8 =	rddreg [dreg:$0x8];
	[sflag:s19] =	ssyncadd.s32 $0xFFFFE000  }
0x11e: {  	[spmem:s1] =	stream.indirect.scatter.add.f32 [tilespmem:s14], [sflag:$0x5], $0x80, s8, s13, $0xb8;
	[tilespmem:$0x1C400] =	vst v63  }
0x11f: {  	_ =	swait.ge [sflag:s9], $0x4000  }
0x120: {  	[sflag:s9] =	ssyncset.done $0x0  }
0x121: {  	s20 =	rddreg [dreg:$0x9];
	[sflag:s9] =	ssyncadd.s32 $0xFFFFC000  }
0x122: {  	[tilespmem:s14], [sflag:$0x3] =	stream.indirect.gather [hbm4b:s4+s10], $0x80, s20, s10, $0xb8;
	[tilespmem:$0x1C400] =	vst v63  }
0x123: {  	s25 =	rddreg [dreg:$0xa]  }
0x124: {  	[tilespmem:s15], [sflag:$0x4] =	stream.indirect.gather [hbm4b:s4+s10], $0x80, s25, s10, $0xb8;
	[tilespmem:$0x1C400] =	vst v63  }
0x125: {  	_ =	swait.ge [sflag:s16], $0x2000  }
0x126: {  	[sflag:s16] =	ssyncset.done $0x0  }
0x127: {  	[sflag:s16] =	ssyncadd.s32 $0xFFFFE000  }
0x128: {  	_ =	swait.ge [sflag:s17], $0x2000  }
0x129: {  	[sflag:s17] =	ssyncset.done $0x0  }
0x12a: {  	s8 =	simm.s32 $0x500;
	[sflag:s17] =	ssyncadd.s32 $0xFFFFE000  }
0x12b: {  	[spmem:s1] =	stream.indirect.scatter.add.f32 [tilespmem:s11], [sflag:$0x5], $0x80, s8, s13, $0xb8;
	[tilespmem:$0x1C400] =	vst v63  }
0x12c: {  	_ =	swait.ge [sflag:s9], $0x4000  }
0x12d: {  	[sflag:s9] =	ssyncset.done $0x0  }
0x12e: {  	[sflag:s9] =	ssyncadd.s32 $0xFFFFC000  }
0x12f: {  	[tilespmem:s11], [sflag:$0x1] =	stream.indirect.gather [hbm4b:s4+s10], $0x80, s21, s10, $0xb8;
	[tilespmem:$0x1C400] =	vst v63  }
0x130: {  	_ = 	snop  }
0x131: {  	[tilespmem:s12], [sflag:$0x2] =	stream.indirect.gather [hbm4b:s4+s10], $0x80, s22, s10, $0xb8;
	[tilespmem:$0x1C400] =	vst v63  }
0x132: {  	_ =	swait.ge [sflag:s18], $0x2000  }
0x133: {  	[sflag:s18] =	ssyncset.done $0x0  }
0x134: {  	[sflag:s18] =	ssyncadd.s32 $0xFFFFE000  }
0x135: {  	_ =	swait.ge [sflag:s19], $0x2000  }
0x136: {  	[sflag:s19] =	ssyncset.done $0x0  }
0x137: {  	[sflag:s19] =	ssyncadd.s32 $0xFFFFE000  }
0x138: {  	[spmem:s1] =	stream.indirect.scatter.add.f32 [tilespmem:s14], [sflag:$0x5], $0x80, s23, s13, $0xb8;
	[tilespmem:$0x1C400] =	vst v63  }
0x139: {  	_ =	swait.ge [sflag:s9], $0x4000  }
0x13a: {  	[sflag:s9] =	ssyncset.done $0x0  }
0x13b: {  	[sflag:s9] =	ssyncadd.s32 $0xFFFFC000  }
0x13c: {  	[tilespmem:s14], [sflag:$0x3] =	stream.indirect.gather [hbm4b:s4+s10], $0x80, s24, s10, $0xb8;
	[tilespmem:$0x1C400] =	vst v63  }
0x13d: {  	_ = 	snop  }
0x13e: {  	[tilespmem:s15], [sflag:$0x4] =	stream.indirect.gather [hbm4b:s4+s10], $0x80, s26, s10, $0xb8;
	[tilespmem:$0x1C400] =	vst v63  }
0x13f: {  	_ =	swait.ge [sflag:s16], $0x2000  }
0x140: {  	[sflag:s16] =	ssyncset.done $0x0  }
0x141: {  	[sflag:s16] =	ssyncadd.s32 $0xFFFFE000  }
0x142: {  	_ =	swait.ge [sflag:s17], $0x2000  }
0x143: {  	[sflag:s17] =	ssyncset.done $0x0  }
0x144: {  	[sflag:s17] =	ssyncadd.s32 $0xFFFFE000  }
0x145: {  	[spmem:s1] =	stream.indirect.scatter.add.f32 [tilespmem:s11], [sflag:$0x5], $0x80, s28, s13, $0xb8;
	[tilespmem:$0x1C400] =	vst v63  }
0x146: {  	_ =	swait.ge [sflag:s9], $0x4000  }
0x147: {  	[sflag:s9] =	ssyncset.done $0x0  }
0x148: {  	[sflag:s9] =	ssyncadd.s32 $0xFFFFC000  }
0x149: {  	[tilespmem:s11], [sflag:$0x1] =	stream.indirect.gather [hbm4b:s4+s10], $0x80, s29, s10, $0xb8;
	[tilespmem:$0x1C400] =	vst v63  }
0x14a: {  	_ = 	snop  }
0x14b: {  	[tilespmem:s12], [sflag:$0x2] =	stream.indirect.gather [hbm4b:s4+s10], $0x80, s30, s10, $0xb8;
	[tilespmem:$0x1C400] =	vst v63  }
0x14c: {  	_ =	swait.ge [sflag:s18], $0x2000  }
0x14d: {  	[sflag:s18] =	ssyncset.done $0x0  }
0x14e: {  	[sflag:s18] =	ssyncadd.s32 $0xFFFFE000  }
0x14f: {  	_ =	swait.ge [sflag:s19], $0x2000  }
0x150: {  	[sflag:s19] =	ssyncset.done $0x0  }
0x151: {  	[sflag:s19] =	ssyncadd.s32 $0xFFFFE000  }
0x152: {  	[spmem:s1] =	stream.indirect.scatter.add.f32 [tilespmem:s14], [sflag:$0x5], $0x80, s31, s13, $0xb8;
	[tilespmem:$0x1C400] =	vst v63  }
0x153: {  	_ =	swait.ge [sflag:s9], $0x4000  }
0x154: {  	[sflag:s9] =	ssyncset.done $0x0  }
0x155: {  	[sflag:s9] =	ssyncadd.s32 $0xFFFFC000  }
0x156: {  	[tilespmem:s14], [sflag:$0x3] =	stream.indirect.gather [hbm4b:s4+s10], $0x80, s0, s10, $0xb8;
	[tilespmem:$0x1C400] =	vst v63  }
0x157: {  	_ = 	snop  }
0x158: {  	[tilespmem:s15], [sflag:$0x4] =	stream.indirect.gather [hbm4b:s4+s10], $0x80, s2, s10, $0xb8;
	[tilespmem:$0x1C400] =	vst v63  }
0x159: {  	_ =	swait.ge [sflag:s16], $0x2000  }
0x15a: {  	[sflag:s16] =	ssyncset.done $0x0  }
0x15b: {  	[sflag:s16] =	ssyncadd.s32 $0xFFFFE000  }
0x15c: {  	_ =	swait.ge [sflag:s17], $0x2000  }
0x15d: {  	[sflag:s17] =	ssyncset.done $0x0  }
0x15e: {  	[sflag:s17] =	ssyncadd.s32 $0xFFFFE000  }
0x15f: {  	[spmem:s1] =	stream.indirect.scatter.add.f32 [tilespmem:s11], [sflag:$0x5], $0x80, s5, s13, $0xb8;
	[tilespmem:$0x1C400] =	vst v63  }
0x160: {  	_ =	swait.ge [sflag:s9], $0x4000  }
0x161: {  	[sflag:s9] =	ssyncset.done $0x0  }
0x162: {  	[sflag:s9] =	ssyncadd.s32 $0xFFFFC000  }
0x163: {  	_ =	swait.ge [sflag:s18], $0x2000  }
0x164: {  	[sflag:s18] =	ssyncset.done $0x0  }
0x165: {  	[sflag:s18] =	ssyncadd.s32 $0xFFFFE000  }
0x166: {  	_ =	swait.ge [sflag:s19], $0x2000  }
0x167: {  	[sflag:s19] =	ssyncset.done $0x0  }
0x168: {  	[sflag:s19] =	ssyncadd.s32 $0xFFFFE000  }
0x169: {  	[spmem:s1] =	stream.indirect.scatter.add.f32 [tilespmem:s14], [sflag:$0x5], $0x80, s6, s13, $0xb8;
	[tilespmem:$0x1C400] =	vst v63  }
0x16a: {  	_ =	swait.ge [sflag:s9], $0x4000  }
0x16b: {  	[sflag:s9] =	ssyncset.done $0x0  }
0x16c: {  	[sflag:s9] =	ssyncadd.s32 $0xFFFFC000  }
0x16d: {  	s20 =	stileid.u32;
	[bflag:$0x0] =	sbarrier.arrive $0xFFFF  }
0x16e: {  	s7 =	sshll.u32 s20, $0x6;
	s25 =	rddreg [dreg:$0xc]  }
0x16f: {  	s7 =	sor.u32 $0x1C05, s7;
	s20 =	rddreg [dreg:$0xf]  }
0x170: {  	[hbm:s25], [sflag:s7] =	dma.local [spmem:s20], $0x2780  }
0x171: {  	_ =	swait.ge [sflag:s9], $0x2780  }
0x172: {  	s20 =	rddreg [dreg:$0x10]  }
0x173: {  	s25 =	rddreg [dreg:$0xd];
	s8 =	sadd.s32 $0x1, s20  }
0x174: {  	p1 =	sne.s32 s8, s25  }
.Ltmp1:
0x175: {  	_ = 	snop;
	(pc) =	sbr.rel @p1 .LBB2_1-.Ltmp1, $3  }
0x176: {  	_ =	sdelay $0x1  }
0x177: {  	[sflag:s9] =	ssyncset.done $0x0  }
0x178: {  	[sflag:s9] =	ssyncadd.s32 $0xFFFFD880  }
0x179: {  	_ =	sfence.sel $0x180000  }
0x17a: {  	[bflag:$0x0] =	sbarrier.arrive $0xFFFF  }
0x17b: {  	_ =	strace $0x90000047  }
0x17c: {  	[bflag:$0x2] =	sbarrier.arrive $0xFFFF  }
0x17d: {  	s0 =	rddreg [dreg:$0x2]  }
0x17e: {  	s0 =	sadd.s32 @!p0 $0x100000, s0  }
0x17f: {  	[sflag:s0] =	ssyncadd.tile.s32 @!p0 $0x1;
	_ =	shalt  }
.Lfunc_end2:
_tile_overlayer_lowered:
.L_overlay_start_2:
0x180: {  	(tag) =	ssettag $0x2  }
0x181: {  	s0 =	rddreg [dreg:$0x0];
	s2 =	stileid.u32  }
0x182: {  	s1 =	rddreg [dreg:$0x1];
	p0 =	sne.s32 s2, $0x0  }
0x183: {  	s3 =	rddreg [dreg:$0x2];
	[bflag:$0x3] =	sbarrier.arrive $0xFFFF;
	s2 =	simm.s32 @!p0 $0x1C05  }
0x184: {  	[timem:s3], [sflag:s2] =	dma.local @!p0 [hbm:s0], s1  }
0x185: {  	s0 =	simm.s32 @!p0 $0x5  }
0x186: {  	_ =	swait.ge @!p0 [sflag:s0], s1  }
0x187: {  	s1 =	ssub.s32 @!p0 $0x0, s1;
	[sflag:s0] =	ssyncset.done @!p0 $0x0  }
0x188: {  	[sflag:s0] =	ssyncadd.s32 @!p0 s1  }
0x189: {  	[bflag:$0x3] =	sbarrier.arrive $0xFFFF  }
0x18a: {  	_ =	shalt  }

</sc_bundles>
